<compile_context>
chip_gen: v7x
topology: tpu7x:2x2x1
jax: 0.10.2.dev20260603
libtpu: 0.0.44.dev20260713+nightly
codegen_flags: <defaults>
</compile_context>

<pallas_src>
import jax
import jax.numpy as jnp
from jax import lax
from jax.experimental import pallas as pl
from jax.experimental.pallas import tpu as pltpu
from jax.experimental.pallas import tpu_sc as plsc

EMB = 64
B = 16384
PITCH = 128
NB = 1000000

NC = 2
NS = 16
NW = NC * NS
ROWS_PER_W = B // NW
CHUNK = 64
NCHUNK = ROWS_PER_W // CHUNK
NGRP = CHUNK // 16

PAD_R = 10000



def _pad_body(in_ref, out_ref):
    out_ref[:, : EMB + 1] = in_ref[...]


def _pad_cls(cls_emb):
    return pl.pallas_call(
        _pad_body,
        grid=(NB // PAD_R,),
        in_specs=[pl.BlockSpec((PAD_R, EMB + 1), lambda i: (i, 0))],
        out_specs=pl.BlockSpec((PAD_R, PITCH), lambda i: (i, 0)),
        out_shape=jax.ShapeDtypeStruct((NB, PITCH), jnp.float32),
    )(cls_emb)


def _sqrt(x):
    xs = jnp.maximum(x, jnp.float32(1e-30))
    i = lax.bitcast_convert_type(xs, jnp.int32)
    i = jnp.int32(0x5F3759DF) - (i >> 1)
    y = lax.bitcast_convert_type(i, jnp.float32)
    for _ in range(3):
        y = y * (jnp.float32(1.5) - jnp.float32(0.5) * xs * y * y)
    return xs * y


def _relu(x):
    return jnp.maximum(x, jnp.float32(0.0))


def _body(cls_hbm, rel_hbm, idx_hbm, out_hbm, idx_v, ridx, bufs, out_v, sem):
    wid = lax.axis_index("s") * NC + lax.axis_index("c")
    iota = lax.iota(jnp.int32, 16)

    def chunk_body(k, _):
        base = wid * ROWS_PER_W + k * CHUNK
        ih = [pltpu.async_copy(idx_hbm.at[j, pl.ds(base, CHUNK)],
                               idx_v.at[j], sem) for j in range(13)]
        for h in ih:
            h.wait()

        def ridx_grp(g, _):
            rows = g * 16 + iota
            for j in range(2):
                idxg = idx_v[11 + j, pl.ds(g * 16, 16)]
                plsc.store_scatter(ridx.at[j], [rows], idxg >> 1)
            return 0

        lax.fori_loop(0, NGRP, ridx_grp, 0)

        handles = []
        for j in range(11):
            handles.append(pltpu.async_copy(
                cls_hbm.at[idx_v.at[j]], bufs.at[j], sem))
        handles.append(pltpu.async_copy(rel_hbm.at[ridx.at[0]], bufs.at[11], sem))
        handles.append(pltpu.async_copy(rel_hbm.at[ridx.at[1]], bufs.at[12], sem))
        for h in handles:
            h.wait()

        def group_body(g, _):
            rows = g * 16 + iota
            ro = [(idx_v[11 + j, pl.ds(g * 16, 16)] & 1) << 6 for j in range(2)]

            def d_body(dd, a):
                col = jnp.full((16,), dd, dtype=jnp.int32)
                ld = lambda j: plsc.load_gather(bufs.at[j], [rows, col])
                c1, d1 = ld(0), ld(1)
                x1, x2, x3 = ld(2), ld(3), ld(4)
                c3, d3 = ld(5), ld(6)
                c4, d4 = ld(7), ld(8)
                c5, d5 = ld(9), ld(10)
                r3 = plsc.load_gather(bufs.at[11], [rows, ro[0] + dd])
                r4 = plsc.load_gather(bufs.at[12], [rows, ro[1] + dd])
                t1 = c1 - d1
                u, v, w2 = x2 - x1, x3 - x1, x3 - x2
                s3 = c3 + r3
                t3 = s3 - d3
                s4 = c4 - r4
                t4 = d4 - s4
                t5 = d5 - c5
                return (a[0] + t1 * t1, a[1] + c1 * c1, a[2] + d1 * d1,
                        a[3] + u * u, a[4] + v * v, a[5] + w2 * w2,
                        a[6] + x1 * x1, a[7] + x2 * x2, a[8] + x3 * x3,
                        a[9] + t3 * t3, a[10] + s3 * s3, a[11] + d3 * d3,
                        a[12] + t4 * t4, a[13] + s4 * s4, a[14] + d4 * d4,
                        a[15] + t5 * t5, a[16] + c5 * c5, a[17] + d5 * d5)

            zero = jnp.zeros((16,), jnp.float32)
            a = lax.fori_loop(0, EMB, d_body, (zero,) * 18)

            col64 = jnp.full((16,), EMB, dtype=jnp.int32)
            rad = lambda j: jnp.abs(plsc.load_gather(bufs.at[j], [rows, col64]))
            rc1, rd1 = rad(0), rad(1)
            rc2, rd2 = rad(2), rad(3)
            rc3, rd3 = rad(5), rad(6)
            rc4, rd4 = rad(7), rad(8)
            rc5, rd5 = rad(9), rad(10)

            one = jnp.float32(1.0)
            loss1 = (_relu(_sqrt(a[0]) + rc1 - rd1)
                     + jnp.abs(_sqrt(a[1]) - one) + jnp.abs(_sqrt(a[2]) - one))
            sr2 = rc2 + rd2
            loss2 = (_relu(_sqrt(a[3]) - sr2) + _relu(_sqrt(a[4]) - rc2)
                     + _relu(_sqrt(a[5]) - rd2)
                     + _relu(jnp.maximum(rc2, rd2) - rd2)
                     + jnp.abs(_sqrt(a[6]) - one) + jnp.abs(_sqrt(a[7]) - one)
                     + jnp.abs(_sqrt(a[8]) - one))
            loss3 = (_relu(_sqrt(a[9]) + rc3 - rd3)
                     + jnp.abs(_sqrt(a[10]) - one) + jnp.abs(_sqrt(a[11]) - one))
            loss4 = (_relu(_sqrt(a[12]) - (rc4 + rd4))
                     + jnp.abs(_sqrt(a[13]) - one) + jnp.abs(_sqrt(a[14]) - one))
            loss5 = (_relu(rc5 + rd5 - _sqrt(a[15]) - jnp.float32(0.1))
                     + jnp.abs(_sqrt(a[16]) - one) + jnp.abs(_sqrt(a[17]) - one))
            total = loss1 + loss2 + loss3 + loss4 + loss5
            plsc.store_scatter(out_v, [rows], total)
            return 0

        lax.fori_loop(0, NGRP, group_body, 0)
        pltpu.sync_copy(out_v, out_hbm.at[pl.ds(base, CHUNK)])
        return 0

    lax.fori_loop(0, NCHUNK, chunk_body, 0)


@jax.jit
def _run(cls_pad, rel_view, idx_all):
    mesh = plsc.VectorSubcoreMesh(core_axis_name="c", subcore_axis_name="s")
    scratch = [
        pltpu.VMEM((13, CHUNK), jnp.int32),
        pltpu.VMEM((2, CHUNK), jnp.int32),
        pltpu.VMEM((13, CHUNK, PITCH), jnp.float32),
        pltpu.VMEM((CHUNK,), jnp.float32),
        pltpu.SemaphoreType.DMA,
    ]
    return pl.kernel(
        _body,
        out_type=jax.ShapeDtypeStruct((B,), jnp.float32),
        mesh=mesh,
        scratch_types=scratch,
        compiler_params=pltpu.CompilerParams(
            needs_layout_passes=False, use_tc_tiling_on_sc=True),
    )(cls_pad, rel_view, idx_all)


def kernel(nf1, nf2, nf3, nf4, dis, cls_emb, rel_emb):
    cls_pad = _pad_cls(cls_emb)
    rel_view = rel_emb.reshape(NB * EMB // PITCH, PITCH)
    idx_all = jnp.stack([
        nf1[:, 0], nf1[:, 1],
        nf2[:, 0], nf2[:, 1], nf2[:, 2],
        nf3[:, 0], nf3[:, 2],
        nf4[:, 1], nf4[:, 2],
        dis[:, 0], dis[:, 1],
        nf3[:, 1], nf4[:, 0],
    ], axis=0)
    return _run(cls_pad, rel_view, idx_all).reshape(B, 1)

# --- scband reference (transcript-rebuilt; emitter-appended) ---
"""Pipeline reference for scband-elmodel-56719338111505 (READ-ONLY COPY).

The authoritative reference and input builder live on the scoring server;
editing this copy changes nothing except your own understanding.
"""

import jax, jax.numpy as jnp
import numpy as np

NB_CLASSES = 1000000
NB_RELATIONS = 1000000
EMB = 64
B = 16384


def setup_inputs(seed: int = 0) -> dict:
    key = jax.random.key(seed)
    ks = jax.random.split(key, 7)
    nf1 = jax.random.randint(ks[0], (B, 2), 0, NB_CLASSES, dtype=jnp.int32)
    nf2 = jax.random.randint(ks[1], (B, 3), 0, NB_CLASSES, dtype=jnp.int32)
    nf3 = jax.random.randint(ks[2], (B, 3), 0, NB_CLASSES, dtype=jnp.int32)
    nf4 = jax.random.randint(ks[3], (B, 3), 0, NB_CLASSES, dtype=jnp.int32)
    dis = jax.random.randint(ks[4], (B, 2), 0, NB_CLASSES, dtype=jnp.int32)
    cls_emb = jax.random.normal(ks[5], (NB_CLASSES, EMB + 1), dtype=jnp.float32) * 0.05
    rel_emb = jax.random.normal(ks[6], (NB_RELATIONS, EMB), dtype=jnp.float32) * 0.05
    return {"nf1": nf1, "nf2": nf2, "nf3": nf3, "nf4": nf4, "dis": dis,
            "cls_emb": cls_emb, "rel_emb": rel_emb}


def _ball_loss(c, d):
    rc = jnp.abs(c[:, -1])
    rd = jnp.abs(d[:, -1])
    cc = c[:, 0:-1]
    dd = d[:, 0:-1]
    euc = jnp.linalg.norm(cc - dd, axis=1)
    dst = jax.nn.relu(euc + rc - rd).reshape(-1, 1)
    reg = jnp.abs(jnp.linalg.norm(cc, axis=1) - 1) + jnp.abs(jnp.linalg.norm(dd, axis=1) - 1)
    reg = reg.reshape(-1, 1)
    return dst + reg


def _nf1_loss(nf1, cls_emb):
    c = jnp.take(cls_emb, nf1[:, 0], axis=0)
    d = jnp.take(cls_emb, nf1[:, 1], axis=0)
    return _ball_loss(c, d)


def _nf2_loss(nf2, cls_emb):
    c = jnp.take(cls_emb, nf2[:, 0], axis=0)
    d = jnp.take(cls_emb, nf2[:, 1], axis=0)
    e = jnp.take(cls_emb, nf2[:, 2], axis=0)
    rc = jnp.abs(c[:, -1]).reshape(-1, 1)
    rd = jnp.abs(d[:, -1]).reshape(-1, 1)
    re = jnp.abs(d[:, -1]).reshape(-1, 1)  # faithful to original (uses d, not e)
    sr = rc + rd
    x1 = c[:, 0:-1]
    x2 = d[:, 0:-1]
    x3 = e[:, 0:-1]
    x = x2 - x1
    dst = jnp.linalg.norm(x, axis=1).reshape(-1, 1)
    dst2 = jnp.linalg.norm(x3 - x1, axis=1).reshape(-1, 1)
    dst3 = jnp.linalg.norm(x3 - x2, axis=1).reshape(-1, 1)
    rdst = jax.nn.relu(jnp.maximum(rc, rd) - re)
    dst_loss = jax.nn.relu(dst - sr) + jax.nn.relu(dst2 - rc) + jax.nn.relu(dst3 - rd) + rdst
    reg = (jnp.abs(jnp.linalg.norm(x1, axis=1) - 1)
           + jnp.abs(jnp.linalg.norm(x2, axis=1) - 1)
           + jnp.abs(jnp.linalg.norm(x3, axis=1) - 1)).reshape(-1, 1)
    return dst_loss + reg


def _nf3_loss(nf3, cls_emb, rel_emb):
    c = jnp.take(cls_emb, nf3[:, 0], axis=0)
    r = jnp.take(rel_emb, nf3[:, 1], axis=0)
    d = jnp.take(cls_emb, nf3[:, 2], axis=0)
    r = jnp.concatenate([r, jnp.zeros((r.shape[0], 1), dtype=jnp.float32)], axis=1)
    c = c + r
    return _ball_loss(c, d)


def _nf4_loss(nf4, cls_emb, rel_emb):
    r = jnp.take(rel_emb, nf4[:, 0], axis=0)
    c = jnp.take(cls_emb, nf4[:, 1], axis=0)
    d = jnp.take(cls_emb, nf4[:, 2], axis=0)
    r = jnp.concatenate([r, jnp.zeros((r.shape[0], 1), dtype=jnp.float32)], axis=1)
    c = c - r
    rc = jnp.abs(c[:, -1]).reshape(-1, 1)
    rd = jnp.abs(d[:, -1]).reshape(-1, 1)
    sr = rc + rd
    x1 = c[:, 0:-1]
    x2 = d[:, 0:-1]
    x = x2 - x1
    dst = jnp.linalg.norm(x, axis=1).reshape(-1, 1)
    dst_loss = jax.nn.relu(dst - sr)
    reg = (jnp.abs(jnp.linalg.norm(x1, axis=1) - 1)
           + jnp.abs(jnp.linalg.norm(x2, axis=1) - 1)).reshape(-1, 1)
    return dst_loss + reg


def _dis_loss(dis, cls_emb, margin=0.1):
    c = jnp.take(cls_emb, dis[:, 0], axis=0)
    d = jnp.take(cls_emb, dis[:, 1], axis=0)
    rc = jnp.abs(c[:, -1]).reshape(-1, 1)
    rd = jnp.abs(d[:, -1]).reshape(-1, 1)
    sr = rc + rd
    x1 = c[:, 0:-1]
    x2 = d[:, 0:-1]
    x = x2 - x1
    dst = jnp.linalg.norm(x, axis=1).reshape(-1, 1)
    reg = (jnp.abs(jnp.linalg.norm(x1, axis=1) - 1)
           + jnp.abs(jnp.linalg.norm(x2, axis=1) - 1)).reshape(-1, 1)
    return jax.nn.relu(sr - dst - margin) + reg


def reference(nf1, nf2, nf3, nf4, dis, cls_emb, rel_emb):
    loss1 = _nf1_loss(nf1, cls_emb)
    loss2 = _nf2_loss(nf2, cls_emb)
    loss3 = _nf3_loss(nf3, cls_emb, rel_emb)
    loss4 = _nf4_loss(nf4, cls_emb, rel_emb)
    loss_dis = _dis_loss(dis, cls_emb)
    return loss1 + loss2 + loss3 + loss4 + loss_dis

if __name__ == "__main__":
    import jax
    _d = setup_inputs()
    print(jax.jit(kernel)(*tuple(_d.values())))

</pallas_src>

<mosaic_0001>
#map = affine_map<(d0, d1) -> (0, 0)>
#map1 = affine_map<(d0, d1) -> (0)>
module attributes {stable_mosaic.version = 14 : i64} {
  func.func @_body(%arg0: i32, %arg1: i32, %arg2: memref<1000000x128xf32, #tpu.memory_space<hbm>>, %arg3: memref<500000x128xf32, #tpu.memory_space<hbm>>, %arg4: memref<13x16384xi32, #tpu.memory_space<hbm>>, %arg5: memref<16384xf32, #tpu.memory_space<hbm>>, %arg6: memref<13x64xi32, #tpu.memory_space<vmem>>, %arg7: memref<2x64xi32, #tpu.memory_space<vmem>>, %arg8: memref<13x64x128xf32, #tpu.memory_space<vmem>>, %arg9: memref<64xf32, #tpu.memory_space<vmem>>, %arg10: memref<!tpu.dma_semaphore, #tpu.memory_space<semaphore_mem>>) attributes {dimension_semantics = [#tpu.dimension_semantics<core_parallel>, #tpu.dimension_semantics<subcore_parallel>], iteration_bounds = array<i64: 2, 16>, scalar_prefetch = 0 : i64, scratch_operands = 5 : i64, tpu.core_type = #tpu.core_type<sc_vector_subcore>, window_params = [{transform_indices = #map}, {transform_indices = #map}, {transform_indices = #map}, {transform_indices = #map1}]} {
    %mul3A = arith.constant 2 : i32
    %mul3A_0 = arith.muli %arg1, %mul3A : i32
    %add3A = arith.addi %mul3A_0, %arg0 : i32
    %iota3A = tpu.iota {dimensions = array<i32: 0>} : vector<16xi32>
    %scan3A = arith.constant 0 : i32
    %scan3A_1 = arith.constant 0 : i32
    %scan3A_2 = arith.constant 8 : i32
    %scan3A_3 = arith.addi %scan3A_1, %scan3A_2 : i32
    %scan3A_4 = arith.constant 1 : i32
    %scan3A_5 = scf.for %scan3A_7 = %scan3A_1 to %scan3A_3 step %scan3A_4 iter_args(%scan3A_8 = %scan3A) -> (i32)  : i32 {
      %mul3A_9 = arith.constant 512 : i32
      %mul3A_10 = arith.muli %add3A, %mul3A_9 : i32
      %mul3A_11 = arith.constant 64 : i32
      %mul3A_12 = arith.muli %scan3A_7, %mul3A_11 : i32
      %add3A_13 = arith.addi %mul3A_10, %mul3A_12 : i32
      %dma_start3A = arith.constant 0 : i32
      %dma_start3A_14 = arith.constant 0 : i32
      %dma_start3A_15 = arith.constant 0 : i32
      %dma_start3A_16 = tpu.memref_slice %arg6[%dma_start3A_14, %dma_start3A_15] : memref<13x64xi32, #tpu.memory_space<vmem>> -> memref<1x64xi32, #tpu.memory_space<vmem>>
      %dma_start3A_17 = tpu.memref_squeeze %dma_start3A_16 : memref<1x64xi32, #tpu.memory_space<vmem>> -> memref<64xi32, #tpu.memory_space<vmem>>
      %dma_start3A_18 = tpu.memref_slice %arg4[%dma_start3A, %add3A_13] : memref<13x16384xi32, #tpu.memory_space<hbm>> -> memref<1x64xi32, #tpu.memory_space<hbm>>
      %dma_start3A_19 = tpu.memref_squeeze %dma_start3A_18 : memref<1x64xi32, #tpu.memory_space<hbm>> -> memref<64xi32, #tpu.memory_space<hbm>>
      %dma_start3A_20 = arith.constant 0 : i32
      %dma_start3A_21 = tpu.memref_slice %arg6[%dma_start3A_14, %dma_start3A_20] : memref<13x64xi32, #tpu.memory_space<vmem>> -> memref<1x64xi32, #tpu.memory_space<vmem>>
      %dma_start3A_22 = tpu.memref_squeeze %dma_start3A_21 : memref<1x64xi32, #tpu.memory_space<vmem>> -> memref<64xi32, #tpu.memory_space<vmem>>
      %dma_start3A_23 = tpu.memref_slice %arg4[%dma_start3A, %add3A_13] : memref<13x16384xi32, #tpu.memory_space<hbm>> -> memref<1x64xi32, #tpu.memory_space<hbm>>
      %dma_start3A_24 = tpu.memref_squeeze %dma_start3A_23 : memref<1x64xi32, #tpu.memory_space<hbm>> -> memref<64xi32, #tpu.memory_space<hbm>>
      tpu.enqueue_dma source(%dma_start3A_24 : memref<64xi32, #tpu.memory_space<hbm>>) target(%dma_start3A_22 : memref<64xi32, #tpu.memory_space<vmem>>) target_semaphore(%arg10 : memref<!tpu.dma_semaphore, #tpu.memory_space<semaphore_mem>>)
      %dma_start3A_25 = arith.constant 1 : i32
      %dma_start3A_26 = arith.constant 1 : i32
      %dma_start3A_27 = arith.constant 0 : i32
      %dma_start3A_28 = tpu.memref_slice %arg6[%dma_start3A_26, %dma_start3A_27] : memref<13x64xi32, #tpu.memory_space<vmem>> -> memref<1x64xi32, #tpu.memory_space<vmem>>
      %dma_start3A_29 = tpu.memref_squeeze %dma_start3A_28 : memref<1x64xi32, #tpu.memory_space<vmem>> -> memref<64xi32, #tpu.memory_space<vmem>>
      %dma_start3A_30 = tpu.memref_slice %arg4[%dma_start3A_25, %add3A_13] : memref<13x16384xi32, #tpu.memory_space<hbm>> -> memref<1x64xi32, #tpu.memory_space<hbm>>
      %dma_start3A_31 = tpu.memref_squeeze %dma_start3A_30 : memref<1x64xi32, #tpu.memory_space<hbm>> -> memref<64xi32, #tpu.memory_space<hbm>>
      %dma_start3A_32 = arith.constant 0 : i32
      %dma_start3A_33 = tpu.memref_slice %arg6[%dma_start3A_26, %dma_start3A_32] : memref<13x64xi32, #tpu.memory_space<vmem>> -> memref<1x64xi32, #tpu.memory_space<vmem>>
      %dma_start3A_34 = tpu.memref_squeeze %dma_start3A_33 : memref<1x64xi32, #tpu.memory_space<vmem>> -> memref<64xi32, #tpu.memory_space<vmem>>
      %dma_start3A_35 = tpu.memref_slice %arg4[%dma_start3A_25, %add3A_13] : memref<13x16384xi32, #tpu.memory_space<hbm>> -> memref<1x64xi32, #tpu.memory_space<hbm>>
      %dma_start3A_36 = tpu.memref_squeeze %dma_start3A_35 : memref<1x64xi32, #tpu.memory_space<hbm>> -> memref<64xi32, #tpu.memory_space<hbm>>
      tpu.enqueue_dma source(%dma_start3A_36 : memref<64xi32, #tpu.memory_space<hbm>>) target(%dma_start3A_34 : memref<64xi32, #tpu.memory_space<vmem>>) target_semaphore(%arg10 : memref<!tpu.dma_semaphore, #tpu.memory_space<semaphore_mem>>)
      %dma_start3A_37 = arith.constant 2 : i32
      %dma_start3A_38 = arith.constant 2 : i32
      %dma_start3A_39 = arith.constant 0 : i32
      %dma_start3A_40 = tpu.memref_slice %arg6[%dma_start3A_38, %dma_start3A_39] : memref<13x64xi32, #tpu.memory_space<vmem>> -> memref<1x64xi32, #tpu.memory_space<vmem>>
      %dma_start3A_41 = tpu.memref_squeeze %dma_start3A_40 : memref<1x64xi32, #tpu.memory_space<vmem>> -> memref<64xi32, #tpu.memory_space<vmem>>
      %dma_start3A_42 = tpu.memref_slice %arg4[%dma_start3A_37, %add3A_13] : memref<13x16384xi32, #tpu.memory_space<hbm>> -> memref<1x64xi32, #tpu.memory_space<hbm>>
      %dma_start3A_43 = tpu.memref_squeeze %dma_start3A_42 : memref<1x64xi32, #tpu.memory_space<hbm>> -> memref<64xi32, #tpu.memory_space<hbm>>
      %dma_start3A_44 = arith.constant 0 : i32
      %dma_start3A_45 = tpu.memref_slice %arg6[%dma_start3A_38, %dma_start3A_44] : memref<13x64xi32, #tpu.memory_space<vmem>> -> memref<1x64xi32, #tpu.memory_space<vmem>>
      %dma_start3A_46 = tpu.memref_squeeze %dma_start3A_45 : memref<1x64xi32, #tpu.memory_space<vmem>> -> memref<64xi32, #tpu.memory_space<vmem>>
      %dma_start3A_47 = tpu.memref_slice %arg4[%dma_start3A_37, %add3A_13] : memref<13x16384xi32, #tpu.memory_space<hbm>> -> memref<1x64xi32, #tpu.memory_space<hbm>>
      %dma_start3A_48 = tpu.memref_squeeze %dma_start3A_47 : memref<1x64xi32, #tpu.memory_space<hbm>> -> memref<64xi32, #tpu.memory_space<hbm>>
      tpu.enqueue_dma source(%dma_start3A_48 : memref<64xi32, #tpu.memory_space<hbm>>) target(%dma_start3A_46 : memref<64xi32, #tpu.memory_space<vmem>>) target_semaphore(%arg10 : memref<!tpu.dma_semaphore, #tpu.memory_space<semaphore_mem>>)
      %dma_start3A_49 = arith.constant 3 : i32
      %dma_start3A_50 = arith.constant 3 : i32
      %dma_start3A_51 = arith.constant 0 : i32
      %dma_start3A_52 = tpu.memref_slice %arg6[%dma_start3A_50, %dma_start3A_51] : memref<13x64xi32, #tpu.memory_space<vmem>> -> memref<1x64xi32, #tpu.memory_space<vmem>>
      %dma_start3A_53 = tpu.memref_squeeze %dma_start3A_52 : memref<1x64xi32, #tpu.memory_space<vmem>> -> memref<64xi32, #tpu.memory_space<vmem>>
      %dma_start3A_54 = tpu.memref_slice %arg4[%dma_start3A_49, %add3A_13] : memref<13x16384xi32, #tpu.memory_space<hbm>> -> memref<1x64xi32, #tpu.memory_space<hbm>>
      %dma_start3A_55 = tpu.memref_squeeze %dma_start3A_54 : memref<1x64xi32, #tpu.memory_space<hbm>> -> memref<64xi32, #tpu.memory_space<hbm>>
      %dma_start3A_56 = arith.constant 0 : i32
      %dma_start3A_57 = tpu.memref_slice %arg6[%dma_start3A_50, %dma_start3A_56] : memref<13x64xi32, #tpu.memory_space<vmem>> -> memref<1x64xi32, #tpu.memory_space<vmem>>
      %dma_start3A_58 = tpu.memref_squeeze %dma_start3A_57 : memref<1x64xi32, #tpu.memory_space<vmem>> -> memref<64xi32, #tpu.memory_space<vmem>>
      %dma_start3A_59 = tpu.memref_slice %arg4[%dma_start3A_49, %add3A_13] : memref<13x16384xi32, #tpu.memory_space<hbm>> -> memref<1x64xi32, #tpu.memory_space<hbm>>
      %dma_start3A_60 = tpu.memref_squeeze %dma_start3A_59 : memref<1x64xi32, #tpu.memory_space<hbm>> -> memref<64xi32, #tpu.memory_space<hbm>>
      tpu.enqueue_dma source(%dma_start3A_60 : memref<64xi32, #tpu.memory_space<hbm>>) target(%dma_start3A_58 : memref<64xi32, #tpu.memory_space<vmem>>) target_semaphore(%arg10 : memref<!tpu.dma_semaphore, #tpu.memory_space<semaphore_mem>>)
      %dma_start3A_61 = arith.constant 4 : i32
      %dma_start3A_62 = arith.constant 4 : i32
      %dma_start3A_63 = arith.constant 0 : i32
      %dma_start3A_64 = tpu.memref_slice %arg6[%dma_start3A_62, %dma_start3A_63] : memref<13x64xi32, #tpu.memory_space<vmem>> -> memref<1x64xi32, #tpu.memory_space<vmem>>
      %dma_start3A_65 = tpu.memref_squeeze %dma_start3A_64 : memref<1x64xi32, #tpu.memory_space<vmem>> -> memref<64xi32, #tpu.memory_space<vmem>>
      %dma_start3A_66 = tpu.memref_slice %arg4[%dma_start3A_61, %add3A_13] : memref<13x16384xi32, #tpu.memory_space<hbm>> -> memref<1x64xi32, #tpu.memory_space<hbm>>
      %dma_start3A_67 = tpu.memref_squeeze %dma_start3A_66 : memref<1x64xi32, #tpu.memory_space<hbm>> -> memref<64xi32, #tpu.memory_space<hbm>>
      %dma_start3A_68 = arith.constant 0 : i32
      %dma_start3A_69 = tpu.memref_slice %arg6[%dma_start3A_62, %dma_start3A_68] : memref<13x64xi32, #tpu.memory_space<vmem>> -> memref<1x64xi32, #tpu.memory_space<vmem>>
      %dma_start3A_70 = tpu.memref_squeeze %dma_start3A_69 : memref<1x64xi32, #tpu.memory_space<vmem>> -> memref<64xi32, #tpu.memory_space<vmem>>
      %dma_start3A_71 = tpu.memref_slice %arg4[%dma_start3A_61, %add3A_13] : memref<13x16384xi32, #tpu.memory_space<hbm>> -> memref<1x64xi32, #tpu.memory_space<hbm>>
      %dma_start3A_72 = tpu.memref_squeeze %dma_start3A_71 : memref<1x64xi32, #tpu.memory_space<hbm>> -> memref<64xi32, #tpu.memory_space<hbm>>
      tpu.enqueue_dma source(%dma_start3A_72 : memref<64xi32, #tpu.memory_space<hbm>>) target(%dma_start3A_70 : memref<64xi32, #tpu.memory_space<vmem>>) target_semaphore(%arg10 : memref<!tpu.dma_semaphore, #tpu.memory_space<semaphore_mem>>)
      %dma_start3A_73 = arith.constant 5 : i32
      %dma_start3A_74 = arith.constant 5 : i32
      %dma_start3A_75 = arith.constant 0 : i32
      %dma_start3A_76 = tpu.memref_slice %arg6[%dma_start3A_74, %dma_start3A_75] : memref<13x64xi32, #tpu.memory_space<vmem>> -> memref<1x64xi32, #tpu.memory_space<vmem>>
      %dma_start3A_77 = tpu.memref_squeeze %dma_start3A_76 : memref<1x64xi32, #tpu.memory_space<vmem>> -> memref<64xi32, #tpu.memory_space<vmem>>
      %dma_start3A_78 = tpu.memref_slice %arg4[%dma_start3A_73, %add3A_13] : memref<13x16384xi32, #tpu.memory_space<hbm>> -> memref<1x64xi32, #tpu.memory_space<hbm>>
      %dma_start3A_79 = tpu.memref_squeeze %dma_start3A_78 : memref<1x64xi32, #tpu.memory_space<hbm>> -> memref<64xi32, #tpu.memory_space<hbm>>
      %dma_start3A_80 = arith.constant 0 : i32
      %dma_start3A_81 = tpu.memref_slice %arg6[%dma_start3A_74, %dma_start3A_80] : memref<13x64xi32, #tpu.memory_space<vmem>> -> memref<1x64xi32, #tpu.memory_space<vmem>>
      %dma_start3A_82 = tpu.memref_squeeze %dma_start3A_81 : memref<1x64xi32, #tpu.memory_space<vmem>> -> memref<64xi32, #tpu.memory_space<vmem>>
      %dma_start3A_83 = tpu.memref_slice %arg4[%dma_start3A_73, %add3A_13] : memref<13x16384xi32, #tpu.memory_space<hbm>> -> memref<1x64xi32, #tpu.memory_space<hbm>>
      %dma_start3A_84 = tpu.memref_squeeze %dma_start3A_83 : memref<1x64xi32, #tpu.memory_space<hbm>> -> memref<64xi32, #tpu.memory_space<hbm>>
      tpu.enqueue_dma source(%dma_start3A_84 : memref<64xi32, #tpu.memory_space<hbm>>) target(%dma_start3A_82 : memref<64xi32, #tpu.memory_space<vmem>>) target_semaphore(%arg10 : memref<!tpu.dma_semaphore, #tpu.memory_space<semaphore_mem>>)
      %dma_start3A_85 = arith.constant 6 : i32
      %dma_start3A_86 = arith.constant 6 : i32
      %dma_start3A_87 = arith.constant 0 : i32
      %dma_start3A_88 = tpu.memref_slice %arg6[%dma_start3A_86, %dma_start3A_87] : memref<13x64xi32, #tpu.memory_space<vmem>> -> memref<1x64xi32, #tpu.memory_space<vmem>>
      %dma_start3A_89 = tpu.memref_squeeze %dma_start3A_88 : memref<1x64xi32, #tpu.memory_space<vmem>> -> memref<64xi32, #tpu.memory_space<vmem>>
      %dma_start3A_90 = tpu.memref_slice %arg4[%dma_start3A_85, %add3A_13] : memref<13x16384xi32, #tpu.memory_space<hbm>> -> memref<1x64xi32, #tpu.memory_space<hbm>>
      %dma_start3A_91 = tpu.memref_squeeze %dma_start3A_90 : memref<1x64xi32, #tpu.memory_space<hbm>> -> memref<64xi32, #tpu.memory_space<hbm>>
      %dma_start3A_92 = arith.constant 0 : i32
      %dma_start3A_93 = tpu.memref_slice %arg6[%dma_start3A_86, %dma_start3A_92] : memref<13x64xi32, #tpu.memory_space<vmem>> -> memref<1x64xi32, #tpu.memory_space<vmem>>
      %dma_start3A_94 = tpu.memref_squeeze %dma_start3A_93 : memref<1x64xi32, #tpu.memory_space<vmem>> -> memref<64xi32, #tpu.memory_space<vmem>>
      %dma_start3A_95 = tpu.memref_slice %arg4[%dma_start3A_85, %add3A_13] : memref<13x16384xi32, #tpu.memory_space<hbm>> -> memref<1x64xi32, #tpu.memory_space<hbm>>
      %dma_start3A_96 = tpu.memref_squeeze %dma_start3A_95 : memref<1x64xi32, #tpu.memory_space<hbm>> -> memref<64xi32, #tpu.memory_space<hbm>>
      tpu.enqueue_dma source(%dma_start3A_96 : memref<64xi32, #tpu.memory_space<hbm>>) target(%dma_start3A_94 : memref<64xi32, #tpu.memory_space<vmem>>) target_semaphore(%arg10 : memref<!tpu.dma_semaphore, #tpu.memory_space<semaphore_mem>>)
      %dma_start3A_97 = arith.constant 7 : i32
      %dma_start3A_98 = arith.constant 7 : i32
      %dma_start3A_99 = arith.constant 0 : i32
      %dma_start3A_100 = tpu.memref_slice %arg6[%dma_start3A_98, %dma_start3A_99] : memref<13x64xi32, #tpu.memory_space<vmem>> -> memref<1x64xi32, #tpu.memory_space<vmem>>
      %dma_start3A_101 = tpu.memref_squeeze %dma_start3A_100 : memref<1x64xi32, #tpu.memory_space<vmem>> -> memref<64xi32, #tpu.memory_space<vmem>>
      %dma_start3A_102 = tpu.memref_slice %arg4[%dma_start3A_97, %add3A_13] : memref<13x16384xi32, #tpu.memory_space<hbm>> -> memref<1x64xi32, #tpu.memory_space<hbm>>
      %dma_start3A_103 = tpu.memref_squeeze %dma_start3A_102 : memref<1x64xi32, #tpu.memory_space<hbm>> -> memref<64xi32, #tpu.memory_space<hbm>>
      %dma_start3A_104 = arith.constant 0 : i32
      %dma_start3A_105 = tpu.memref_slice %arg6[%dma_start3A_98, %dma_start3A_104] : memref<13x64xi32, #tpu.memory_space<vmem>> -> memref<1x64xi32, #tpu.memory_space<vmem>>
      %dma_start3A_106 = tpu.memref_squeeze %dma_start3A_105 : memref<1x64xi32, #tpu.memory_space<vmem>> -> memref<64xi32, #tpu.memory_space<vmem>>
      %dma_start3A_107 = tpu.memref_slice %arg4[%dma_start3A_97, %add3A_13] : memref<13x16384xi32, #tpu.memory_space<hbm>> -> memref<1x64xi32, #tpu.memory_space<hbm>>
      %dma_start3A_108 = tpu.memref_squeeze %dma_start3A_107 : memref<1x64xi32, #tpu.memory_space<hbm>> -> memref<64xi32, #tpu.memory_space<hbm>>
      tpu.enqueue_dma source(%dma_start3A_108 : memref<64xi32, #tpu.memory_space<hbm>>) target(%dma_start3A_106 : memref<64xi32, #tpu.memory_space<vmem>>) target_semaphore(%arg10 : memref<!tpu.dma_semaphore, #tpu.memory_space<semaphore_mem>>)
      %dma_start3A_109 = arith.constant 8 : i32
      %dma_start3A_110 = arith.constant 8 : i32
      %dma_start3A_111 = arith.constant 0 : i32
      %dma_start3A_112 = tpu.memref_slice %arg6[%dma_start3A_110, %dma_start3A_111] : memref<13x64xi32, #tpu.memory_space<vmem>> -> memref<1x64xi32, #tpu.memory_space<vmem>>
      %dma_start3A_113 = tpu.memref_squeeze %dma_start3A_112 : memref<1x64xi32, #tpu.memory_space<vmem>> -> memref<64xi32, #tpu.memory_space<vmem>>
      %dma_start3A_114 = tpu.memref_slice %arg4[%dma_start3A_109, %add3A_13] : memref<13x16384xi32, #tpu.memory_space<hbm>> -> memref<1x64xi32, #tpu.memory_space<hbm>>
      %dma_start3A_115 = tpu.memref_squeeze %dma_start3A_114 : memref<1x64xi32, #tpu.memory_space<hbm>> -> memref<64xi32, #tpu.memory_space<hbm>>
      %dma_start3A_116 = arith.constant 0 : i32
      %dma_start3A_117 = tpu.memref_slice %arg6[%dma_start3A_110, %dma_start3A_116] : memref<13x64xi32, #tpu.memory_space<vmem>> -> memref<1x64xi32, #tpu.memory_space<vmem>>
      %dma_start3A_118 = tpu.memref_squeeze %dma_start3A_117 : memref<1x64xi32, #tpu.memory_space<vmem>> -> memref<64xi32, #tpu.memory_space<vmem>>
      %dma_start3A_119 = tpu.memref_slice %arg4[%dma_start3A_109, %add3A_13] : memref<13x16384xi32, #tpu.memory_space<hbm>> -> memref<1x64xi32, #tpu.memory_space<hbm>>
      %dma_start3A_120 = tpu.memref_squeeze %dma_start3A_119 : memref<1x64xi32, #tpu.memory_space<hbm>> -> memref<64xi32, #tpu.memory_space<hbm>>
      tpu.enqueue_dma source(%dma_start3A_120 : memref<64xi32, #tpu.memory_space<hbm>>) target(%dma_start3A_118 : memref<64xi32, #tpu.memory_space<vmem>>) target_semaphore(%arg10 : memref<!tpu.dma_semaphore, #tpu.memory_space<semaphore_mem>>)
      %dma_start3A_121 = arith.constant 9 : i32
      %dma_start3A_122 = arith.constant 9 : i32
      %dma_start3A_123 = arith.constant 0 : i32
      %dma_start3A_124 = tpu.memref_slice %arg6[%dma_start3A_122, %dma_start3A_123] : memref<13x64xi32, #tpu.memory_space<vmem>> -> memref<1x64xi32, #tpu.memory_space<vmem>>
      %dma_start3A_125 = tpu.memref_squeeze %dma_start3A_124 : memref<1x64xi32, #tpu.memory_space<vmem>> -> memref<64xi32, #tpu.memory_space<vmem>>
      %dma_start3A_126 = tpu.memref_slice %arg4[%dma_start3A_121, %add3A_13] : memref<13x16384xi32, #tpu.memory_space<hbm>> -> memref<1x64xi32, #tpu.memory_space<hbm>>
      %dma_start3A_127 = tpu.memref_squeeze %dma_start3A_126 : memref<1x64xi32, #tpu.memory_space<hbm>> -> memref<64xi32, #tpu.memory_space<hbm>>
      %dma_start3A_128 = arith.constant 0 : i32
      %dma_start3A_129 = tpu.memref_slice %arg6[%dma_start3A_122, %dma_start3A_128] : memref<13x64xi32, #tpu.memory_space<vmem>> -> memref<1x64xi32, #tpu.memory_space<vmem>>
      %dma_start3A_130 = tpu.memref_squeeze %dma_start3A_129 : memref<1x64xi32, #tpu.memory_space<vmem>> -> memref<64xi32, #tpu.memory_space<vmem>>
      %dma_start3A_131 = tpu.memref_slice %arg4[%dma_start3A_121, %add3A_13] : memref<13x16384xi32, #tpu.memory_space<hbm>> -> memref<1x64xi32, #tpu.memory_space<hbm>>
      %dma_start3A_132 = tpu.memref_squeeze %dma_start3A_131 : memref<1x64xi32, #tpu.memory_space<hbm>> -> memref<64xi32, #tpu.memory_space<hbm>>
      tpu.enqueue_dma source(%dma_start3A_132 : memref<64xi32, #tpu.memory_space<hbm>>) target(%dma_start3A_130 : memref<64xi32, #tpu.memory_space<vmem>>) target_semaphore(%arg10 : memref<!tpu.dma_semaphore, #tpu.memory_space<semaphore_mem>>)
      %dma_start3A_133 = arith.constant 10 : i32
      %dma_start3A_134 = arith.constant 10 : i32
      %dma_start3A_135 = arith.constant 0 : i32
      %dma_start3A_136 = tpu.memref_slice %arg6[%dma_start3A_134, %dma_start3A_135] : memref<13x64xi32, #tpu.memory_space<vmem>> -> memref<1x64xi32, #tpu.memory_space<vmem>>
      %dma_start3A_137 = tpu.memref_squeeze %dma_start3A_136 : memref<1x64xi32, #tpu.memory_space<vmem>> -> memref<64xi32, #tpu.memory_space<vmem>>
      %dma_start3A_138 = tpu.memref_slice %arg4[%dma_start3A_133, %add3A_13] : memref<13x16384xi32, #tpu.memory_space<hbm>> -> memref<1x64xi32, #tpu.memory_space<hbm>>
      %dma_start3A_139 = tpu.memref_squeeze %dma_start3A_138 : memref<1x64xi32, #tpu.memory_space<hbm>> -> memref<64xi32, #tpu.memory_space<hbm>>
      %dma_start3A_140 = arith.constant 0 : i32
      %dma_start3A_141 = tpu.memref_slice %arg6[%dma_start3A_134, %dma_start3A_140] : memref<13x64xi32, #tpu.memory_space<vmem>> -> memref<1x64xi32, #tpu.memory_space<vmem>>
      %dma_start3A_142 = tpu.memref_squeeze %dma_start3A_141 : memref<1x64xi32, #tpu.memory_space<vmem>> -> memref<64xi32, #tpu.memory_space<vmem>>
      %dma_start3A_143 = tpu.memref_slice %arg4[%dma_start3A_133, %add3A_13] : memref<13x16384xi32, #tpu.memory_space<hbm>> -> memref<1x64xi32, #tpu.memory_space<hbm>>
      %dma_start3A_144 = tpu.memref_squeeze %dma_start3A_143 : memref<1x64xi32, #tpu.memory_space<hbm>> -> memref<64xi32, #tpu.memory_space<hbm>>
      tpu.enqueue_dma source(%dma_start3A_144 : memref<64xi32, #tpu.memory_space<hbm>>) target(%dma_start3A_142 : memref<64xi32, #tpu.memory_space<vmem>>) target_semaphore(%arg10 : memref<!tpu.dma_semaphore, #tpu.memory_space<semaphore_mem>>)
      %dma_start3A_145 = arith.constant 11 : i32
      %dma_start3A_146 = arith.constant 11 : i32
      %dma_start3A_147 = arith.constant 0 : i32
      %dma_start3A_148 = tpu.memref_slice %arg6[%dma_start3A_146, %dma_start3A_147] : memref<13x64xi32, #tpu.memory_space<vmem>> -> memref<1x64xi32, #tpu.memory_space<vmem>>
      %dma_start3A_149 = tpu.memref_squeeze %dma_start3A_148 : memref<1x64xi32, #tpu.memory_space<vmem>> -> memref<64xi32, #tpu.memory_space<vmem>>
      %dma_start3A_150 = tpu.memref_slice %arg4[%dma_start3A_145, %add3A_13] : memref<13x16384xi32, #tpu.memory_space<hbm>> -> memref<1x64xi32, #tpu.memory_space<hbm>>
      %dma_start3A_151 = tpu.memref_squeeze %dma_start3A_150 : memref<1x64xi32, #tpu.memory_space<hbm>> -> memref<64xi32, #tpu.memory_space<hbm>>
      %dma_start3A_152 = arith.constant 0 : i32
      %dma_start3A_153 = tpu.memref_slice %arg6[%dma_start3A_146, %dma_start3A_152] : memref<13x64xi32, #tpu.memory_space<vmem>> -> memref<1x64xi32, #tpu.memory_space<vmem>>
      %dma_start3A_154 = tpu.memref_squeeze %dma_start3A_153 : memref<1x64xi32, #tpu.memory_space<vmem>> -> memref<64xi32, #tpu.memory_space<vmem>>
      %dma_start3A_155 = tpu.memref_slice %arg4[%dma_start3A_145, %add3A_13] : memref<13x16384xi32, #tpu.memory_space<hbm>> -> memref<1x64xi32, #tpu.memory_space<hbm>>
      %dma_start3A_156 = tpu.memref_squeeze %dma_start3A_155 : memref<1x64xi32, #tpu.memory_space<hbm>> -> memref<64xi32, #tpu.memory_space<hbm>>
      tpu.enqueue_dma source(%dma_start3A_156 : memref<64xi32, #tpu.memory_space<hbm>>) target(%dma_start3A_154 : memref<64xi32, #tpu.memory_space<vmem>>) target_semaphore(%arg10 : memref<!tpu.dma_semaphore, #tpu.memory_space<semaphore_mem>>)
      %dma_start3A_157 = arith.constant 12 : i32
      %dma_start3A_158 = arith.constant 12 : i32
      %dma_start3A_159 = arith.constant 0 : i32
      %dma_start3A_160 = tpu.memref_slice %arg6[%dma_start3A_158, %dma_start3A_159] : memref<13x64xi32, #tpu.memory_space<vmem>> -> memref<1x64xi32, #tpu.memory_space<vmem>>
      %dma_start3A_161 = tpu.memref_squeeze %dma_start3A_160 : memref<1x64xi32, #tpu.memory_space<vmem>> -> memref<64xi32, #tpu.memory_space<vmem>>
      %dma_start3A_162 = tpu.memref_slice %arg4[%dma_start3A_157, %add3A_13] : memref<13x16384xi32, #tpu.memory_space<hbm>> -> memref<1x64xi32, #tpu.memory_space<hbm>>
      %dma_start3A_163 = tpu.memref_squeeze %dma_start3A_162 : memref<1x64xi32, #tpu.memory_space<hbm>> -> memref<64xi32, #tpu.memory_space<hbm>>
      %dma_start3A_164 = arith.constant 0 : i32
      %dma_start3A_165 = tpu.memref_slice %arg6[%dma_start3A_158, %dma_start3A_164] : memref<13x64xi32, #tpu.memory_space<vmem>> -> memref<1x64xi32, #tpu.memory_space<vmem>>
      %dma_start3A_166 = tpu.memref_squeeze %dma_start3A_165 : memref<1x64xi32, #tpu.memory_space<vmem>> -> memref<64xi32, #tpu.memory_space<vmem>>
      %dma_start3A_167 = tpu.memref_slice %arg4[%dma_start3A_157, %add3A_13] : memref<13x16384xi32, #tpu.memory_space<hbm>> -> memref<1x64xi32, #tpu.memory_space<hbm>>
      %dma_start3A_168 = tpu.memref_squeeze %dma_start3A_167 : memref<1x64xi32, #tpu.memory_space<hbm>> -> memref<64xi32, #tpu.memory_space<hbm>>
      tpu.enqueue_dma source(%dma_start3A_168 : memref<64xi32, #tpu.memory_space<hbm>>) target(%dma_start3A_166 : memref<64xi32, #tpu.memory_space<vmem>>) target_semaphore(%arg10 : memref<!tpu.dma_semaphore, #tpu.memory_space<semaphore_mem>>)
      %dma_wait3A = arith.constant 0 : i32
      %dma_wait3A_169 = arith.constant 0 : i32
      %dma_wait3A_170 = arith.constant 0 : i32
      %dma_wait3A_171 = tpu.memref_slice %arg6[%dma_wait3A_169, %dma_wait3A_170] : memref<13x64xi32, #tpu.memory_space<vmem>> -> memref<1x64xi32, #tpu.memory_space<vmem>>
      %dma_wait3A_172 = tpu.memref_squeeze %dma_wait3A_171 : memref<1x64xi32, #tpu.memory_space<vmem>> -> memref<64xi32, #tpu.memory_space<vmem>>
      %dma_wait3A_173 = tpu.memref_slice %arg4[%dma_wait3A, %add3A_13] : memref<13x16384xi32, #tpu.memory_space<hbm>> -> memref<1x64xi32, #tpu.memory_space<hbm>>
      %dma_wait3A_174 = tpu.memref_squeeze %dma_wait3A_173 : memref<1x64xi32, #tpu.memory_space<hbm>> -> memref<64xi32, #tpu.memory_space<hbm>>
      %dma_wait3A_175 = arith.constant 0 : i32
      %dma_wait3A_176 = tpu.memref_slice %arg6[%dma_wait3A_169, %dma_wait3A_175] : memref<13x64xi32, #tpu.memory_space<vmem>> -> memref<1x64xi32, #tpu.memory_space<vmem>>
      %dma_wait3A_177 = tpu.memref_squeeze %dma_wait3A_176 : memref<1x64xi32, #tpu.memory_space<vmem>> -> memref<64xi32, #tpu.memory_space<vmem>>
      %dma_wait3A_178 = tpu.memref_slice %arg4[%dma_wait3A, %add3A_13] : memref<13x16384xi32, #tpu.memory_space<hbm>> -> memref<1x64xi32, #tpu.memory_space<hbm>>
      %dma_wait3A_179 = tpu.memref_squeeze %dma_wait3A_178 : memref<1x64xi32, #tpu.memory_space<hbm>> -> memref<64xi32, #tpu.memory_space<hbm>>
      tpu.wait_dma2 semaphore(%arg10 : memref<!tpu.dma_semaphore, #tpu.memory_space<semaphore_mem>>) src(%dma_wait3A_179 : memref<64xi32, #tpu.memory_space<hbm>>) dst(%dma_wait3A_177 : memref<64xi32, #tpu.memory_space<vmem>>)
      %dma_wait3A_180 = arith.constant 1 : i32
      %dma_wait3A_181 = arith.constant 1 : i32
      %dma_wait3A_182 = arith.constant 0 : i32
      %dma_wait3A_183 = tpu.memref_slice %arg6[%dma_wait3A_181, %dma_wait3A_182] : memref<13x64xi32, #tpu.memory_space<vmem>> -> memref<1x64xi32, #tpu.memory_space<vmem>>
      %dma_wait3A_184 = tpu.memref_squeeze %dma_wait3A_183 : memref<1x64xi32, #tpu.memory_space<vmem>> -> memref<64xi32, #tpu.memory_space<vmem>>
      %dma_wait3A_185 = tpu.memref_slice %arg4[%dma_wait3A_180, %add3A_13] : memref<13x16384xi32, #tpu.memory_space<hbm>> -> memref<1x64xi32, #tpu.memory_space<hbm>>
      %dma_wait3A_186 = tpu.memref_squeeze %dma_wait3A_185 : memref<1x64xi32, #tpu.memory_space<hbm>> -> memref<64xi32, #tpu.memory_space<hbm>>
      %dma_wait3A_187 = arith.constant 0 : i32
      %dma_wait3A_188 = tpu.memref_slice %arg6[%dma_wait3A_181, %dma_wait3A_187] : memref<13x64xi32, #tpu.memory_space<vmem>> -> memref<1x64xi32, #tpu.memory_space<vmem>>
      %dma_wait3A_189 = tpu.memref_squeeze %dma_wait3A_188 : memref<1x64xi32, #tpu.memory_space<vmem>> -> memref<64xi32, #tpu.memory_space<vmem>>
      %dma_wait3A_190 = tpu.memref_slice %arg4[%dma_wait3A_180, %add3A_13] : memref<13x16384xi32, #tpu.memory_space<hbm>> -> memref<1x64xi32, #tpu.memory_space<hbm>>
      %dma_wait3A_191 = tpu.memref_squeeze %dma_wait3A_190 : memref<1x64xi32, #tpu.memory_space<hbm>> -> memref<64xi32, #tpu.memory_space<hbm>>
      tpu.wait_dma2 semaphore(%arg10 : memref<!tpu.dma_semaphore, #tpu.memory_space<semaphore_mem>>) src(%dma_wait3A_191 : memref<64xi32, #tpu.memory_space<hbm>>) dst(%dma_wait3A_189 : memref<64xi32, #tpu.memory_space<vmem>>)
      %dma_wait3A_192 = arith.constant 2 : i32
      %dma_wait3A_193 = arith.constant 2 : i32
      %dma_wait3A_194 = arith.constant 0 : i32
      %dma_wait3A_195 = tpu.memref_slice %arg6[%dma_wait3A_193, %dma_wait3A_194] : memref<13x64xi32, #tpu.memory_space<vmem>> -> memref<1x64xi32, #tpu.memory_space<vmem>>
      %dma_wait3A_196 = tpu.memref_squeeze %dma_wait3A_195 : memref<1x64xi32, #tpu.memory_space<vmem>> -> memref<64xi32, #tpu.memory_space<vmem>>
      %dma_wait3A_197 = tpu.memref_slice %arg4[%dma_wait3A_192, %add3A_13] : memref<13x16384xi32, #tpu.memory_space<hbm>> -> memref<1x64xi32, #tpu.memory_space<hbm>>
      %dma_wait3A_198 = tpu.memref_squeeze %dma_wait3A_197 : memref<1x64xi32, #tpu.memory_space<hbm>> -> memref<64xi32, #tpu.memory_space<hbm>>
      %dma_wait3A_199 = arith.constant 0 : i32
      %dma_wait3A_200 = tpu.memref_slice %arg6[%dma_wait3A_193, %dma_wait3A_199] : memref<13x64xi32, #tpu.memory_space<vmem>> -> memref<1x64xi32, #tpu.memory_space<vmem>>
      %dma_wait3A_201 = tpu.memref_squeeze %dma_wait3A_200 : memref<1x64xi32, #tpu.memory_space<vmem>> -> memref<64xi32, #tpu.memory_space<vmem>>
      %dma_wait3A_202 = tpu.memref_slice %arg4[%dma_wait3A_192, %add3A_13] : memref<13x16384xi32, #tpu.memory_space<hbm>> -> memref<1x64xi32, #tpu.memory_space<hbm>>
      %dma_wait3A_203 = tpu.memref_squeeze %dma_wait3A_202 : memref<1x64xi32, #tpu.memory_space<hbm>> -> memref<64xi32, #tpu.memory_space<hbm>>
      tpu.wait_dma2 semaphore(%arg10 : memref<!tpu.dma_semaphore, #tpu.memory_space<semaphore_mem>>) src(%dma_wait3A_203 : memref<64xi32, #tpu.memory_space<hbm>>) dst(%dma_wait3A_201 : memref<64xi32, #tpu.memory_space<vmem>>)
      %dma_wait3A_204 = arith.constant 3 : i32
      %dma_wait3A_205 = arith.constant 3 : i32
      %dma_wait3A_206 = arith.constant 0 : i32
      %dma_wait3A_207 = tpu.memref_slice %arg6[%dma_wait3A_205, %dma_wait3A_206] : memref<13x64xi32, #tpu.memory_space<vmem>> -> memref<1x64xi32, #tpu.memory_space<vmem>>
      %dma_wait3A_208 = tpu.memref_squeeze %dma_wait3A_207 : memref<1x64xi32, #tpu.memory_space<vmem>> -> memref<64xi32, #tpu.memory_space<vmem>>
      %dma_wait3A_209 = tpu.memref_slice %arg4[%dma_wait3A_204, %add3A_13] : memref<13x16384xi32, #tpu.memory_space<hbm>> -> memref<1x64xi32, #tpu.memory_space<hbm>>
      %dma_wait3A_210 = tpu.memref_squeeze %dma_wait3A_209 : memref<1x64xi32, #tpu.memory_space<hbm>> -> memref<64xi32, #tpu.memory_space<hbm>>
      %dma_wait3A_211 = arith.constant 0 : i32
      %dma_wait3A_212 = tpu.memref_slice %arg6[%dma_wait3A_205, %dma_wait3A_211] : memref<13x64xi32, #tpu.memory_space<vmem>> -> memref<1x64xi32, #tpu.memory_space<vmem>>
      %dma_wait3A_213 = tpu.memref_squeeze %dma_wait3A_212 : memref<1x64xi32, #tpu.memory_space<vmem>> -> memref<64xi32, #tpu.memory_space<vmem>>
      %dma_wait3A_214 = tpu.memref_slice %arg4[%dma_wait3A_204, %add3A_13] : memref<13x16384xi32, #tpu.memory_space<hbm>> -> memref<1x64xi32, #tpu.memory_space<hbm>>
      %dma_wait3A_215 = tpu.memref_squeeze %dma_wait3A_214 : memref<1x64xi32, #tpu.memory_space<hbm>> -> memref<64xi32, #tpu.memory_space<hbm>>
      tpu.wait_dma2 semaphore(%arg10 : memref<!tpu.dma_semaphore, #tpu.memory_space<semaphore_mem>>) src(%dma_wait3A_215 : memref<64xi32, #tpu.memory_space<hbm>>) dst(%dma_wait3A_213 : memref<64xi32, #tpu.memory_space<vmem>>)
      %dma_wait3A_216 = arith.constant 4 : i32
      %dma_wait3A_217 = arith.constant 4 : i32
      %dma_wait3A_218 = arith.constant 0 : i32
      %dma_wait3A_219 = tpu.memref_slice %arg6[%dma_wait3A_217, %dma_wait3A_218] : memref<13x64xi32, #tpu.memory_space<vmem>> -> memref<1x64xi32, #tpu.memory_space<vmem>>
      %dma_wait3A_220 = tpu.memref_squeeze %dma_wait3A_219 : memref<1x64xi32, #tpu.memory_space<vmem>> -> memref<64xi32, #tpu.memory_space<vmem>>
      %dma_wait3A_221 = tpu.memref_slice %arg4[%dma_wait3A_216, %add3A_13] : memref<13x16384xi32, #tpu.memory_space<hbm>> -> memref<1x64xi32, #tpu.memory_space<hbm>>
      %dma_wait3A_222 = tpu.memref_squeeze %dma_wait3A_221 : memref<1x64xi32, #tpu.memory_space<hbm>> -> memref<64xi32, #tpu.memory_space<hbm>>
      %dma_wait3A_223 = arith.constant 0 : i32
      %dma_wait3A_224 = tpu.memref_slice %arg6[%dma_wait3A_217, %dma_wait3A_223] : memref<13x64xi32, #tpu.memory_space<vmem>> -> memref<1x64xi32, #tpu.memory_space<vmem>>
      %dma_wait3A_225 = tpu.memref_squeeze %dma_wait3A_224 : memref<1x64xi32, #tpu.memory_space<vmem>> -> memref<64xi32, #tpu.memory_space<vmem>>
      %dma_wait3A_226 = tpu.memref_slice %arg4[%dma_wait3A_216, %add3A_13] : memref<13x16384xi32, #tpu.memory_space<hbm>> -> memref<1x64xi32, #tpu.memory_space<hbm>>
      %dma_wait3A_227 = tpu.memref_squeeze %dma_wait3A_226 : memref<1x64xi32, #tpu.memory_space<hbm>> -> memref<64xi32, #tpu.memory_space<hbm>>
      tpu.wait_dma2 semaphore(%arg10 : memref<!tpu.dma_semaphore, #tpu.memory_space<semaphore_mem>>) src(%dma_wait3A_227 : memref<64xi32, #tpu.memory_space<hbm>>) dst(%dma_wait3A_225 : memref<64xi32, #tpu.memory_space<vmem>>)
      %dma_wait3A_228 = arith.constant 5 : i32
      %dma_wait3A_229 = arith.constant 5 : i32
      %dma_wait3A_230 = arith.constant 0 : i32
      %dma_wait3A_231 = tpu.memref_slice %arg6[%dma_wait3A_229, %dma_wait3A_230] : memref<13x64xi32, #tpu.memory_space<vmem>> -> memref<1x64xi32, #tpu.memory_space<vmem>>
      %dma_wait3A_232 = tpu.memref_squeeze %dma_wait3A_231 : memref<1x64xi32, #tpu.memory_space<vmem>> -> memref<64xi32, #tpu.memory_space<vmem>>
      %dma_wait3A_233 = tpu.memref_slice %arg4[%dma_wait3A_228, %add3A_13] : memref<13x16384xi32, #tpu.memory_space<hbm>> -> memref<1x64xi32, #tpu.memory_space<hbm>>
      %dma_wait3A_234 = tpu.memref_squeeze %dma_wait3A_233 : memref<1x64xi32, #tpu.memory_space<hbm>> -> memref<64xi32, #tpu.memory_space<hbm>>
      %dma_wait3A_235 = arith.constant 0 : i32
      %dma_wait3A_236 = tpu.memref_slice %arg6[%dma_wait3A_229, %dma_wait3A_235] : memref<13x64xi32, #tpu.memory_space<vmem>> -> memref<1x64xi32, #tpu.memory_space<vmem>>
      %dma_wait3A_237 = tpu.memref_squeeze %dma_wait3A_236 : memref<1x64xi32, #tpu.memory_space<vmem>> -> memref<64xi32, #tpu.memory_space<vmem>>
      %dma_wait3A_238 = tpu.memref_slice %arg4[%dma_wait3A_228, %add3A_13] : memref<13x16384xi32, #tpu.memory_space<hbm>> -> memref<1x64xi32, #tpu.memory_space<hbm>>
      %dma_wait3A_239 = tpu.memref_squeeze %dma_wait3A_238 : memref<1x64xi32, #tpu.memory_space<hbm>> -> memref<64xi32, #tpu.memory_space<hbm>>
      tpu.wait_dma2 semaphore(%arg10 : memref<!tpu.dma_semaphore, #tpu.memory_space<semaphore_mem>>) src(%dma_wait3A_239 : memref<64xi32, #tpu.memory_space<hbm>>) dst(%dma_wait3A_237 : memref<64xi32, #tpu.memory_space<vmem>>)
      %dma_wait3A_240 = arith.constant 6 : i32
      %dma_wait3A_241 = arith.constant 6 : i32
      %dma_wait3A_242 = arith.constant 0 : i32
      %dma_wait3A_243 = tpu.memref_slice %arg6[%dma_wait3A_241, %dma_wait3A_242] : memref<13x64xi32, #tpu.memory_space<vmem>> -> memref<1x64xi32, #tpu.memory_space<vmem>>
      %dma_wait3A_244 = tpu.memref_squeeze %dma_wait3A_243 : memref<1x64xi32, #tpu.memory_space<vmem>> -> memref<64xi32, #tpu.memory_space<vmem>>
      %dma_wait3A_245 = tpu.memref_slice %arg4[%dma_wait3A_240, %add3A_13] : memref<13x16384xi32, #tpu.memory_space<hbm>> -> memref<1x64xi32, #tpu.memory_space<hbm>>
      %dma_wait3A_246 = tpu.memref_squeeze %dma_wait3A_245 : memref<1x64xi32, #tpu.memory_space<hbm>> -> memref<64xi32, #tpu.memory_space<hbm>>
      %dma_wait3A_247 = arith.constant 0 : i32
      %dma_wait3A_248 = tpu.memref_slice %arg6[%dma_wait3A_241, %dma_wait3A_247] : memref<13x64xi32, #tpu.memory_space<vmem>> -> memref<1x64xi32, #tpu.memory_space<vmem>>
      %dma_wait3A_249 = tpu.memref_squeeze %dma_wait3A_248 : memref<1x64xi32, #tpu.memory_space<vmem>> -> memref<64xi32, #tpu.memory_space<vmem>>
      %dma_wait3A_250 = tpu.memref_slice %arg4[%dma_wait3A_240, %add3A_13] : memref<13x16384xi32, #tpu.memory_space<hbm>> -> memref<1x64xi32, #tpu.memory_space<hbm>>
      %dma_wait3A_251 = tpu.memref_squeeze %dma_wait3A_250 : memref<1x64xi32, #tpu.memory_space<hbm>> -> memref<64xi32, #tpu.memory_space<hbm>>
      tpu.wait_dma2 semaphore(%arg10 : memref<!tpu.dma_semaphore, #tpu.memory_space<semaphore_mem>>) src(%dma_wait3A_251 : memref<64xi32, #tpu.memory_space<hbm>>) dst(%dma_wait3A_249 : memref<64xi32, #tpu.memory_space<vmem>>)
      %dma_wait3A_252 = arith.constant 7 : i32
      %dma_wait3A_253 = arith.constant 7 : i32
      %dma_wait3A_254 = arith.constant 0 : i32
      %dma_wait3A_255 = tpu.memref_slice %arg6[%dma_wait3A_253, %dma_wait3A_254] : memref<13x64xi32, #tpu.memory_space<vmem>> -> memref<1x64xi32, #tpu.memory_space<vmem>>
      %dma_wait3A_256 = tpu.memref_squeeze %dma_wait3A_255 : memref<1x64xi32, #tpu.memory_space<vmem>> -> memref<64xi32, #tpu.memory_space<vmem>>
      %dma_wait3A_257 = tpu.memref_slice %arg4[%dma_wait3A_252, %add3A_13] : memref<13x16384xi32, #tpu.memory_space<hbm>> -> memref<1x64xi32, #tpu.memory_space<hbm>>
      %dma_wait3A_258 = tpu.memref_squeeze %dma_wait3A_257 : memref<1x64xi32, #tpu.memory_space<hbm>> -> memref<64xi32, #tpu.memory_space<hbm>>
      %dma_wait3A_259 = arith.constant 0 : i32
      %dma_wait3A_260 = tpu.memref_slice %arg6[%dma_wait3A_253, %dma_wait3A_259] : memref<13x64xi32, #tpu.memory_space<vmem>> -> memref<1x64xi32, #tpu.memory_space<vmem>>
      %dma_wait3A_261 = tpu.memref_squeeze %dma_wait3A_260 : memref<1x64xi32, #tpu.memory_space<vmem>> -> memref<64xi32, #tpu.memory_space<vmem>>
      %dma_wait3A_262 = tpu.memref_slice %arg4[%dma_wait3A_252, %add3A_13] : memref<13x16384xi32, #tpu.memory_space<hbm>> -> memref<1x64xi32, #tpu.memory_space<hbm>>
      %dma_wait3A_263 = tpu.memref_squeeze %dma_wait3A_262 : memref<1x64xi32, #tpu.memory_space<hbm>> -> memref<64xi32, #tpu.memory_space<hbm>>
      tpu.wait_dma2 semaphore(%arg10 : memref<!tpu.dma_semaphore, #tpu.memory_space<semaphore_mem>>) src(%dma_wait3A_263 : memref<64xi32, #tpu.memory_space<hbm>>) dst(%dma_wait3A_261 : memref<64xi32, #tpu.memory_space<vmem>>)
      %dma_wait3A_264 = arith.constant 8 : i32
      %dma_wait3A_265 = arith.constant 8 : i32
      %dma_wait3A_266 = arith.constant 0 : i32
      %dma_wait3A_267 = tpu.memref_slice %arg6[%dma_wait3A_265, %dma_wait3A_266] : memref<13x64xi32, #tpu.memory_space<vmem>> -> memref<1x64xi32, #tpu.memory_space<vmem>>
      %dma_wait3A_268 = tpu.memref_squeeze %dma_wait3A_267 : memref<1x64xi32, #tpu.memory_space<vmem>> -> memref<64xi32, #tpu.memory_space<vmem>>
      %dma_wait3A_269 = tpu.memref_slice %arg4[%dma_wait3A_264, %add3A_13] : memref<13x16384xi32, #tpu.memory_space<hbm>> -> memref<1x64xi32, #tpu.memory_space<hbm>>
      %dma_wait3A_270 = tpu.memref_squeeze %dma_wait3A_269 : memref<1x64xi32, #tpu.memory_space<hbm>> -> memref<64xi32, #tpu.memory_space<hbm>>
      %dma_wait3A_271 = arith.constant 0 : i32
      %dma_wait3A_272 = tpu.memref_slice %arg6[%dma_wait3A_265, %dma_wait3A_271] : memref<13x64xi32, #tpu.memory_space<vmem>> -> memref<1x64xi32, #tpu.memory_space<vmem>>
      %dma_wait3A_273 = tpu.memref_squeeze %dma_wait3A_272 : memref<1x64xi32, #tpu.memory_space<vmem>> -> memref<64xi32, #tpu.memory_space<vmem>>
      %dma_wait3A_274 = tpu.memref_slice %arg4[%dma_wait3A_264, %add3A_13] : memref<13x16384xi32, #tpu.memory_space<hbm>> -> memref<1x64xi32, #tpu.memory_space<hbm>>
      %dma_wait3A_275 = tpu.memref_squeeze %dma_wait3A_274 : memref<1x64xi32, #tpu.memory_space<hbm>> -> memref<64xi32, #tpu.memory_space<hbm>>
      tpu.wait_dma2 semaphore(%arg10 : memref<!tpu.dma_semaphore, #tpu.memory_space<semaphore_mem>>) src(%dma_wait3A_275 : memref<64xi32, #tpu.memory_space<hbm>>) dst(%dma_wait3A_273 : memref<64xi32, #tpu.memory_space<vmem>>)
      %dma_wait3A_276 = arith.constant 9 : i32
      %dma_wait3A_277 = arith.constant 9 : i32
      %dma_wait3A_278 = arith.constant 0 : i32
      %dma_wait3A_279 = tpu.memref_slice %arg6[%dma_wait3A_277, %dma_wait3A_278] : memref<13x64xi32, #tpu.memory_space<vmem>> -> memref<1x64xi32, #tpu.memory_space<vmem>>
      %dma_wait3A_280 = tpu.memref_squeeze %dma_wait3A_279 : memref<1x64xi32, #tpu.memory_space<vmem>> -> memref<64xi32, #tpu.memory_space<vmem>>
      %dma_wait3A_281 = tpu.memref_slice %arg4[%dma_wait3A_276, %add3A_13] : memref<13x16384xi32, #tpu.memory_space<hbm>> -> memref<1x64xi32, #tpu.memory_space<hbm>>
      %dma_wait3A_282 = tpu.memref_squeeze %dma_wait3A_281 : memref<1x64xi32, #tpu.memory_space<hbm>> -> memref<64xi32, #tpu.memory_space<hbm>>
      %dma_wait3A_283 = arith.constant 0 : i32
      %dma_wait3A_284 = tpu.memref_slice %arg6[%dma_wait3A_277, %dma_wait3A_283] : memref<13x64xi32, #tpu.memory_space<vmem>> -> memref<1x64xi32, #tpu.memory_space<vmem>>
      %dma_wait3A_285 = tpu.memref_squeeze %dma_wait3A_284 : memref<1x64xi32, #tpu.memory_space<vmem>> -> memref<64xi32, #tpu.memory_space<vmem>>
      %dma_wait3A_286 = tpu.memref_slice %arg4[%dma_wait3A_276, %add3A_13] : memref<13x16384xi32, #tpu.memory_space<hbm>> -> memref<1x64xi32, #tpu.memory_space<hbm>>
      %dma_wait3A_287 = tpu.memref_squeeze %dma_wait3A_286 : memref<1x64xi32, #tpu.memory_space<hbm>> -> memref<64xi32, #tpu.memory_space<hbm>>
      tpu.wait_dma2 semaphore(%arg10 : memref<!tpu.dma_semaphore, #tpu.memory_space<semaphore_mem>>) src(%dma_wait3A_287 : memref<64xi32, #tpu.memory_space<hbm>>) dst(%dma_wait3A_285 : memref<64xi32, #tpu.memory_space<vmem>>)
      %dma_wait3A_288 = arith.constant 10 : i32
      %dma_wait3A_289 = arith.constant 10 : i32
      %dma_wait3A_290 = arith.constant 0 : i32
      %dma_wait3A_291 = tpu.memref_slice %arg6[%dma_wait3A_289, %dma_wait3A_290] : memref<13x64xi32, #tpu.memory_space<vmem>> -> memref<1x64xi32, #tpu.memory_space<vmem>>
      %dma_wait3A_292 = tpu.memref_squeeze %dma_wait3A_291 : memref<1x64xi32, #tpu.memory_space<vmem>> -> memref<64xi32, #tpu.memory_space<vmem>>
      %dma_wait3A_293 = tpu.memref_slice %arg4[%dma_wait3A_288, %add3A_13] : memref<13x16384xi32, #tpu.memory_space<hbm>> -> memref<1x64xi32, #tpu.memory_space<hbm>>
      %dma_wait3A_294 = tpu.memref_squeeze %dma_wait3A_293 : memref<1x64xi32, #tpu.memory_space<hbm>> -> memref<64xi32, #tpu.memory_space<hbm>>
      %dma_wait3A_295 = arith.constant 0 : i32
      %dma_wait3A_296 = tpu.memref_slice %arg6[%dma_wait3A_289, %dma_wait3A_295] : memref<13x64xi32, #tpu.memory_space<vmem>> -> memref<1x64xi32, #tpu.memory_space<vmem>>
      %dma_wait3A_297 = tpu.memref_squeeze %dma_wait3A_296 : memref<1x64xi32, #tpu.memory_space<vmem>> -> memref<64xi32, #tpu.memory_space<vmem>>
      %dma_wait3A_298 = tpu.memref_slice %arg4[%dma_wait3A_288, %add3A_13] : memref<13x16384xi32, #tpu.memory_space<hbm>> -> memref<1x64xi32, #tpu.memory_space<hbm>>
      %dma_wait3A_299 = tpu.memref_squeeze %dma_wait3A_298 : memref<1x64xi32, #tpu.memory_space<hbm>> -> memref<64xi32, #tpu.memory_space<hbm>>
      tpu.wait_dma2 semaphore(%arg10 : memref<!tpu.dma_semaphore, #tpu.memory_space<semaphore_mem>>) src(%dma_wait3A_299 : memref<64xi32, #tpu.memory_space<hbm>>) dst(%dma_wait3A_297 : memref<64xi32, #tpu.memory_space<vmem>>)
      %dma_wait3A_300 = arith.constant 11 : i32
      %dma_wait3A_301 = arith.constant 11 : i32
      %dma_wait3A_302 = arith.constant 0 : i32
      %dma_wait3A_303 = tpu.memref_slice %arg6[%dma_wait3A_301, %dma_wait3A_302] : memref<13x64xi32, #tpu.memory_space<vmem>> -> memref<1x64xi32, #tpu.memory_space<vmem>>
      %dma_wait3A_304 = tpu.memref_squeeze %dma_wait3A_303 : memref<1x64xi32, #tpu.memory_space<vmem>> -> memref<64xi32, #tpu.memory_space<vmem>>
      %dma_wait3A_305 = tpu.memref_slice %arg4[%dma_wait3A_300, %add3A_13] : memref<13x16384xi32, #tpu.memory_space<hbm>> -> memref<1x64xi32, #tpu.memory_space<hbm>>
      %dma_wait3A_306 = tpu.memref_squeeze %dma_wait3A_305 : memref<1x64xi32, #tpu.memory_space<hbm>> -> memref<64xi32, #tpu.memory_space<hbm>>
      %dma_wait3A_307 = arith.constant 0 : i32
      %dma_wait3A_308 = tpu.memref_slice %arg6[%dma_wait3A_301, %dma_wait3A_307] : memref<13x64xi32, #tpu.memory_space<vmem>> -> memref<1x64xi32, #tpu.memory_space<vmem>>
      %dma_wait3A_309 = tpu.memref_squeeze %dma_wait3A_308 : memref<1x64xi32, #tpu.memory_space<vmem>> -> memref<64xi32, #tpu.memory_space<vmem>>
      %dma_wait3A_310 = tpu.memref_slice %arg4[%dma_wait3A_300, %add3A_13] : memref<13x16384xi32, #tpu.memory_space<hbm>> -> memref<1x64xi32, #tpu.memory_space<hbm>>
      %dma_wait3A_311 = tpu.memref_squeeze %dma_wait3A_310 : memref<1x64xi32, #tpu.memory_space<hbm>> -> memref<64xi32, #tpu.memory_space<hbm>>
      tpu.wait_dma2 semaphore(%arg10 : memref<!tpu.dma_semaphore, #tpu.memory_space<semaphore_mem>>) src(%dma_wait3A_311 : memref<64xi32, #tpu.memory_space<hbm>>) dst(%dma_wait3A_309 : memref<64xi32, #tpu.memory_space<vmem>>)
      %dma_wait3A_312 = arith.constant 12 : i32
      %dma_wait3A_313 = arith.constant 12 : i32
      %dma_wait3A_314 = arith.constant 0 : i32
      %dma_wait3A_315 = tpu.memref_slice %arg6[%dma_wait3A_313, %dma_wait3A_314] : memref<13x64xi32, #tpu.memory_space<vmem>> -> memref<1x64xi32, #tpu.memory_space<vmem>>
      %dma_wait3A_316 = tpu.memref_squeeze %dma_wait3A_315 : memref<1x64xi32, #tpu.memory_space<vmem>> -> memref<64xi32, #tpu.memory_space<vmem>>
      %dma_wait3A_317 = tpu.memref_slice %arg4[%dma_wait3A_312, %add3A_13] : memref<13x16384xi32, #tpu.memory_space<hbm>> -> memref<1x64xi32, #tpu.memory_space<hbm>>
      %dma_wait3A_318 = tpu.memref_squeeze %dma_wait3A_317 : memref<1x64xi32, #tpu.memory_space<hbm>> -> memref<64xi32, #tpu.memory_space<hbm>>
      %dma_wait3A_319 = arith.constant 0 : i32
      %dma_wait3A_320 = tpu.memref_slice %arg6[%dma_wait3A_313, %dma_wait3A_319] : memref<13x64xi32, #tpu.memory_space<vmem>> -> memref<1x64xi32, #tpu.memory_space<vmem>>
      %dma_wait3A_321 = tpu.memref_squeeze %dma_wait3A_320 : memref<1x64xi32, #tpu.memory_space<vmem>> -> memref<64xi32, #tpu.memory_space<vmem>>
      %dma_wait3A_322 = tpu.memref_slice %arg4[%dma_wait3A_312, %add3A_13] : memref<13x16384xi32, #tpu.memory_space<hbm>> -> memref<1x64xi32, #tpu.memory_space<hbm>>
      %dma_wait3A_323 = tpu.memref_squeeze %dma_wait3A_322 : memref<1x64xi32, #tpu.memory_space<hbm>> -> memref<64xi32, #tpu.memory_space<hbm>>
      tpu.wait_dma2 semaphore(%arg10 : memref<!tpu.dma_semaphore, #tpu.memory_space<semaphore_mem>>) src(%dma_wait3A_323 : memref<64xi32, #tpu.memory_space<hbm>>) dst(%dma_wait3A_321 : memref<64xi32, #tpu.memory_space<vmem>>)
      %scan3A_324 = arith.constant 0 : i32
      %scan3A_325 = arith.constant 0 : i32
      %scan3A_326 = arith.constant 4 : i32
      %scan3A_327 = arith.addi %scan3A_325, %scan3A_326 : i32
      %scan3A_328 = arith.constant 1 : i32
      %scan3A_329 = scf.for %scan3A_651 = %scan3A_325 to %scan3A_327 step %scan3A_328 iter_args(%scan3A_652 = %scan3A_324) -> (i32)  : i32 {
        %mul3A_653 = arith.constant 16 : i32
        %mul3A_654 = arith.muli %scan3A_651, %mul3A_653 : i32
        %add3A_655 = vector.broadcast %mul3A_654 : i32 to vector<16xi32>
        %add3A_656 = arith.addi %add3A_655, %iota3A : vector<16xi32>
        %mul3A_657 = arith.constant 16 : i32
        %mul3A_658 = arith.muli %scan3A_651, %mul3A_657 : i32
        %get3A = arith.constant 11 : i32
        %get3A_659 = arith.index_cast %get3A : i32 to index
        %get3A_660 = arith.index_cast %mul3A_658 : i32 to index
        %get3A_661 = tpu.vector_load %arg6[%get3A_659, %get3A_660] {strides = array<i32>} : memref<13x64xi32, #tpu.memory_space<vmem>>, vector<16xi32>,
        %shift_right_arithmetic3A = arith.constant 1 : i32
        %shift_right_arithmetic3A_662 = vector.broadcast %shift_right_arithmetic3A : i32 to vector<16xi32>
        %shift_right_arithmetic3A_663 = arith.shrsi %get3A_661, %shift_right_arithmetic3A_662 : vector<16xi32>
        %scatter3A = arith.constant 0 : i32
        %scatter3A_664 = arith.constant 0 : i32
        %scatter3A_665 = tpu.memref_slice %arg7[%scatter3A, %scatter3A_664] : memref<2x64xi32, #tpu.memory_space<vmem>> -> memref<1x64xi32, #tpu.memory_space<vmem>>
        %scatter3A_666 = tpu.memref_squeeze %scatter3A_665 : memref<1x64xi32, #tpu.memory_space<vmem>> -> memref<64xi32, #tpu.memory_space<vmem>>
        tpu.vector_store_idx %scatter3A_666[%add3A_656], %shift_right_arithmetic3A_663 : memref<64xi32, #tpu.memory_space<vmem>>[vector<16xi32>], vector<16xi32>,
        %mul3A_667 = arith.constant 16 : i32
        %mul3A_668 = arith.muli %scan3A_651, %mul3A_667 : i32
        %get3A_669 = arith.constant 12 : i32
        %get3A_670 = arith.index_cast %get3A_669 : i32 to index
        %get3A_671 = arith.index_cast %mul3A_668 : i32 to index
        %get3A_672 = tpu.vector_load %arg6[%get3A_670, %get3A_671] {strides = array<i32>} : memref<13x64xi32, #tpu.memory_space<vmem>>, vector<16xi32>,
        %shift_right_arithmetic3A_673 = arith.constant 1 : i32
        %shift_right_arithmetic3A_674 = vector.broadcast %shift_right_arithmetic3A_673 : i32 to vector<16xi32>
        %shift_right_arithmetic3A_675 = arith.shrsi %get3A_672, %shift_right_arithmetic3A_674 : vector<16xi32>
        %scatter3A_676 = arith.constant 1 : i32
        %scatter3A_677 = arith.constant 0 : i32
        %scatter3A_678 = tpu.memref_slice %arg7[%scatter3A_676, %scatter3A_677] : memref<2x64xi32, #tpu.memory_space<vmem>> -> memref<1x64xi32, #tpu.memory_space<vmem>>
        %scatter3A_679 = tpu.memref_squeeze %scatter3A_678 : memref<1x64xi32, #tpu.memory_space<vmem>> -> memref<64xi32, #tpu.memory_space<vmem>>
        tpu.vector_store_idx %scatter3A_679[%add3A_656], %shift_right_arithmetic3A_675 : memref<64xi32, #tpu.memory_space<vmem>>[vector<16xi32>], vector<16xi32>,
        %scan3A_680 = arith.constant 0 : i32
        scf.yield %scan3A_680 : i32
      }
      %scan3A_330 = arith.constant 4 : i32
      %dma_start3A_331 = arith.constant 0 : i32
      %dma_start3A_332 = arith.constant 0 : i32
      %dma_start3A_333 = arith.constant 0 : i32
      %dma_start3A_334 = arith.constant 0 : i32
      %dma_start3A_335 = tpu.memref_slice %arg8[%dma_start3A_332, %dma_start3A_333, %dma_start3A_334] : memref<13x64x128xf32, #tpu.memory_space<vmem>> -> memref<1x64x128xf32, #tpu.memory_space<vmem>>
      %dma_start3A_336 = tpu.memref_squeeze %dma_start3A_335 : memref<1x64x128xf32, #tpu.memory_space<vmem>> -> memref<64x128xf32, #tpu.memory_space<vmem>>
      %dma_start3A_337 = arith.constant 0 : i32
      %dma_start3A_338 = tpu.memref_slice %arg6[%dma_start3A_331, %dma_start3A_337] : memref<13x64xi32, #tpu.memory_space<vmem>> -> memref<1x64xi32, #tpu.memory_space<vmem>>
      %dma_start3A_339 = tpu.memref_squeeze %dma_start3A_338 : memref<1x64xi32, #tpu.memory_space<vmem>> -> memref<64xi32, #tpu.memory_space<vmem>>
      %dma_start3A_340 = arith.constant 0 : i32
      %dma_start3A_341 = arith.constant 0 : i32
      %dma_start3A_342 = tpu.memref_slice %arg2[%dma_start3A_340, %dma_start3A_341] : memref<1000000x128xf32, #tpu.memory_space<hbm>> -> memref<1000000x128xf32, #tpu.memory_space<hbm>>
      tpu.enqueue_indirect_dma source(%dma_start3A_342 : memref<1000000x128xf32, #tpu.memory_space<hbm>>) target(%dma_start3A_336 : memref<64x128xf32, #tpu.memory_space<vmem>>) offsets(%dma_start3A_339 : memref<64xi32, #tpu.memory_space<vmem>>) semaphore(%arg10 : memref<!tpu.dma_semaphore, #tpu.memory_space<semaphore_mem>>)
      %dma_start3A_343 = arith.constant 1 : i32
      %dma_start3A_344 = arith.constant 1 : i32
      %dma_start3A_345 = arith.constant 0 : i32
      %dma_start3A_346 = arith.constant 0 : i32
      %dma_start3A_347 = tpu.memref_slice %arg8[%dma_start3A_344, %dma_start3A_345, %dma_start3A_346] : memref<13x64x128xf32, #tpu.memory_space<vmem>> -> memref<1x64x128xf32, #tpu.memory_space<vmem>>
      %dma_start3A_348 = tpu.memref_squeeze %dma_start3A_347 : memref<1x64x128xf32, #tpu.memory_space<vmem>> -> memref<64x128xf32, #tpu.memory_space<vmem>>
      %dma_start3A_349 = arith.constant 0 : i32
      %dma_start3A_350 = tpu.memref_slice %arg6[%dma_start3A_343, %dma_start3A_349] : memref<13x64xi32, #tpu.memory_space<vmem>> -> memref<1x64xi32, #tpu.memory_space<vmem>>
      %dma_start3A_351 = tpu.memref_squeeze %dma_start3A_350 : memref<1x64xi32, #tpu.memory_space<vmem>> -> memref<64xi32, #tpu.memory_space<vmem>>
      %dma_start3A_352 = arith.constant 0 : i32
      %dma_start3A_353 = arith.constant 0 : i32
      %dma_start3A_354 = tpu.memref_slice %arg2[%dma_start3A_352, %dma_start3A_353] : memref<1000000x128xf32, #tpu.memory_space<hbm>> -> memref<1000000x128xf32, #tpu.memory_space<hbm>>
      tpu.enqueue_indirect_dma source(%dma_start3A_354 : memref<1000000x128xf32, #tpu.memory_space<hbm>>) target(%dma_start3A_348 : memref<64x128xf32, #tpu.memory_space<vmem>>) offsets(%dma_start3A_351 : memref<64xi32, #tpu.memory_space<vmem>>) semaphore(%arg10 : memref<!tpu.dma_semaphore, #tpu.memory_space<semaphore_mem>>)
      %dma_start3A_355 = arith.constant 2 : i32
      %dma_start3A_356 = arith.constant 2 : i32
      %dma_start3A_357 = arith.constant 0 : i32
      %dma_start3A_358 = arith.constant 0 : i32
      %dma_start3A_359 = tpu.memref_slice %arg8[%dma_start3A_356, %dma_start3A_357, %dma_start3A_358] : memref<13x64x128xf32, #tpu.memory_space<vmem>> -> memref<1x64x128xf32, #tpu.memory_space<vmem>>
      %dma_start3A_360 = tpu.memref_squeeze %dma_start3A_359 : memref<1x64x128xf32, #tpu.memory_space<vmem>> -> memref<64x128xf32, #tpu.memory_space<vmem>>
      %dma_start3A_361 = arith.constant 0 : i32
      %dma_start3A_362 = tpu.memref_slice %arg6[%dma_start3A_355, %dma_start3A_361] : memref<13x64xi32, #tpu.memory_space<vmem>> -> memref<1x64xi32, #tpu.memory_space<vmem>>
      %dma_start3A_363 = tpu.memref_squeeze %dma_start3A_362 : memref<1x64xi32, #tpu.memory_space<vmem>> -> memref<64xi32, #tpu.memory_space<vmem>>
      %dma_start3A_364 = arith.constant 0 : i32
      %dma_start3A_365 = arith.constant 0 : i32
      %dma_start3A_366 = tpu.memref_slice %arg2[%dma_start3A_364, %dma_start3A_365] : memref<1000000x128xf32, #tpu.memory_space<hbm>> -> memref<1000000x128xf32, #tpu.memory_space<hbm>>
      tpu.enqueue_indirect_dma source(%dma_start3A_366 : memref<1000000x128xf32, #tpu.memory_space<hbm>>) target(%dma_start3A_360 : memref<64x128xf32, #tpu.memory_space<vmem>>) offsets(%dma_start3A_363 : memref<64xi32, #tpu.memory_space<vmem>>) semaphore(%arg10 : memref<!tpu.dma_semaphore, #tpu.memory_space<semaphore_mem>>)
      %dma_start3A_367 = arith.constant 3 : i32
      %dma_start3A_368 = arith.constant 3 : i32
      %dma_start3A_369 = arith.constant 0 : i32
      %dma_start3A_370 = arith.constant 0 : i32
      %dma_start3A_371 = tpu.memref_slice %arg8[%dma_start3A_368, %dma_start3A_369, %dma_start3A_370] : memref<13x64x128xf32, #tpu.memory_space<vmem>> -> memref<1x64x128xf32, #tpu.memory_space<vmem>>
      %dma_start3A_372 = tpu.memref_squeeze %dma_start3A_371 : memref<1x64x128xf32, #tpu.memory_space<vmem>> -> memref<64x128xf32, #tpu.memory_space<vmem>>
      %dma_start3A_373 = arith.constant 0 : i32
      %dma_start3A_374 = tpu.memref_slice %arg6[%dma_start3A_367, %dma_start3A_373] : memref<13x64xi32, #tpu.memory_space<vmem>> -> memref<1x64xi32, #tpu.memory_space<vmem>>
      %dma_start3A_375 = tpu.memref_squeeze %dma_start3A_374 : memref<1x64xi32, #tpu.memory_space<vmem>> -> memref<64xi32, #tpu.memory_space<vmem>>
      %dma_start3A_376 = arith.constant 0 : i32
      %dma_start3A_377 = arith.constant 0 : i32
      %dma_start3A_378 = tpu.memref_slice %arg2[%dma_start3A_376, %dma_start3A_377] : memref<1000000x128xf32, #tpu.memory_space<hbm>> -> memref<1000000x128xf32, #tpu.memory_space<hbm>>
      tpu.enqueue_indirect_dma source(%dma_start3A_378 : memref<1000000x128xf32, #tpu.memory_space<hbm>>) target(%dma_start3A_372 : memref<64x128xf32, #tpu.memory_space<vmem>>) offsets(%dma_start3A_375 : memref<64xi32, #tpu.memory_space<vmem>>) semaphore(%arg10 : memref<!tpu.dma_semaphore, #tpu.memory_space<semaphore_mem>>)
      %dma_start3A_379 = arith.constant 4 : i32
      %dma_start3A_380 = arith.constant 4 : i32
      %dma_start3A_381 = arith.constant 0 : i32
      %dma_start3A_382 = arith.constant 0 : i32
      %dma_start3A_383 = tpu.memref_slice %arg8[%dma_start3A_380, %dma_start3A_381, %dma_start3A_382] : memref<13x64x128xf32, #tpu.memory_space<vmem>> -> memref<1x64x128xf32, #tpu.memory_space<vmem>>
      %dma_start3A_384 = tpu.memref_squeeze %dma_start3A_383 : memref<1x64x128xf32, #tpu.memory_space<vmem>> -> memref<64x128xf32, #tpu.memory_space<vmem>>
      %dma_start3A_385 = arith.constant 0 : i32
      %dma_start3A_386 = tpu.memref_slice %arg6[%dma_start3A_379, %dma_start3A_385] : memref<13x64xi32, #tpu.memory_space<vmem>> -> memref<1x64xi32, #tpu.memory_space<vmem>>
      %dma_start3A_387 = tpu.memref_squeeze %dma_start3A_386 : memref<1x64xi32, #tpu.memory_space<vmem>> -> memref<64xi32, #tpu.memory_space<vmem>>
      %dma_start3A_388 = arith.constant 0 : i32
      %dma_start3A_389 = arith.constant 0 : i32
      %dma_start3A_390 = tpu.memref_slice %arg2[%dma_start3A_388, %dma_start3A_389] : memref<1000000x128xf32, #tpu.memory_space<hbm>> -> memref<1000000x128xf32, #tpu.memory_space<hbm>>
      tpu.enqueue_indirect_dma source(%dma_start3A_390 : memref<1000000x128xf32, #tpu.memory_space<hbm>>) target(%dma_start3A_384 : memref<64x128xf32, #tpu.memory_space<vmem>>) offsets(%dma_start3A_387 : memref<64xi32, #tpu.memory_space<vmem>>) semaphore(%arg10 : memref<!tpu.dma_semaphore, #tpu.memory_space<semaphore_mem>>)
      %dma_start3A_391 = arith.constant 5 : i32
      %dma_start3A_392 = arith.constant 5 : i32
      %dma_start3A_393 = arith.constant 0 : i32
      %dma_start3A_394 = arith.constant 0 : i32
      %dma_start3A_395 = tpu.memref_slice %arg8[%dma_start3A_392, %dma_start3A_393, %dma_start3A_394] : memref<13x64x128xf32, #tpu.memory_space<vmem>> -> memref<1x64x128xf32, #tpu.memory_space<vmem>>
      %dma_start3A_396 = tpu.memref_squeeze %dma_start3A_395 : memref<1x64x128xf32, #tpu.memory_space<vmem>> -> memref<64x128xf32, #tpu.memory_space<vmem>>
      %dma_start3A_397 = arith.constant 0 : i32
      %dma_start3A_398 = tpu.memref_slice %arg6[%dma_start3A_391, %dma_start3A_397] : memref<13x64xi32, #tpu.memory_space<vmem>> -> memref<1x64xi32, #tpu.memory_space<vmem>>
      %dma_start3A_399 = tpu.memref_squeeze %dma_start3A_398 : memref<1x64xi32, #tpu.memory_space<vmem>> -> memref<64xi32, #tpu.memory_space<vmem>>
      %dma_start3A_400 = arith.constant 0 : i32
      %dma_start3A_401 = arith.constant 0 : i32
      %dma_start3A_402 = tpu.memref_slice %arg2[%dma_start3A_400, %dma_start3A_401] : memref<1000000x128xf32, #tpu.memory_space<hbm>> -> memref<1000000x128xf32, #tpu.memory_space<hbm>>
      tpu.enqueue_indirect_dma source(%dma_start3A_402 : memref<1000000x128xf32, #tpu.memory_space<hbm>>) target(%dma_start3A_396 : memref<64x128xf32, #tpu.memory_space<vmem>>) offsets(%dma_start3A_399 : memref<64xi32, #tpu.memory_space<vmem>>) semaphore(%arg10 : memref<!tpu.dma_semaphore, #tpu.memory_space<semaphore_mem>>)
      %dma_start3A_403 = arith.constant 6 : i32
      %dma_start3A_404 = arith.constant 6 : i32
      %dma_start3A_405 = arith.constant 0 : i32
      %dma_start3A_406 = arith.constant 0 : i32
      %dma_start3A_407 = tpu.memref_slice %arg8[%dma_start3A_404, %dma_start3A_405, %dma_start3A_406] : memref<13x64x128xf32, #tpu.memory_space<vmem>> -> memref<1x64x128xf32, #tpu.memory_space<vmem>>
      %dma_start3A_408 = tpu.memref_squeeze %dma_start3A_407 : memref<1x64x128xf32, #tpu.memory_space<vmem>> -> memref<64x128xf32, #tpu.memory_space<vmem>>
      %dma_start3A_409 = arith.constant 0 : i32
      %dma_start3A_410 = tpu.memref_slice %arg6[%dma_start3A_403, %dma_start3A_409] : memref<13x64xi32, #tpu.memory_space<vmem>> -> memref<1x64xi32, #tpu.memory_space<vmem>>
      %dma_start3A_411 = tpu.memref_squeeze %dma_start3A_410 : memref<1x64xi32, #tpu.memory_space<vmem>> -> memref<64xi32, #tpu.memory_space<vmem>>
      %dma_start3A_412 = arith.constant 0 : i32
      %dma_start3A_413 = arith.constant 0 : i32
      %dma_start3A_414 = tpu.memref_slice %arg2[%dma_start3A_412, %dma_start3A_413] : memref<1000000x128xf32, #tpu.memory_space<hbm>> -> memref<1000000x128xf32, #tpu.memory_space<hbm>>
      tpu.enqueue_indirect_dma source(%dma_start3A_414 : memref<1000000x128xf32, #tpu.memory_space<hbm>>) target(%dma_start3A_408 : memref<64x128xf32, #tpu.memory_space<vmem>>) offsets(%dma_start3A_411 : memref<64xi32, #tpu.memory_space<vmem>>) semaphore(%arg10 : memref<!tpu.dma_semaphore, #tpu.memory_space<semaphore_mem>>)
      %dma_start3A_415 = arith.constant 7 : i32
      %dma_start3A_416 = arith.constant 7 : i32
      %dma_start3A_417 = arith.constant 0 : i32
      %dma_start3A_418 = arith.constant 0 : i32
      %dma_start3A_419 = tpu.memref_slice %arg8[%dma_start3A_416, %dma_start3A_417, %dma_start3A_418] : memref<13x64x128xf32, #tpu.memory_space<vmem>> -> memref<1x64x128xf32, #tpu.memory_space<vmem>>
      %dma_start3A_420 = tpu.memref_squeeze %dma_start3A_419 : memref<1x64x128xf32, #tpu.memory_space<vmem>> -> memref<64x128xf32, #tpu.memory_space<vmem>>
      %dma_start3A_421 = arith.constant 0 : i32
      %dma_start3A_422 = tpu.memref_slice %arg6[%dma_start3A_415, %dma_start3A_421] : memref<13x64xi32, #tpu.memory_space<vmem>> -> memref<1x64xi32, #tpu.memory_space<vmem>>
      %dma_start3A_423 = tpu.memref_squeeze %dma_start3A_422 : memref<1x64xi32, #tpu.memory_space<vmem>> -> memref<64xi32, #tpu.memory_space<vmem>>
      %dma_start3A_424 = arith.constant 0 : i32
      %dma_start3A_425 = arith.constant 0 : i32
      %dma_start3A_426 = tpu.memref_slice %arg2[%dma_start3A_424, %dma_start3A_425] : memref<1000000x128xf32, #tpu.memory_space<hbm>> -> memref<1000000x128xf32, #tpu.memory_space<hbm>>
      tpu.enqueue_indirect_dma source(%dma_start3A_426 : memref<1000000x128xf32, #tpu.memory_space<hbm>>) target(%dma_start3A_420 : memref<64x128xf32, #tpu.memory_space<vmem>>) offsets(%dma_start3A_423 : memref<64xi32, #tpu.memory_space<vmem>>) semaphore(%arg10 : memref<!tpu.dma_semaphore, #tpu.memory_space<semaphore_mem>>)
      %dma_start3A_427 = arith.constant 8 : i32
      %dma_start3A_428 = arith.constant 8 : i32
      %dma_start3A_429 = arith.constant 0 : i32
      %dma_start3A_430 = arith.constant 0 : i32
      %dma_start3A_431 = tpu.memref_slice %arg8[%dma_start3A_428, %dma_start3A_429, %dma_start3A_430] : memref<13x64x128xf32, #tpu.memory_space<vmem>> -> memref<1x64x128xf32, #tpu.memory_space<vmem>>
      %dma_start3A_432 = tpu.memref_squeeze %dma_start3A_431 : memref<1x64x128xf32, #tpu.memory_space<vmem>> -> memref<64x128xf32, #tpu.memory_space<vmem>>
      %dma_start3A_433 = arith.constant 0 : i32
      %dma_start3A_434 = tpu.memref_slice %arg6[%dma_start3A_427, %dma_start3A_433] : memref<13x64xi32, #tpu.memory_space<vmem>> -> memref<1x64xi32, #tpu.memory_space<vmem>>
      %dma_start3A_435 = tpu.memref_squeeze %dma_start3A_434 : memref<1x64xi32, #tpu.memory_space<vmem>> -> memref<64xi32, #tpu.memory_space<vmem>>
      %dma_start3A_436 = arith.constant 0 : i32
      %dma_start3A_437 = arith.constant 0 : i32
      %dma_start3A_438 = tpu.memref_slice %arg2[%dma_start3A_436, %dma_start3A_437] : memref<1000000x128xf32, #tpu.memory_space<hbm>> -> memref<1000000x128xf32, #tpu.memory_space<hbm>>
      tpu.enqueue_indirect_dma source(%dma_start3A_438 : memref<1000000x128xf32, #tpu.memory_space<hbm>>) target(%dma_start3A_432 : memref<64x128xf32, #tpu.memory_space<vmem>>) offsets(%dma_start3A_435 : memref<64xi32, #tpu.memory_space<vmem>>) semaphore(%arg10 : memref<!tpu.dma_semaphore, #tpu.memory_space<semaphore_mem>>)
      %dma_start3A_439 = arith.constant 9 : i32
      %dma_start3A_440 = arith.constant 9 : i32
      %dma_start3A_441 = arith.constant 0 : i32
      %dma_start3A_442 = arith.constant 0 : i32
      %dma_start3A_443 = tpu.memref_slice %arg8[%dma_start3A_440, %dma_start3A_441, %dma_start3A_442] : memref<13x64x128xf32, #tpu.memory_space<vmem>> -> memref<1x64x128xf32, #tpu.memory_space<vmem>>
      %dma_start3A_444 = tpu.memref_squeeze %dma_start3A_443 : memref<1x64x128xf32, #tpu.memory_space<vmem>> -> memref<64x128xf32, #tpu.memory_space<vmem>>
      %dma_start3A_445 = arith.constant 0 : i32
      %dma_start3A_446 = tpu.memref_slice %arg6[%dma_start3A_439, %dma_start3A_445] : memref<13x64xi32, #tpu.memory_space<vmem>> -> memref<1x64xi32, #tpu.memory_space<vmem>>
      %dma_start3A_447 = tpu.memref_squeeze %dma_start3A_446 : memref<1x64xi32, #tpu.memory_space<vmem>> -> memref<64xi32, #tpu.memory_space<vmem>>
      %dma_start3A_448 = arith.constant 0 : i32
      %dma_start3A_449 = arith.constant 0 : i32
      %dma_start3A_450 = tpu.memref_slice %arg2[%dma_start3A_448, %dma_start3A_449] : memref<1000000x128xf32, #tpu.memory_space<hbm>> -> memref<1000000x128xf32, #tpu.memory_space<hbm>>
      tpu.enqueue_indirect_dma source(%dma_start3A_450 : memref<1000000x128xf32, #tpu.memory_space<hbm>>) target(%dma_start3A_444 : memref<64x128xf32, #tpu.memory_space<vmem>>) offsets(%dma_start3A_447 : memref<64xi32, #tpu.memory_space<vmem>>) semaphore(%arg10 : memref<!tpu.dma_semaphore, #tpu.memory_space<semaphore_mem>>)
      %dma_start3A_451 = arith.constant 10 : i32
      %dma_start3A_452 = arith.constant 10 : i32
      %dma_start3A_453 = arith.constant 0 : i32
      %dma_start3A_454 = arith.constant 0 : i32
      %dma_start3A_455 = tpu.memref_slice %arg8[%dma_start3A_452, %dma_start3A_453, %dma_start3A_454] : memref<13x64x128xf32, #tpu.memory_space<vmem>> -> memref<1x64x128xf32, #tpu.memory_space<vmem>>
      %dma_start3A_456 = tpu.memref_squeeze %dma_start3A_455 : memref<1x64x128xf32, #tpu.memory_space<vmem>> -> memref<64x128xf32, #tpu.memory_space<vmem>>
      %dma_start3A_457 = arith.constant 0 : i32
      %dma_start3A_458 = tpu.memref_slice %arg6[%dma_start3A_451, %dma_start3A_457] : memref<13x64xi32, #tpu.memory_space<vmem>> -> memref<1x64xi32, #tpu.memory_space<vmem>>
      %dma_start3A_459 = tpu.memref_squeeze %dma_start3A_458 : memref<1x64xi32, #tpu.memory_space<vmem>> -> memref<64xi32, #tpu.memory_space<vmem>>
      %dma_start3A_460 = arith.constant 0 : i32
      %dma_start3A_461 = arith.constant 0 : i32
      %dma_start3A_462 = tpu.memref_slice %arg2[%dma_start3A_460, %dma_start3A_461] : memref<1000000x128xf32, #tpu.memory_space<hbm>> -> memref<1000000x128xf32, #tpu.memory_space<hbm>>
      tpu.enqueue_indirect_dma source(%dma_start3A_462 : memref<1000000x128xf32, #tpu.memory_space<hbm>>) target(%dma_start3A_456 : memref<64x128xf32, #tpu.memory_space<vmem>>) offsets(%dma_start3A_459 : memref<64xi32, #tpu.memory_space<vmem>>) semaphore(%arg10 : memref<!tpu.dma_semaphore, #tpu.memory_space<semaphore_mem>>)
      %dma_start3A_463 = arith.constant 0 : i32
      %dma_start3A_464 = arith.constant 11 : i32
      %dma_start3A_465 = arith.constant 0 : i32
      %dma_start3A_466 = arith.constant 0 : i32
      %dma_start3A_467 = tpu.memref_slice %arg8[%dma_start3A_464, %dma_start3A_465, %dma_start3A_466] : memref<13x64x128xf32, #tpu.memory_space<vmem>> -> memref<1x64x128xf32, #tpu.memory_space<vmem>>
      %dma_start3A_468 = tpu.memref_squeeze %dma_start3A_467 : memref<1x64x128xf32, #tpu.memory_space<vmem>> -> memref<64x128xf32, #tpu.memory_space<vmem>>
      %dma_start3A_469 = arith.constant 0 : i32
      %dma_start3A_470 = tpu.memref_slice %arg7[%dma_start3A_463, %dma_start3A_469] : memref<2x64xi32, #tpu.memory_space<vmem>> -> memref<1x64xi32, #tpu.memory_space<vmem>>
      %dma_start3A_471 = tpu.memref_squeeze %dma_start3A_470 : memref<1x64xi32, #tpu.memory_space<vmem>> -> memref<64xi32, #tpu.memory_space<vmem>>
      %dma_start3A_472 = arith.constant 0 : i32
      %dma_start3A_473 = arith.constant 0 : i32
      %dma_start3A_474 = tpu.memref_slice %arg3[%dma_start3A_472, %dma_start3A_473] : memref<500000x128xf32, #tpu.memory_space<hbm>> -> memref<500000x128xf32, #tpu.memory_space<hbm>>
      tpu.enqueue_indirect_dma source(%dma_start3A_474 : memref<500000x128xf32, #tpu.memory_space<hbm>>) target(%dma_start3A_468 : memref<64x128xf32, #tpu.memory_space<vmem>>) offsets(%dma_start3A_471 : memref<64xi32, #tpu.memory_space<vmem>>) semaphore(%arg10 : memref<!tpu.dma_semaphore, #tpu.memory_space<semaphore_mem>>)
      %dma_start3A_475 = arith.constant 1 : i32
      %dma_start3A_476 = arith.constant 12 : i32
      %dma_start3A_477 = arith.constant 0 : i32
      %dma_start3A_478 = arith.constant 0 : i32
      %dma_start3A_479 = tpu.memref_slice %arg8[%dma_start3A_476, %dma_start3A_477, %dma_start3A_478] : memref<13x64x128xf32, #tpu.memory_space<vmem>> -> memref<1x64x128xf32, #tpu.memory_space<vmem>>
      %dma_start3A_480 = tpu.memref_squeeze %dma_start3A_479 : memref<1x64x128xf32, #tpu.memory_space<vmem>> -> memref<64x128xf32, #tpu.memory_space<vmem>>
      %dma_start3A_481 = arith.constant 0 : i32
      %dma_start3A_482 = tpu.memref_slice %arg7[%dma_start3A_475, %dma_start3A_481] : memref<2x64xi32, #tpu.memory_space<vmem>> -> memref<1x64xi32, #tpu.memory_space<vmem>>
      %dma_start3A_483 = tpu.memref_squeeze %dma_start3A_482 : memref<1x64xi32, #tpu.memory_space<vmem>> -> memref<64xi32, #tpu.memory_space<vmem>>
      %dma_start3A_484 = arith.constant 0 : i32
      %dma_start3A_485 = arith.constant 0 : i32
      %dma_start3A_486 = tpu.memref_slice %arg3[%dma_start3A_484, %dma_start3A_485] : memref<500000x128xf32, #tpu.memory_space<hbm>> -> memref<500000x128xf32, #tpu.memory_space<hbm>>
      tpu.enqueue_indirect_dma source(%dma_start3A_486 : memref<500000x128xf32, #tpu.memory_space<hbm>>) target(%dma_start3A_480 : memref<64x128xf32, #tpu.memory_space<vmem>>) offsets(%dma_start3A_483 : memref<64xi32, #tpu.memory_space<vmem>>) semaphore(%arg10 : memref<!tpu.dma_semaphore, #tpu.memory_space<semaphore_mem>>)
      %dma_wait3A_487 = arith.constant 0 : i32
      %dma_wait3A_488 = arith.constant 0 : i32
      %dma_wait3A_489 = arith.constant 0 : i32
      %dma_wait3A_490 = arith.constant 0 : i32
      %dma_wait3A_491 = tpu.memref_slice %arg8[%dma_wait3A_488, %dma_wait3A_489, %dma_wait3A_490] : memref<13x64x128xf32, #tpu.memory_space<vmem>> -> memref<1x64x128xf32, #tpu.memory_space<vmem>>
      %dma_wait3A_492 = tpu.memref_squeeze %dma_wait3A_491 : memref<1x64x128xf32, #tpu.memory_space<vmem>> -> memref<64x128xf32, #tpu.memory_space<vmem>>
      %dma_wait3A_493 = arith.constant 0 : i32
      %dma_wait3A_494 = tpu.memref_slice %arg6[%dma_wait3A_487, %dma_wait3A_493] : memref<13x64xi32, #tpu.memory_space<vmem>> -> memref<1x64xi32, #tpu.memory_space<vmem>>
      %dma_wait3A_495 = tpu.memref_squeeze %dma_wait3A_494 : memref<1x64xi32, #tpu.memory_space<vmem>> -> memref<64xi32, #tpu.memory_space<vmem>>
      %dma_wait3A_496 = arith.constant 0 : i32
      %dma_wait3A_497 = arith.constant 0 : i32
      %dma_wait3A_498 = tpu.memref_slice %arg2[%dma_wait3A_496, %dma_wait3A_497] : memref<1000000x128xf32, #tpu.memory_space<hbm>> -> memref<1000000x128xf32, #tpu.memory_space<hbm>>
      tpu.wait_indirect_dma semaphore(%arg10 : memref<!tpu.dma_semaphore, #tpu.memory_space<semaphore_mem>>) src(%dma_wait3A_498 : memref<1000000x128xf32, #tpu.memory_space<hbm>>) dst(%dma_wait3A_492 : memref<64x128xf32, #tpu.memory_space<vmem>>)
      %dma_wait3A_499 = arith.constant 1 : i32
      %dma_wait3A_500 = arith.constant 1 : i32
      %dma_wait3A_501 = arith.constant 0 : i32
      %dma_wait3A_502 = arith.constant 0 : i32
      %dma_wait3A_503 = tpu.memref_slice %arg8[%dma_wait3A_500, %dma_wait3A_501, %dma_wait3A_502] : memref<13x64x128xf32, #tpu.memory_space<vmem>> -> memref<1x64x128xf32, #tpu.memory_space<vmem>>
      %dma_wait3A_504 = tpu.memref_squeeze %dma_wait3A_503 : memref<1x64x128xf32, #tpu.memory_space<vmem>> -> memref<64x128xf32, #tpu.memory_space<vmem>>
      %dma_wait3A_505 = arith.constant 0 : i32
      %dma_wait3A_506 = tpu.memref_slice %arg6[%dma_wait3A_499, %dma_wait3A_505] : memref<13x64xi32, #tpu.memory_space<vmem>> -> memref<1x64xi32, #tpu.memory_space<vmem>>
      %dma_wait3A_507 = tpu.memref_squeeze %dma_wait3A_506 : memref<1x64xi32, #tpu.memory_space<vmem>> -> memref<64xi32, #tpu.memory_space<vmem>>
      %dma_wait3A_508 = arith.constant 0 : i32
      %dma_wait3A_509 = arith.constant 0 : i32
      %dma_wait3A_510 = tpu.memref_slice %arg2[%dma_wait3A_508, %dma_wait3A_509] : memref<1000000x128xf32, #tpu.memory_space<hbm>> -> memref<1000000x128xf32, #tpu.memory_space<hbm>>
      tpu.wait_indirect_dma semaphore(%arg10 : memref<!tpu.dma_semaphore, #tpu.memory_space<semaphore_mem>>) src(%dma_wait3A_510 : memref<1000000x128xf32, #tpu.memory_space<hbm>>) dst(%dma_wait3A_504 : memref<64x128xf32, #tpu.memory_space<vmem>>)
      %dma_wait3A_511 = arith.constant 2 : i32
      %dma_wait3A_512 = arith.constant 2 : i32
      %dma_wait3A_513 = arith.constant 0 : i32
      %dma_wait3A_514 = arith.constant 0 : i32
      %dma_wait3A_515 = tpu.memref_slice %arg8[%dma_wait3A_512, %dma_wait3A_513, %dma_wait3A_514] : memref<13x64x128xf32, #tpu.memory_space<vmem>> -> memref<1x64x128xf32, #tpu.memory_space<vmem>>
      %dma_wait3A_516 = tpu.memref_squeeze %dma_wait3A_515 : memref<1x64x128xf32, #tpu.memory_space<vmem>> -> memref<64x128xf32, #tpu.memory_space<vmem>>
      %dma_wait3A_517 = arith.constant 0 : i32
      %dma_wait3A_518 = tpu.memref_slice %arg6[%dma_wait3A_511, %dma_wait3A_517] : memref<13x64xi32, #tpu.memory_space<vmem>> -> memref<1x64xi32, #tpu.memory_space<vmem>>
      %dma_wait3A_519 = tpu.memref_squeeze %dma_wait3A_518 : memref<1x64xi32, #tpu.memory_space<vmem>> -> memref<64xi32, #tpu.memory_space<vmem>>
      %dma_wait3A_520 = arith.constant 0 : i32
      %dma_wait3A_521 = arith.constant 0 : i32
      %dma_wait3A_522 = tpu.memref_slice %arg2[%dma_wait3A_520, %dma_wait3A_521] : memref<1000000x128xf32, #tpu.memory_space<hbm>> -> memref<1000000x128xf32, #tpu.memory_space<hbm>>
      tpu.wait_indirect_dma semaphore(%arg10 : memref<!tpu.dma_semaphore, #tpu.memory_space<semaphore_mem>>) src(%dma_wait3A_522 : memref<1000000x128xf32, #tpu.memory_space<hbm>>) dst(%dma_wait3A_516 : memref<64x128xf32, #tpu.memory_space<vmem>>)
      %dma_wait3A_523 = arith.constant 3 : i32
      %dma_wait3A_524 = arith.constant 3 : i32
      %dma_wait3A_525 = arith.constant 0 : i32
      %dma_wait3A_526 = arith.constant 0 : i32
      %dma_wait3A_527 = tpu.memref_slice %arg8[%dma_wait3A_524, %dma_wait3A_525, %dma_wait3A_526] : memref<13x64x128xf32, #tpu.memory_space<vmem>> -> memref<1x64x128xf32, #tpu.memory_space<vmem>>
      %dma_wait3A_528 = tpu.memref_squeeze %dma_wait3A_527 : memref<1x64x128xf32, #tpu.memory_space<vmem>> -> memref<64x128xf32, #tpu.memory_space<vmem>>
      %dma_wait3A_529 = arith.constant 0 : i32
      %dma_wait3A_530 = tpu.memref_slice %arg6[%dma_wait3A_523, %dma_wait3A_529] : memref<13x64xi32, #tpu.memory_space<vmem>> -> memref<1x64xi32, #tpu.memory_space<vmem>>
      %dma_wait3A_531 = tpu.memref_squeeze %dma_wait3A_530 : memref<1x64xi32, #tpu.memory_space<vmem>> -> memref<64xi32, #tpu.memory_space<vmem>>
      %dma_wait3A_532 = arith.constant 0 : i32
      %dma_wait3A_533 = arith.constant 0 : i32
      %dma_wait3A_534 = tpu.memref_slice %arg2[%dma_wait3A_532, %dma_wait3A_533] : memref<1000000x128xf32, #tpu.memory_space<hbm>> -> memref<1000000x128xf32, #tpu.memory_space<hbm>>
      tpu.wait_indirect_dma semaphore(%arg10 : memref<!tpu.dma_semaphore, #tpu.memory_space<semaphore_mem>>) src(%dma_wait3A_534 : memref<1000000x128xf32, #tpu.memory_space<hbm>>) dst(%dma_wait3A_528 : memref<64x128xf32, #tpu.memory_space<vmem>>)
      %dma_wait3A_535 = arith.constant 4 : i32
      %dma_wait3A_536 = arith.constant 4 : i32
      %dma_wait3A_537 = arith.constant 0 : i32
      %dma_wait3A_538 = arith.constant 0 : i32
      %dma_wait3A_539 = tpu.memref_slice %arg8[%dma_wait3A_536, %dma_wait3A_537, %dma_wait3A_538] : memref<13x64x128xf32, #tpu.memory_space<vmem>> -> memref<1x64x128xf32, #tpu.memory_space<vmem>>
      %dma_wait3A_540 = tpu.memref_squeeze %dma_wait3A_539 : memref<1x64x128xf32, #tpu.memory_space<vmem>> -> memref<64x128xf32, #tpu.memory_space<vmem>>
      %dma_wait3A_541 = arith.constant 0 : i32
      %dma_wait3A_542 = tpu.memref_slice %arg6[%dma_wait3A_535, %dma_wait3A_541] : memref<13x64xi32, #tpu.memory_space<vmem>> -> memref<1x64xi32, #tpu.memory_space<vmem>>
      %dma_wait3A_543 = tpu.memref_squeeze %dma_wait3A_542 : memref<1x64xi32, #tpu.memory_space<vmem>> -> memref<64xi32, #tpu.memory_space<vmem>>
      %dma_wait3A_544 = arith.constant 0 : i32
      %dma_wait3A_545 = arith.constant 0 : i32
      %dma_wait3A_546 = tpu.memref_slice %arg2[%dma_wait3A_544, %dma_wait3A_545] : memref<1000000x128xf32, #tpu.memory_space<hbm>> -> memref<1000000x128xf32, #tpu.memory_space<hbm>>
      tpu.wait_indirect_dma semaphore(%arg10 : memref<!tpu.dma_semaphore, #tpu.memory_space<semaphore_mem>>) src(%dma_wait3A_546 : memref<1000000x128xf32, #tpu.memory_space<hbm>>) dst(%dma_wait3A_540 : memref<64x128xf32, #tpu.memory_space<vmem>>)
      %dma_wait3A_547 = arith.constant 5 : i32
      %dma_wait3A_548 = arith.constant 5 : i32
      %dma_wait3A_549 = arith.constant 0 : i32
      %dma_wait3A_550 = arith.constant 0 : i32
      %dma_wait3A_551 = tpu.memref_slice %arg8[%dma_wait3A_548, %dma_wait3A_549, %dma_wait3A_550] : memref<13x64x128xf32, #tpu.memory_space<vmem>> -> memref<1x64x128xf32, #tpu.memory_space<vmem>>
      %dma_wait3A_552 = tpu.memref_squeeze %dma_wait3A_551 : memref<1x64x128xf32, #tpu.memory_space<vmem>> -> memref<64x128xf32, #tpu.memory_space<vmem>>
      %dma_wait3A_553 = arith.constant 0 : i32
      %dma_wait3A_554 = tpu.memref_slice %arg6[%dma_wait3A_547, %dma_wait3A_553] : memref<13x64xi32, #tpu.memory_space<vmem>> -> memref<1x64xi32, #tpu.memory_space<vmem>>
      %dma_wait3A_555 = tpu.memref_squeeze %dma_wait3A_554 : memref<1x64xi32, #tpu.memory_space<vmem>> -> memref<64xi32, #tpu.memory_space<vmem>>
      %dma_wait3A_556 = arith.constant 0 : i32
      %dma_wait3A_557 = arith.constant 0 : i32
      %dma_wait3A_558 = tpu.memref_slice %arg2[%dma_wait3A_556, %dma_wait3A_557] : memref<1000000x128xf32, #tpu.memory_space<hbm>> -> memref<1000000x128xf32, #tpu.memory_space<hbm>>
      tpu.wait_indirect_dma semaphore(%arg10 : memref<!tpu.dma_semaphore, #tpu.memory_space<semaphore_mem>>) src(%dma_wait3A_558 : memref<1000000x128xf32, #tpu.memory_space<hbm>>) dst(%dma_wait3A_552 : memref<64x128xf32, #tpu.memory_space<vmem>>)
      %dma_wait3A_559 = arith.constant 6 : i32
      %dma_wait3A_560 = arith.constant 6 : i32
      %dma_wait3A_561 = arith.constant 0 : i32
      %dma_wait3A_562 = arith.constant 0 : i32
      %dma_wait3A_563 = tpu.memref_slice %arg8[%dma_wait3A_560, %dma_wait3A_561, %dma_wait3A_562] : memref<13x64x128xf32, #tpu.memory_space<vmem>> -> memref<1x64x128xf32, #tpu.memory_space<vmem>>
      %dma_wait3A_564 = tpu.memref_squeeze %dma_wait3A_563 : memref<1x64x128xf32, #tpu.memory_space<vmem>> -> memref<64x128xf32, #tpu.memory_space<vmem>>
      %dma_wait3A_565 = arith.constant 0 : i32
      %dma_wait3A_566 = tpu.memref_slice %arg6[%dma_wait3A_559, %dma_wait3A_565] : memref<13x64xi32, #tpu.memory_space<vmem>> -> memref<1x64xi32, #tpu.memory_space<vmem>>
      %dma_wait3A_567 = tpu.memref_squeeze %dma_wait3A_566 : memref<1x64xi32, #tpu.memory_space<vmem>> -> memref<64xi32, #tpu.memory_space<vmem>>
      %dma_wait3A_568 = arith.constant 0 : i32
      %dma_wait3A_569 = arith.constant 0 : i32
      %dma_wait3A_570 = tpu.memref_slice %arg2[%dma_wait3A_568, %dma_wait3A_569] : memref<1000000x128xf32, #tpu.memory_space<hbm>> -> memref<1000000x128xf32, #tpu.memory_space<hbm>>
      tpu.wait_indirect_dma semaphore(%arg10 : memref<!tpu.dma_semaphore, #tpu.memory_space<semaphore_mem>>) src(%dma_wait3A_570 : memref<1000000x128xf32, #tpu.memory_space<hbm>>) dst(%dma_wait3A_564 : memref<64x128xf32, #tpu.memory_space<vmem>>)
      %dma_wait3A_571 = arith.constant 7 : i32
      %dma_wait3A_572 = arith.constant 7 : i32
      %dma_wait3A_573 = arith.constant 0 : i32
      %dma_wait3A_574 = arith.constant 0 : i32
      %dma_wait3A_575 = tpu.memref_slice %arg8[%dma_wait3A_572, %dma_wait3A_573, %dma_wait3A_574] : memref<13x64x128xf32, #tpu.memory_space<vmem>> -> memref<1x64x128xf32, #tpu.memory_space<vmem>>
      %dma_wait3A_576 = tpu.memref_squeeze %dma_wait3A_575 : memref<1x64x128xf32, #tpu.memory_space<vmem>> -> memref<64x128xf32, #tpu.memory_space<vmem>>
      %dma_wait3A_577 = arith.constant 0 : i32
      %dma_wait3A_578 = tpu.memref_slice %arg6[%dma_wait3A_571, %dma_wait3A_577] : memref<13x64xi32, #tpu.memory_space<vmem>> -> memref<1x64xi32, #tpu.memory_space<vmem>>
      %dma_wait3A_579 = tpu.memref_squeeze %dma_wait3A_578 : memref<1x64xi32, #tpu.memory_space<vmem>> -> memref<64xi32, #tpu.memory_space<vmem>>
      %dma_wait3A_580 = arith.constant 0 : i32
      %dma_wait3A_581 = arith.constant 0 : i32
      %dma_wait3A_582 = tpu.memref_slice %arg2[%dma_wait3A_580, %dma_wait3A_581] : memref<1000000x128xf32, #tpu.memory_space<hbm>> -> memref<1000000x128xf32, #tpu.memory_space<hbm>>
      tpu.wait_indirect_dma semaphore(%arg10 : memref<!tpu.dma_semaphore, #tpu.memory_space<semaphore_mem>>) src(%dma_wait3A_582 : memref<1000000x128xf32, #tpu.memory_space<hbm>>) dst(%dma_wait3A_576 : memref<64x128xf32, #tpu.memory_space<vmem>>)
      %dma_wait3A_583 = arith.constant 8 : i32
      %dma_wait3A_584 = arith.constant 8 : i32
      %dma_wait3A_585 = arith.constant 0 : i32
      %dma_wait3A_586 = arith.constant 0 : i32
      %dma_wait3A_587 = tpu.memref_slice %arg8[%dma_wait3A_584, %dma_wait3A_585, %dma_wait3A_586] : memref<13x64x128xf32, #tpu.memory_space<vmem>> -> memref<1x64x128xf32, #tpu.memory_space<vmem>>
      %dma_wait3A_588 = tpu.memref_squeeze %dma_wait3A_587 : memref<1x64x128xf32, #tpu.memory_space<vmem>> -> memref<64x128xf32, #tpu.memory_space<vmem>>
      %dma_wait3A_589 = arith.constant 0 : i32
      %dma_wait3A_590 = tpu.memref_slice %arg6[%dma_wait3A_583, %dma_wait3A_589] : memref<13x64xi32, #tpu.memory_space<vmem>> -> memref<1x64xi32, #tpu.memory_space<vmem>>
      %dma_wait3A_591 = tpu.memref_squeeze %dma_wait3A_590 : memref<1x64xi32, #tpu.memory_space<vmem>> -> memref<64xi32, #tpu.memory_space<vmem>>
      %dma_wait3A_592 = arith.constant 0 : i32
      %dma_wait3A_593 = arith.constant 0 : i32
      %dma_wait3A_594 = tpu.memref_slice %arg2[%dma_wait3A_592, %dma_wait3A_593] : memref<1000000x128xf32, #tpu.memory_space<hbm>> -> memref<1000000x128xf32, #tpu.memory_space<hbm>>
      tpu.wait_indirect_dma semaphore(%arg10 : memref<!tpu.dma_semaphore, #tpu.memory_space<semaphore_mem>>) src(%dma_wait3A_594 : memref<1000000x128xf32, #tpu.memory_space<hbm>>) dst(%dma_wait3A_588 : memref<64x128xf32, #tpu.memory_space<vmem>>)
      %dma_wait3A_595 = arith.constant 9 : i32
      %dma_wait3A_596 = arith.constant 9 : i32
      %dma_wait3A_597 = arith.constant 0 : i32
      %dma_wait3A_598 = arith.constant 0 : i32
      %dma_wait3A_599 = tpu.memref_slice %arg8[%dma_wait3A_596, %dma_wait3A_597, %dma_wait3A_598] : memref<13x64x128xf32, #tpu.memory_space<vmem>> -> memref<1x64x128xf32, #tpu.memory_space<vmem>>
      %dma_wait3A_600 = tpu.memref_squeeze %dma_wait3A_599 : memref<1x64x128xf32, #tpu.memory_space<vmem>> -> memref<64x128xf32, #tpu.memory_space<vmem>>
      %dma_wait3A_601 = arith.constant 0 : i32
      %dma_wait3A_602 = tpu.memref_slice %arg6[%dma_wait3A_595, %dma_wait3A_601] : memref<13x64xi32, #tpu.memory_space<vmem>> -> memref<1x64xi32, #tpu.memory_space<vmem>>
      %dma_wait3A_603 = tpu.memref_squeeze %dma_wait3A_602 : memref<1x64xi32, #tpu.memory_space<vmem>> -> memref<64xi32, #tpu.memory_space<vmem>>
      %dma_wait3A_604 = arith.constant 0 : i32
      %dma_wait3A_605 = arith.constant 0 : i32
      %dma_wait3A_606 = tpu.memref_slice %arg2[%dma_wait3A_604, %dma_wait3A_605] : memref<1000000x128xf32, #tpu.memory_space<hbm>> -> memref<1000000x128xf32, #tpu.memory_space<hbm>>
      tpu.wait_indirect_dma semaphore(%arg10 : memref<!tpu.dma_semaphore, #tpu.memory_space<semaphore_mem>>) src(%dma_wait3A_606 : memref<1000000x128xf32, #tpu.memory_space<hbm>>) dst(%dma_wait3A_600 : memref<64x128xf32, #tpu.memory_space<vmem>>)
      %dma_wait3A_607 = arith.constant 10 : i32
      %dma_wait3A_608 = arith.constant 10 : i32
      %dma_wait3A_609 = arith.constant 0 : i32
      %dma_wait3A_610 = arith.constant 0 : i32
      %dma_wait3A_611 = tpu.memref_slice %arg8[%dma_wait3A_608, %dma_wait3A_609, %dma_wait3A_610] : memref<13x64x128xf32, #tpu.memory_space<vmem>> -> memref<1x64x128xf32, #tpu.memory_space<vmem>>
      %dma_wait3A_612 = tpu.memref_squeeze %dma_wait3A_611 : memref<1x64x128xf32, #tpu.memory_space<vmem>> -> memref<64x128xf32, #tpu.memory_space<vmem>>
      %dma_wait3A_613 = arith.constant 0 : i32
      %dma_wait3A_614 = tpu.memref_slice %arg6[%dma_wait3A_607, %dma_wait3A_613] : memref<13x64xi32, #tpu.memory_space<vmem>> -> memref<1x64xi32, #tpu.memory_space<vmem>>
      %dma_wait3A_615 = tpu.memref_squeeze %dma_wait3A_614 : memref<1x64xi32, #tpu.memory_space<vmem>> -> memref<64xi32, #tpu.memory_space<vmem>>
      %dma_wait3A_616 = arith.constant 0 : i32
      %dma_wait3A_617 = arith.constant 0 : i32
      %dma_wait3A_618 = tpu.memref_slice %arg2[%dma_wait3A_616, %dma_wait3A_617] : memref<1000000x128xf32, #tpu.memory_space<hbm>> -> memref<1000000x128xf32, #tpu.memory_space<hbm>>
      tpu.wait_indirect_dma semaphore(%arg10 : memref<!tpu.dma_semaphore, #tpu.memory_space<semaphore_mem>>) src(%dma_wait3A_618 : memref<1000000x128xf32, #tpu.memory_space<hbm>>) dst(%dma_wait3A_612 : memref<64x128xf32, #tpu.memory_space<vmem>>)
      %dma_wait3A_619 = arith.constant 0 : i32
      %dma_wait3A_620 = arith.constant 11 : i32
      %dma_wait3A_621 = arith.constant 0 : i32
      %dma_wait3A_622 = arith.constant 0 : i32
      %dma_wait3A_623 = tpu.memref_slice %arg8[%dma_wait3A_620, %dma_wait3A_621, %dma_wait3A_622] : memref<13x64x128xf32, #tpu.memory_space<vmem>> -> memref<1x64x128xf32, #tpu.memory_space<vmem>>
      %dma_wait3A_624 = tpu.memref_squeeze %dma_wait3A_623 : memref<1x64x128xf32, #tpu.memory_space<vmem>> -> memref<64x128xf32, #tpu.memory_space<vmem>>
      %dma_wait3A_625 = arith.constant 0 : i32
      %dma_wait3A_626 = tpu.memref_slice %arg7[%dma_wait3A_619, %dma_wait3A_625] : memref<2x64xi32, #tpu.memory_space<vmem>> -> memref<1x64xi32, #tpu.memory_space<vmem>>
      %dma_wait3A_627 = tpu.memref_squeeze %dma_wait3A_626 : memref<1x64xi32, #tpu.memory_space<vmem>> -> memref<64xi32, #tpu.memory_space<vmem>>
      %dma_wait3A_628 = arith.constant 0 : i32
      %dma_wait3A_629 = arith.constant 0 : i32
      %dma_wait3A_630 = tpu.memref_slice %arg3[%dma_wait3A_628, %dma_wait3A_629] : memref<500000x128xf32, #tpu.memory_space<hbm>> -> memref<500000x128xf32, #tpu.memory_space<hbm>>
      tpu.wait_indirect_dma semaphore(%arg10 : memref<!tpu.dma_semaphore, #tpu.memory_space<semaphore_mem>>) src(%dma_wait3A_630 : memref<500000x128xf32, #tpu.memory_space<hbm>>) dst(%dma_wait3A_624 : memref<64x128xf32, #tpu.memory_space<vmem>>)
      %dma_wait3A_631 = arith.constant 1 : i32
      %dma_wait3A_632 = arith.constant 12 : i32
      %dma_wait3A_633 = arith.constant 0 : i32
      %dma_wait3A_634 = arith.constant 0 : i32
      %dma_wait3A_635 = tpu.memref_slice %arg8[%dma_wait3A_632, %dma_wait3A_633, %dma_wait3A_634] : memref<13x64x128xf32, #tpu.memory_space<vmem>> -> memref<1x64x128xf32, #tpu.memory_space<vmem>>
      %dma_wait3A_636 = tpu.memref_squeeze %dma_wait3A_635 : memref<1x64x128xf32, #tpu.memory_space<vmem>> -> memref<64x128xf32, #tpu.memory_space<vmem>>
      %dma_wait3A_637 = arith.constant 0 : i32
      %dma_wait3A_638 = tpu.memref_slice %arg7[%dma_wait3A_631, %dma_wait3A_637] : memref<2x64xi32, #tpu.memory_space<vmem>> -> memref<1x64xi32, #tpu.memory_space<vmem>>
      %dma_wait3A_639 = tpu.memref_squeeze %dma_wait3A_638 : memref<1x64xi32, #tpu.memory_space<vmem>> -> memref<64xi32, #tpu.memory_space<vmem>>
      %dma_wait3A_640 = arith.constant 0 : i32
      %dma_wait3A_641 = arith.constant 0 : i32
      %dma_wait3A_642 = tpu.memref_slice %arg3[%dma_wait3A_640, %dma_wait3A_641] : memref<500000x128xf32, #tpu.memory_space<hbm>> -> memref<500000x128xf32, #tpu.memory_space<hbm>>
      tpu.wait_indirect_dma semaphore(%arg10 : memref<!tpu.dma_semaphore, #tpu.memory_space<semaphore_mem>>) src(%dma_wait3A_642 : memref<500000x128xf32, #tpu.memory_space<hbm>>) dst(%dma_wait3A_636 : memref<64x128xf32, #tpu.memory_space<vmem>>)
      %scan3A_643 = arith.constant 0 : i32
      %scan3A_644 = arith.constant 0 : i32
      %scan3A_645 = arith.constant 4 : i32
      %scan3A_646 = arith.addi %scan3A_644, %scan3A_645 : i32
      %scan3A_647 = arith.constant 1 : i32
      %scan3A_648 = scf.for %scan3A_651 = %scan3A_644 to %scan3A_646 step %scan3A_647 iter_args(%scan3A_652 = %scan3A_643) -> (i32)  : i32 {
        %mul3A_653 = arith.constant 16 : i32
        %mul3A_654 = arith.muli %scan3A_651, %mul3A_653 : i32
        %add3A_655 = vector.broadcast %mul3A_654 : i32 to vector<16xi32>
        %add3A_656 = arith.addi %add3A_655, %iota3A : vector<16xi32>
        %mul3A_657 = arith.constant 16 : i32
        %mul3A_658 = arith.muli %scan3A_651, %mul3A_657 : i32
        %get3A = arith.constant 11 : i32
        %get3A_659 = arith.index_cast %get3A : i32 to index
        %get3A_660 = arith.index_cast %mul3A_658 : i32 to index
        %get3A_661 = tpu.vector_load %arg6[%get3A_659, %get3A_660] {strides = array<i32>} : memref<13x64xi32, #tpu.memory_space<vmem>>, vector<16xi32>,
        %and3A = arith.constant 1 : i32
        %and3A_662 = vector.broadcast %and3A : i32 to vector<16xi32>
        %and3A_663 = arith.andi %get3A_661, %and3A_662 : vector<16xi32>
        %shift_left3A = arith.constant 6 : i32
        %shift_left3A_664 = vector.broadcast %shift_left3A : i32 to vector<16xi32>
        %shift_left3A_665 = arith.shli %and3A_663, %shift_left3A_664 : vector<16xi32>
        %mul3A_666 = arith.constant 16 : i32
        %mul3A_667 = arith.muli %scan3A_651, %mul3A_666 : i32
        %get3A_668 = arith.constant 12 : i32
        %get3A_669 = arith.index_cast %get3A_668 : i32 to index
        %get3A_670 = arith.index_cast %mul3A_667 : i32 to index
        %get3A_671 = tpu.vector_load %arg6[%get3A_669, %get3A_670] {strides = array<i32>} : memref<13x64xi32, #tpu.memory_space<vmem>>, vector<16xi32>,
        %and3A_672 = arith.constant 1 : i32
        %and3A_673 = vector.broadcast %and3A_672 : i32 to vector<16xi32>
        %and3A_674 = arith.andi %get3A_671, %and3A_673 : vector<16xi32>
        %shift_left3A_675 = arith.constant 6 : i32
        %shift_left3A_676 = vector.broadcast %shift_left3A_675 : i32 to vector<16xi32>
        %shift_left3A_677 = arith.shli %and3A_674, %shift_left3A_676 : vector<16xi32>
        %broadcast_in_dim3A = arith.constant 0.000000e+00 : f32
        %broadcast_in_dim3A_678 = vector.broadcast %broadcast_in_dim3A : f32 to vector<16xf32>
        %scan3A_679 = arith.constant 0 : i32
        %scan3A_680 = arith.constant 64 : i32
        %scan3A_681 = arith.addi %scan3A_679, %scan3A_680 : i32
        %scan3A_682 = arith.constant 1 : i32
        %scan3A_683:18 = scf.for %scan3A_1557 = %scan3A_679 to %scan3A_681 step %scan3A_682 iter_args(%scan3A_1558 = %broadcast_in_dim3A_678, %scan3A_1559 = %broadcast_in_dim3A_678, %scan3A_1560 = %broadcast_in_dim3A_678, %scan3A_1561 = %broadcast_in_dim3A_678, %scan3A_1562 = %broadcast_in_dim3A_678, %scan3A_1563 = %broadcast_in_dim3A_678, %scan3A_1564 = %broadcast_in_dim3A_678, %scan3A_1565 = %broadcast_in_dim3A_678, %scan3A_1566 = %broadcast_in_dim3A_678, %scan3A_1567 = %broadcast_in_dim3A_678, %scan3A_1568 = %broadcast_in_dim3A_678, %scan3A_1569 = %broadcast_in_dim3A_678, %scan3A_1570 = %broadcast_in_dim3A_678, %scan3A_1571 = %broadcast_in_dim3A_678, %scan3A_1572 = %broadcast_in_dim3A_678, %scan3A_1573 = %broadcast_in_dim3A_678, %scan3A_1574 = %broadcast_in_dim3A_678, %scan3A_1575 = %broadcast_in_dim3A_678) -> (vector<16xf32>, vector<16xf32>, vector<16xf32>, vector<16xf32>, vector<16xf32>, vector<16xf32>, vector<16xf32>, vector<16xf32>, vector<16xf32>, vector<16xf32>, vector<16xf32>, vector<16xf32>, vector<16xf32>, vector<16xf32>, vector<16xf32>, vector<16xf32>, vector<16xf32>, vector<16xf32>)  : i32 {
          %broadcast_in_dim3A_1576 = vector.broadcast %scan3A_1557 : i32 to vector<16xi32>
          %gather3A_1577 = arith.constant 0 : i32
          %gather3A_1578 = arith.constant 0 : i32
          %gather3A_1579 = arith.constant 0 : i32
          %gather3A_1580 = tpu.memref_slice %arg8[%gather3A_1577, %gather3A_1578, %gather3A_1579] : memref<13x64x128xf32, #tpu.memory_space<vmem>> -> memref<1x64x128xf32, #tpu.memory_space<vmem>>
          %gather3A_1581 = tpu.memref_squeeze %gather3A_1580 : memref<1x64x128xf32, #tpu.memory_space<vmem>> -> memref<64x128xf32, #tpu.memory_space<vmem>>
          %gather3A_1582 = tpu.vector_load_idx %gather3A_1581[%add3A_656, %broadcast_in_dim3A_1576] : memref<64x128xf32, #tpu.memory_space<vmem>>[vector<16xi32>, vector<16xi32>], vector<16xf32>,
          %gather3A_1583 = arith.constant 1 : i32
          %gather3A_1584 = arith.constant 0 : i32
          %gather3A_1585 = arith.constant 0 : i32
          %gather3A_1586 = tpu.memref_slice %arg8[%gather3A_1583, %gather3A_1584, %gather3A_1585] : memref<13x64x128xf32, #tpu.memory_space<vmem>> -> memref<1x64x128xf32, #tpu.memory_space<vmem>>
          %gather3A_1587 = tpu.memref_squeeze %gather3A_1586 : memref<1x64x128xf32, #tpu.memory_space<vmem>> -> memref<64x128xf32, #tpu.memory_space<vmem>>
          %gather3A_1588 = tpu.vector_load_idx %gather3A_1587[%add3A_656, %broadcast_in_dim3A_1576] : memref<64x128xf32, #tpu.memory_space<vmem>>[vector<16xi32>, vector<16xi32>], vector<16xf32>,
          %gather3A_1589 = arith.constant 2 : i32
          %gather3A_1590 = arith.constant 0 : i32
          %gather3A_1591 = arith.constant 0 : i32
          %gather3A_1592 = tpu.memref_slice %arg8[%gather3A_1589, %gather3A_1590, %gather3A_1591] : memref<13x64x128xf32, #tpu.memory_space<vmem>> -> memref<1x64x128xf32, #tpu.memory_space<vmem>>
          %gather3A_1593 = tpu.memref_squeeze %gather3A_1592 : memref<1x64x128xf32, #tpu.memory_space<vmem>> -> memref<64x128xf32, #tpu.memory_space<vmem>>
          %gather3A_1594 = tpu.vector_load_idx %gather3A_1593[%add3A_656, %broadcast_in_dim3A_1576] : memref<64x128xf32, #tpu.memory_space<vmem>>[vector<16xi32>, vector<16xi32>], vector<16xf32>,
          %gather3A_1595 = arith.constant 3 : i32
          %gather3A_1596 = arith.constant 0 : i32
          %gather3A_1597 = arith.constant 0 : i32
          %gather3A_1598 = tpu.memref_slice %arg8[%gather3A_1595, %gather3A_1596, %gather3A_1597] : memref<13x64x128xf32, #tpu.memory_space<vmem>> -> memref<1x64x128xf32, #tpu.memory_space<vmem>>
          %gather3A_1599 = tpu.memref_squeeze %gather3A_1598 : memref<1x64x128xf32, #tpu.memory_space<vmem>> -> memref<64x128xf32, #tpu.memory_space<vmem>>
          %gather3A_1600 = tpu.vector_load_idx %gather3A_1599[%add3A_656, %broadcast_in_dim3A_1576] : memref<64x128xf32, #tpu.memory_space<vmem>>[vector<16xi32>, vector<16xi32>], vector<16xf32>,
          %gather3A_1601 = arith.constant 4 : i32
          %gather3A_1602 = arith.constant 0 : i32
          %gather3A_1603 = arith.constant 0 : i32
          %gather3A_1604 = tpu.memref_slice %arg8[%gather3A_1601, %gather3A_1602, %gather3A_1603] : memref<13x64x128xf32, #tpu.memory_space<vmem>> -> memref<1x64x128xf32, #tpu.memory_space<vmem>>
          %gather3A_1605 = tpu.memref_squeeze %gather3A_1604 : memref<1x64x128xf32, #tpu.memory_space<vmem>> -> memref<64x128xf32, #tpu.memory_space<vmem>>
          %gather3A_1606 = tpu.vector_load_idx %gather3A_1605[%add3A_656, %broadcast_in_dim3A_1576] : memref<64x128xf32, #tpu.memory_space<vmem>>[vector<16xi32>, vector<16xi32>], vector<16xf32>,
          %gather3A_1607 = arith.constant 5 : i32
          %gather3A_1608 = arith.constant 0 : i32
          %gather3A_1609 = arith.constant 0 : i32
          %gather3A_1610 = tpu.memref_slice %arg8[%gather3A_1607, %gather3A_1608, %gather3A_1609] : memref<13x64x128xf32, #tpu.memory_space<vmem>> -> memref<1x64x128xf32, #tpu.memory_space<vmem>>
          %gather3A_1611 = tpu.memref_squeeze %gather3A_1610 : memref<1x64x128xf32, #tpu.memory_space<vmem>> -> memref<64x128xf32, #tpu.memory_space<vmem>>
          %gather3A_1612 = tpu.vector_load_idx %gather3A_1611[%add3A_656, %broadcast_in_dim3A_1576] : memref<64x128xf32, #tpu.memory_space<vmem>>[vector<16xi32>, vector<16xi32>], vector<16xf32>,
          %gather3A_1613 = arith.constant 6 : i32
          %gather3A_1614 = arith.constant 0 : i32
          %gather3A_1615 = arith.constant 0 : i32
          %gather3A_1616 = tpu.memref_slice %arg8[%gather3A_1613, %gather3A_1614, %gather3A_1615] : memref<13x64x128xf32, #tpu.memory_space<vmem>> -> memref<1x64x128xf32, #tpu.memory_space<vmem>>
          %gather3A_1617 = tpu.memref_squeeze %gather3A_1616 : memref<1x64x128xf32, #tpu.memory_space<vmem>> -> memref<64x128xf32, #tpu.memory_space<vmem>>
          %gather3A_1618 = tpu.vector_load_idx %gather3A_1617[%add3A_656, %broadcast_in_dim3A_1576] : memref<64x128xf32, #tpu.memory_space<vmem>>[vector<16xi32>, vector<16xi32>], vector<16xf32>,
          %gather3A_1619 = arith.constant 7 : i32
          %gather3A_1620 = arith.constant 0 : i32
          %gather3A_1621 = arith.constant 0 : i32
          %gather3A_1622 = tpu.memref_slice %arg8[%gather3A_1619, %gather3A_1620, %gather3A_1621] : memref<13x64x128xf32, #tpu.memory_space<vmem>> -> memref<1x64x128xf32, #tpu.memory_space<vmem>>
          %gather3A_1623 = tpu.memref_squeeze %gather3A_1622 : memref<1x64x128xf32, #tpu.memory_space<vmem>> -> memref<64x128xf32, #tpu.memory_space<vmem>>
          %gather3A_1624 = tpu.vector_load_idx %gather3A_1623[%add3A_656, %broadcast_in_dim3A_1576] : memref<64x128xf32, #tpu.memory_space<vmem>>[vector<16xi32>, vector<16xi32>], vector<16xf32>,
          %gather3A_1625 = arith.constant 8 : i32
          %gather3A_1626 = arith.constant 0 : i32
          %gather3A_1627 = arith.constant 0 : i32
          %gather3A_1628 = tpu.memref_slice %arg8[%gather3A_1625, %gather3A_1626, %gather3A_1627] : memref<13x64x128xf32, #tpu.memory_space<vmem>> -> memref<1x64x128xf32, #tpu.memory_space<vmem>>
          %gather3A_1629 = tpu.memref_squeeze %gather3A_1628 : memref<1x64x128xf32, #tpu.memory_space<vmem>> -> memref<64x128xf32, #tpu.memory_space<vmem>>
          %gather3A_1630 = tpu.vector_load_idx %gather3A_1629[%add3A_656, %broadcast_in_dim3A_1576] : memref<64x128xf32, #tpu.memory_space<vmem>>[vector<16xi32>, vector<16xi32>], vector<16xf32>,
          %gather3A_1631 = arith.constant 9 : i32
          %gather3A_1632 = arith.constant 0 : i32
          %gather3A_1633 = arith.constant 0 : i32
          %gather3A_1634 = tpu.memref_slice %arg8[%gather3A_1631, %gather3A_1632, %gather3A_1633] : memref<13x64x128xf32, #tpu.memory_space<vmem>> -> memref<1x64x128xf32, #tpu.memory_space<vmem>>
          %gather3A_1635 = tpu.memref_squeeze %gather3A_1634 : memref<1x64x128xf32, #tpu.memory_space<vmem>> -> memref<64x128xf32, #tpu.memory_space<vmem>>
          %gather3A_1636 = tpu.vector_load_idx %gather3A_1635[%add3A_656, %broadcast_in_dim3A_1576] : memref<64x128xf32, #tpu.memory_space<vmem>>[vector<16xi32>, vector<16xi32>], vector<16xf32>,
          %gather3A_1637 = arith.constant 10 : i32
          %gather3A_1638 = arith.constant 0 : i32
          %gather3A_1639 = arith.constant 0 : i32
          %gather3A_1640 = tpu.memref_slice %arg8[%gather3A_1637, %gather3A_1638, %gather3A_1639] : memref<13x64x128xf32, #tpu.memory_space<vmem>> -> memref<1x64x128xf32, #tpu.memory_space<vmem>>
          %gather3A_1641 = tpu.memref_squeeze %gather3A_1640 : memref<1x64x128xf32, #tpu.memory_space<vmem>> -> memref<64x128xf32, #tpu.memory_space<vmem>>
          %gather3A_1642 = tpu.vector_load_idx %gather3A_1641[%add3A_656, %broadcast_in_dim3A_1576] : memref<64x128xf32, #tpu.memory_space<vmem>>[vector<16xi32>, vector<16xi32>], vector<16xf32>,
          %add3A_1643 = vector.broadcast %scan3A_1557 : i32 to vector<16xi32>
          %add3A_1644 = arith.addi %shift_left3A_665, %add3A_1643 : vector<16xi32>
          %gather3A_1645 = arith.constant 11 : i32
          %gather3A_1646 = arith.constant 0 : i32
          %gather3A_1647 = arith.constant 0 : i32
          %gather3A_1648 = tpu.memref_slice %arg8[%gather3A_1645, %gather3A_1646, %gather3A_1647] : memref<13x64x128xf32, #tpu.memory_space<vmem>> -> memref<1x64x128xf32, #tpu.memory_space<vmem>>
          %gather3A_1649 = tpu.memref_squeeze %gather3A_1648 : memref<1x64x128xf32, #tpu.memory_space<vmem>> -> memref<64x128xf32, #tpu.memory_space<vmem>>
          %gather3A_1650 = tpu.vector_load_idx %gather3A_1649[%add3A_656, %add3A_1644] : memref<64x128xf32, #tpu.memory_space<vmem>>[vector<16xi32>, vector<16xi32>], vector<16xf32>,
          %add3A_1651 = vector.broadcast %scan3A_1557 : i32 to vector<16xi32>
          %add3A_1652 = arith.addi %shift_left3A_677, %add3A_1651 : vector<16xi32>
          %gather3A_1653 = arith.constant 12 : i32
          %gather3A_1654 = arith.constant 0 : i32
          %gather3A_1655 = arith.constant 0 : i32
          %gather3A_1656 = tpu.memref_slice %arg8[%gather3A_1653, %gather3A_1654, %gather3A_1655] : memref<13x64x128xf32, #tpu.memory_space<vmem>> -> memref<1x64x128xf32, #tpu.memory_space<vmem>>
          %gather3A_1657 = tpu.memref_squeeze %gather3A_1656 : memref<1x64x128xf32, #tpu.memory_space<vmem>> -> memref<64x128xf32, #tpu.memory_space<vmem>>
          %gather3A_1658 = tpu.vector_load_idx %gather3A_1657[%add3A_656, %add3A_1652] : memref<64x128xf32, #tpu.memory_space<vmem>>[vector<16xi32>, vector<16xi32>], vector<16xf32>,
          %sub3A_1659 = arith.subf %gather3A_1582, %gather3A_1588 : vector<16xf32>
          %sub3A_1660 = arith.subf %gather3A_1600, %gather3A_1594 : vector<16xf32>
          %sub3A_1661 = arith.subf %gather3A_1606, %gather3A_1594 : vector<16xf32>
          %sub3A_1662 = arith.subf %gather3A_1606, %gather3A_1600 : vector<16xf32>
          %add3A_1663 = arith.addf %gather3A_1612, %gather3A_1650 : vector<16xf32>
          %sub3A_1664 = arith.subf %add3A_1663, %gather3A_1618 : vector<16xf32>
          %sub3A_1665 = arith.subf %gather3A_1624, %gather3A_1658 : vector<16xf32>
          %sub3A_1666 = arith.subf %gather3A_1630, %sub3A_1665 : vector<16xf32>
          %sub3A_1667 = arith.subf %gather3A_1642, %gather3A_1636 : vector<16xf32>
          %mul3A_1668 = arith.mulf %sub3A_1659, %sub3A_1659 : vector<16xf32>
          %add3A_1669 = arith.addf %scan3A_1558, %mul3A_1668 : vector<16xf32>
          %mul3A_1670 = arith.mulf %gather3A_1582, %gather3A_1582 : vector<16xf32>
          %add3A_1671 = arith.addf %scan3A_1559, %mul3A_1670 : vector<16xf32>
          %mul3A_1672 = arith.mulf %gather3A_1588, %gather3A_1588 : vector<16xf32>
          %add3A_1673 = arith.addf %scan3A_1560, %mul3A_1672 : vector<16xf32>
          %mul3A_1674 = arith.mulf %sub3A_1660, %sub3A_1660 : vector<16xf32>
          %add3A_1675 = arith.addf %scan3A_1561, %mul3A_1674 : vector<16xf32>
          %mul3A_1676 = arith.mulf %sub3A_1661, %sub3A_1661 : vector<16xf32>
          %add3A_1677 = arith.addf %scan3A_1562, %mul3A_1676 : vector<16xf32>
          %mul3A_1678 = arith.mulf %sub3A_1662, %sub3A_1662 : vector<16xf32>
          %add3A_1679 = arith.addf %scan3A_1563, %mul3A_1678 : vector<16xf32>
          %mul3A_1680 = arith.mulf %gather3A_1594, %gather3A_1594 : vector<16xf32>
          %add3A_1681 = arith.addf %scan3A_1564, %mul3A_1680 : vector<16xf32>
          %mul3A_1682 = arith.mulf %gather3A_1600, %gather3A_1600 : vector<16xf32>
          %add3A_1683 = arith.addf %scan3A_1565, %mul3A_1682 : vector<16xf32>
          %mul3A_1684 = arith.mulf %gather3A_1606, %gather3A_1606 : vector<16xf32>
          %add3A_1685 = arith.addf %scan3A_1566, %mul3A_1684 : vector<16xf32>
          %mul3A_1686 = arith.mulf %sub3A_1664, %sub3A_1664 : vector<16xf32>
          %add3A_1687 = arith.addf %scan3A_1567, %mul3A_1686 : vector<16xf32>
          %mul3A_1688 = arith.mulf %add3A_1663, %add3A_1663 : vector<16xf32>
          %add3A_1689 = arith.addf %scan3A_1568, %mul3A_1688 : vector<16xf32>
          %mul3A_1690 = arith.mulf %gather3A_1618, %gather3A_1618 : vector<16xf32>
          %add3A_1691 = arith.addf %scan3A_1569, %mul3A_1690 : vector<16xf32>
          %mul3A_1692 = arith.mulf %sub3A_1666, %sub3A_1666 : vector<16xf32>
          %add3A_1693 = arith.addf %scan3A_1570, %mul3A_1692 : vector<16xf32>
          %mul3A_1694 = arith.mulf %sub3A_1665, %sub3A_1665 : vector<16xf32>
          %add3A_1695 = arith.addf %scan3A_1571, %mul3A_1694 : vector<16xf32>
          %mul3A_1696 = arith.mulf %gather3A_1630, %gather3A_1630 : vector<16xf32>
          %add3A_1697 = arith.addf %scan3A_1572, %mul3A_1696 : vector<16xf32>
          %mul3A_1698 = arith.mulf %sub3A_1667, %sub3A_1667 : vector<16xf32>
          %add3A_1699 = arith.addf %scan3A_1573, %mul3A_1698 : vector<16xf32>
          %mul3A_1700 = arith.mulf %gather3A_1636, %gather3A_1636 : vector<16xf32>
          %add3A_1701 = arith.addf %scan3A_1574, %mul3A_1700 : vector<16xf32>
          %mul3A_1702 = arith.mulf %gather3A_1642, %gather3A_1642 : vector<16xf32>
          %add3A_1703 = arith.addf %scan3A_1575, %mul3A_1702 : vector<16xf32>
          scf.yield %add3A_1669, %add3A_1671, %add3A_1673, %add3A_1675, %add3A_1677, %add3A_1679, %add3A_1681, %add3A_1683, %add3A_1685, %add3A_1687, %add3A_1689, %add3A_1691, %add3A_1693, %add3A_1695, %add3A_1697, %add3A_1699, %add3A_1701, %add3A_1703 : vector<16xf32>, vector<16xf32>, vector<16xf32>, vector<16xf32>, vector<16xf32>, vector<16xf32>, vector<16xf32>, vector<16xf32>, vector<16xf32>, vector<16xf32>, vector<16xf32>, vector<16xf32>, vector<16xf32>, vector<16xf32>, vector<16xf32>, vector<16xf32>, vector<16xf32>, vector<16xf32>
        }
        %scan3A_684 = arith.constant 64 : i32
        %broadcast_in_dim3A_685 = arith.constant 64 : i32
        %broadcast_in_dim3A_686 = vector.broadcast %broadcast_in_dim3A_685 : i32 to vector<16xi32>
        %gather3A = arith.constant 0 : i32
        %gather3A_687 = arith.constant 0 : i32
        %gather3A_688 = arith.constant 0 : i32
        %gather3A_689 = tpu.memref_slice %arg8[%gather3A, %gather3A_687, %gather3A_688] : memref<13x64x128xf32, #tpu.memory_space<vmem>> -> memref<1x64x128xf32, #tpu.memory_space<vmem>>
        %gather3A_690 = tpu.memref_squeeze %gather3A_689 : memref<1x64x128xf32, #tpu.memory_space<vmem>> -> memref<64x128xf32, #tpu.memory_space<vmem>>
        %gather3A_691 = tpu.vector_load_idx %gather3A_690[%add3A_656, %broadcast_in_dim3A_686] : memref<64x128xf32, #tpu.memory_space<vmem>>[vector<16xi32>, vector<16xi32>], vector<16xf32>,
        %abs3A = math.absf %gather3A_691 : vector<16xf32>
        %gather3A_692 = arith.constant 1 : i32
        %gather3A_693 = arith.constant 0 : i32
        %gather3A_694 = arith.constant 0 : i32
        %gather3A_695 = tpu.memref_slice %arg8[%gather3A_692, %gather3A_693, %gather3A_694] : memref<13x64x128xf32, #tpu.memory_space<vmem>> -> memref<1x64x128xf32, #tpu.memory_space<vmem>>
        %gather3A_696 = tpu.memref_squeeze %gather3A_695 : memref<1x64x128xf32, #tpu.memory_space<vmem>> -> memref<64x128xf32, #tpu.memory_space<vmem>>
        %gather3A_697 = tpu.vector_load_idx %gather3A_696[%add3A_656, %broadcast_in_dim3A_686] : memref<64x128xf32, #tpu.memory_space<vmem>>[vector<16xi32>, vector<16xi32>], vector<16xf32>,
        %abs3A_698 = math.absf %gather3A_697 : vector<16xf32>
        %gather3A_699 = arith.constant 2 : i32
        %gather3A_700 = arith.constant 0 : i32
        %gather3A_701 = arith.constant 0 : i32
        %gather3A_702 = tpu.memref_slice %arg8[%gather3A_699, %gather3A_700, %gather3A_701] : memref<13x64x128xf32, #tpu.memory_space<vmem>> -> memref<1x64x128xf32, #tpu.memory_space<vmem>>
        %gather3A_703 = tpu.memref_squeeze %gather3A_702 : memref<1x64x128xf32, #tpu.memory_space<vmem>> -> memref<64x128xf32, #tpu.memory_space<vmem>>
        %gather3A_704 = tpu.vector_load_idx %gather3A_703[%add3A_656, %broadcast_in_dim3A_686] : memref<64x128xf32, #tpu.memory_space<vmem>>[vector<16xi32>, vector<16xi32>], vector<16xf32>,
        %abs3A_705 = math.absf %gather3A_704 : vector<16xf32>
        %gather3A_706 = arith.constant 3 : i32
        %gather3A_707 = arith.constant 0 : i32
        %gather3A_708 = arith.constant 0 : i32
        %gather3A_709 = tpu.memref_slice %arg8[%gather3A_706, %gather3A_707, %gather3A_708] : memref<13x64x128xf32, #tpu.memory_space<vmem>> -> memref<1x64x128xf32, #tpu.memory_space<vmem>>
        %gather3A_710 = tpu.memref_squeeze %gather3A_709 : memref<1x64x128xf32, #tpu.memory_space<vmem>> -> memref<64x128xf32, #tpu.memory_space<vmem>>
        %gather3A_711 = tpu.vector_load_idx %gather3A_710[%add3A_656, %broadcast_in_dim3A_686] : memref<64x128xf32, #tpu.memory_space<vmem>>[vector<16xi32>, vector<16xi32>], vector<16xf32>,
        %abs3A_712 = math.absf %gather3A_711 : vector<16xf32>
        %gather3A_713 = arith.constant 5 : i32
        %gather3A_714 = arith.constant 0 : i32
        %gather3A_715 = arith.constant 0 : i32
        %gather3A_716 = tpu.memref_slice %arg8[%gather3A_713, %gather3A_714, %gather3A_715] : memref<13x64x128xf32, #tpu.memory_space<vmem>> -> memref<1x64x128xf32, #tpu.memory_space<vmem>>
        %gather3A_717 = tpu.memref_squeeze %gather3A_716 : memref<1x64x128xf32, #tpu.memory_space<vmem>> -> memref<64x128xf32, #tpu.memory_space<vmem>>
        %gather3A_718 = tpu.vector_load_idx %gather3A_717[%add3A_656, %broadcast_in_dim3A_686] : memref<64x128xf32, #tpu.memory_space<vmem>>[vector<16xi32>, vector<16xi32>], vector<16xf32>,
        %abs3A_719 = math.absf %gather3A_718 : vector<16xf32>
        %gather3A_720 = arith.constant 6 : i32
        %gather3A_721 = arith.constant 0 : i32
        %gather3A_722 = arith.constant 0 : i32
        %gather3A_723 = tpu.memref_slice %arg8[%gather3A_720, %gather3A_721, %gather3A_722] : memref<13x64x128xf32, #tpu.memory_space<vmem>> -> memref<1x64x128xf32, #tpu.memory_space<vmem>>
        %gather3A_724 = tpu.memref_squeeze %gather3A_723 : memref<1x64x128xf32, #tpu.memory_space<vmem>> -> memref<64x128xf32, #tpu.memory_space<vmem>>
        %gather3A_725 = tpu.vector_load_idx %gather3A_724[%add3A_656, %broadcast_in_dim3A_686] : memref<64x128xf32, #tpu.memory_space<vmem>>[vector<16xi32>, vector<16xi32>], vector<16xf32>,
        %abs3A_726 = math.absf %gather3A_725 : vector<16xf32>
        %gather3A_727 = arith.constant 7 : i32
        %gather3A_728 = arith.constant 0 : i32
        %gather3A_729 = arith.constant 0 : i32
        %gather3A_730 = tpu.memref_slice %arg8[%gather3A_727, %gather3A_728, %gather3A_729] : memref<13x64x128xf32, #tpu.memory_space<vmem>> -> memref<1x64x128xf32, #tpu.memory_space<vmem>>
        %gather3A_731 = tpu.memref_squeeze %gather3A_730 : memref<1x64x128xf32, #tpu.memory_space<vmem>> -> memref<64x128xf32, #tpu.memory_space<vmem>>
        %gather3A_732 = tpu.vector_load_idx %gather3A_731[%add3A_656, %broadcast_in_dim3A_686] : memref<64x128xf32, #tpu.memory_space<vmem>>[vector<16xi32>, vector<16xi32>], vector<16xf32>,
        %abs3A_733 = math.absf %gather3A_732 : vector<16xf32>
        %gather3A_734 = arith.constant 8 : i32
        %gather3A_735 = arith.constant 0 : i32
        %gather3A_736 = arith.constant 0 : i32
        %gather3A_737 = tpu.memref_slice %arg8[%gather3A_734, %gather3A_735, %gather3A_736] : memref<13x64x128xf32, #tpu.memory_space<vmem>> -> memref<1x64x128xf32, #tpu.memory_space<vmem>>
        %gather3A_738 = tpu.memref_squeeze %gather3A_737 : memref<1x64x128xf32, #tpu.memory_space<vmem>> -> memref<64x128xf32, #tpu.memory_space<vmem>>
        %gather3A_739 = tpu.vector_load_idx %gather3A_738[%add3A_656, %broadcast_in_dim3A_686] : memref<64x128xf32, #tpu.memory_space<vmem>>[vector<16xi32>, vector<16xi32>], vector<16xf32>,
        %abs3A_740 = math.absf %gather3A_739 : vector<16xf32>
        %gather3A_741 = arith.constant 9 : i32
        %gather3A_742 = arith.constant 0 : i32
        %gather3A_743 = arith.constant 0 : i32
        %gather3A_744 = tpu.memref_slice %arg8[%gather3A_741, %gather3A_742, %gather3A_743] : memref<13x64x128xf32, #tpu.memory_space<vmem>> -> memref<1x64x128xf32, #tpu.memory_space<vmem>>
        %gather3A_745 = tpu.memref_squeeze %gather3A_744 : memref<1x64x128xf32, #tpu.memory_space<vmem>> -> memref<64x128xf32, #tpu.memory_space<vmem>>
        %gather3A_746 = tpu.vector_load_idx %gather3A_745[%add3A_656, %broadcast_in_dim3A_686] : memref<64x128xf32, #tpu.memory_space<vmem>>[vector<16xi32>, vector<16xi32>], vector<16xf32>,
        %abs3A_747 = math.absf %gather3A_746 : vector<16xf32>
        %gather3A_748 = arith.constant 10 : i32
        %gather3A_749 = arith.constant 0 : i32
        %gather3A_750 = arith.constant 0 : i32
        %gather3A_751 = tpu.memref_slice %arg8[%gather3A_748, %gather3A_749, %gather3A_750] : memref<13x64x128xf32, #tpu.memory_space<vmem>> -> memref<1x64x128xf32, #tpu.memory_space<vmem>>
        %gather3A_752 = tpu.memref_squeeze %gather3A_751 : memref<1x64x128xf32, #tpu.memory_space<vmem>> -> memref<64x128xf32, #tpu.memory_space<vmem>>
        %gather3A_753 = tpu.vector_load_idx %gather3A_752[%add3A_656, %broadcast_in_dim3A_686] : memref<64x128xf32, #tpu.memory_space<vmem>>[vector<16xi32>, vector<16xi32>], vector<16xf32>,
        %abs3A_754 = math.absf %gather3A_753 : vector<16xf32>
        %max3A = arith.constant 1.000000e-30 : f32
        %max3A_755 = vector.broadcast %max3A : f32 to vector<16xf32>
        %max3A_756 = arith.maximumf %scan3A_683#0, %max3A_755 : vector<16xf32>
        %bitcast_convert_type3A = tpu.bitcast %max3A_756 : vector<16xf32> -> vector<16xi32>
        %shift_right_arithmetic3A = arith.constant 1 : i32
        %shift_right_arithmetic3A_757 = vector.broadcast %shift_right_arithmetic3A : i32 to vector<16xi32>
        %shift_right_arithmetic3A_758 = arith.shrsi %bitcast_convert_type3A, %shift_right_arithmetic3A_757 : vector<16xi32>
        %sub3A = arith.constant 1597463007 : i32
        %sub3A_759 = vector.broadcast %sub3A : i32 to vector<16xi32>
        %sub3A_760 = arith.subi %sub3A_759, %shift_right_arithmetic3A_758 : vector<16xi32>
        %bitcast_convert_type3A_761 = tpu.bitcast %sub3A_760 : vector<16xi32> -> vector<16xf32>
        %mul3A_762 = arith.constant 5.000000e-01 : f32
        %mul3A_763 = vector.broadcast %mul3A_762 : f32 to vector<16xf32>
        %mul3A_764 = arith.mulf %mul3A_763, %max3A_756 : vector<16xf32>
        %mul3A_765 = arith.mulf %mul3A_764, %bitcast_convert_type3A_761 : vector<16xf32>
        %mul3A_766 = arith.mulf %mul3A_765, %bitcast_convert_type3A_761 : vector<16xf32>
        %sub3A_767 = arith.constant 1.500000e+00 : f32
        %sub3A_768 = vector.broadcast %sub3A_767 : f32 to vector<16xf32>
        %sub3A_769 = arith.subf %sub3A_768, %mul3A_766 : vector<16xf32>
        %mul3A_770 = arith.mulf %bitcast_convert_type3A_761, %sub3A_769 : vector<16xf32>
        %mul3A_771 = arith.constant 5.000000e-01 : f32
        %mul3A_772 = vector.broadcast %mul3A_771 : f32 to vector<16xf32>
        %mul3A_773 = arith.mulf %mul3A_772, %max3A_756 : vector<16xf32>
        %mul3A_774 = arith.mulf %mul3A_773, %mul3A_770 : vector<16xf32>
        %mul3A_775 = arith.mulf %mul3A_774, %mul3A_770 : vector<16xf32>
        %sub3A_776 = arith.constant 1.500000e+00 : f32
        %sub3A_777 = vector.broadcast %sub3A_776 : f32 to vector<16xf32>
        %sub3A_778 = arith.subf %sub3A_777, %mul3A_775 : vector<16xf32>
        %mul3A_779 = arith.mulf %mul3A_770, %sub3A_778 : vector<16xf32>
        %mul3A_780 = arith.constant 5.000000e-01 : f32
        %mul3A_781 = vector.broadcast %mul3A_780 : f32 to vector<16xf32>
        %mul3A_782 = arith.mulf %mul3A_781, %max3A_756 : vector<16xf32>
        %mul3A_783 = arith.mulf %mul3A_782, %mul3A_779 : vector<16xf32>
        %mul3A_784 = arith.mulf %mul3A_783, %mul3A_779 : vector<16xf32>
        %sub3A_785 = arith.constant 1.500000e+00 : f32
        %sub3A_786 = vector.broadcast %sub3A_785 : f32 to vector<16xf32>
        %sub3A_787 = arith.subf %sub3A_786, %mul3A_784 : vector<16xf32>
        %mul3A_788 = arith.mulf %mul3A_779, %sub3A_787 : vector<16xf32>
        %mul3A_789 = arith.mulf %max3A_756, %mul3A_788 : vector<16xf32>
        %add3A_790 = arith.addf %mul3A_789, %abs3A : vector<16xf32>
        %sub3A_791 = arith.subf %add3A_790, %abs3A_698 : vector<16xf32>
        %max3A_792 = arith.constant 0.000000e+00 : f32
        %max3A_793 = vector.broadcast %max3A_792 : f32 to vector<16xf32>
        %max3A_794 = arith.maximumf %sub3A_791, %max3A_793 : vector<16xf32>
        %max3A_795 = arith.constant 1.000000e-30 : f32
        %max3A_796 = vector.broadcast %max3A_795 : f32 to vector<16xf32>
        %max3A_797 = arith.maximumf %scan3A_683#1, %max3A_796 : vector<16xf32>
        %bitcast_convert_type3A_798 = tpu.bitcast %max3A_797 : vector<16xf32> -> vector<16xi32>
        %shift_right_arithmetic3A_799 = arith.constant 1 : i32
        %shift_right_arithmetic3A_800 = vector.broadcast %shift_right_arithmetic3A_799 : i32 to vector<16xi32>
        %shift_right_arithmetic3A_801 = arith.shrsi %bitcast_convert_type3A_798, %shift_right_arithmetic3A_800 : vector<16xi32>
        %sub3A_802 = arith.constant 1597463007 : i32
        %sub3A_803 = vector.broadcast %sub3A_802 : i32 to vector<16xi32>
        %sub3A_804 = arith.subi %sub3A_803, %shift_right_arithmetic3A_801 : vector<16xi32>
        %bitcast_convert_type3A_805 = tpu.bitcast %sub3A_804 : vector<16xi32> -> vector<16xf32>
        %mul3A_806 = arith.constant 5.000000e-01 : f32
        %mul3A_807 = vector.broadcast %mul3A_806 : f32 to vector<16xf32>
        %mul3A_808 = arith.mulf %mul3A_807, %max3A_797 : vector<16xf32>
        %mul3A_809 = arith.mulf %mul3A_808, %bitcast_convert_type3A_805 : vector<16xf32>
        %mul3A_810 = arith.mulf %mul3A_809, %bitcast_convert_type3A_805 : vector<16xf32>
        %sub3A_811 = arith.constant 1.500000e+00 : f32
        %sub3A_812 = vector.broadcast %sub3A_811 : f32 to vector<16xf32>
        %sub3A_813 = arith.subf %sub3A_812, %mul3A_810 : vector<16xf32>
        %mul3A_814 = arith.mulf %bitcast_convert_type3A_805, %sub3A_813 : vector<16xf32>
        %mul3A_815 = arith.constant 5.000000e-01 : f32
        %mul3A_816 = vector.broadcast %mul3A_815 : f32 to vector<16xf32>
        %mul3A_817 = arith.mulf %mul3A_816, %max3A_797 : vector<16xf32>
        %mul3A_818 = arith.mulf %mul3A_817, %mul3A_814 : vector<16xf32>
        %mul3A_819 = arith.mulf %mul3A_818, %mul3A_814 : vector<16xf32>
        %sub3A_820 = arith.constant 1.500000e+00 : f32
        %sub3A_821 = vector.broadcast %sub3A_820 : f32 to vector<16xf32>
        %sub3A_822 = arith.subf %sub3A_821, %mul3A_819 : vector<16xf32>
        %mul3A_823 = arith.mulf %mul3A_814, %sub3A_822 : vector<16xf32>
        %mul3A_824 = arith.constant 5.000000e-01 : f32
        %mul3A_825 = vector.broadcast %mul3A_824 : f32 to vector<16xf32>
        %mul3A_826 = arith.mulf %mul3A_825, %max3A_797 : vector<16xf32>
        %mul3A_827 = arith.mulf %mul3A_826, %mul3A_823 : vector<16xf32>
        %mul3A_828 = arith.mulf %mul3A_827, %mul3A_823 : vector<16xf32>
        %sub3A_829 = arith.constant 1.500000e+00 : f32
        %sub3A_830 = vector.broadcast %sub3A_829 : f32 to vector<16xf32>
        %sub3A_831 = arith.subf %sub3A_830, %mul3A_828 : vector<16xf32>
        %mul3A_832 = arith.mulf %mul3A_823, %sub3A_831 : vector<16xf32>
        %mul3A_833 = arith.mulf %max3A_797, %mul3A_832 : vector<16xf32>
        %sub3A_834 = arith.constant 1.000000e+00 : f32
        %sub3A_835 = vector.broadcast %sub3A_834 : f32 to vector<16xf32>
        %sub3A_836 = arith.subf %mul3A_833, %sub3A_835 : vector<16xf32>
        %abs3A_837 = math.absf %sub3A_836 : vector<16xf32>
        %add3A_838 = arith.addf %max3A_794, %abs3A_837 : vector<16xf32>
        %max3A_839 = arith.constant 1.000000e-30 : f32
        %max3A_840 = vector.broadcast %max3A_839 : f32 to vector<16xf32>
        %max3A_841 = arith.maximumf %scan3A_683#2, %max3A_840 : vector<16xf32>
        %bitcast_convert_type3A_842 = tpu.bitcast %max3A_841 : vector<16xf32> -> vector<16xi32>
        %shift_right_arithmetic3A_843 = arith.constant 1 : i32
        %shift_right_arithmetic3A_844 = vector.broadcast %shift_right_arithmetic3A_843 : i32 to vector<16xi32>
        %shift_right_arithmetic3A_845 = arith.shrsi %bitcast_convert_type3A_842, %shift_right_arithmetic3A_844 : vector<16xi32>
        %sub3A_846 = arith.constant 1597463007 : i32
        %sub3A_847 = vector.broadcast %sub3A_846 : i32 to vector<16xi32>
        %sub3A_848 = arith.subi %sub3A_847, %shift_right_arithmetic3A_845 : vector<16xi32>
        %bitcast_convert_type3A_849 = tpu.bitcast %sub3A_848 : vector<16xi32> -> vector<16xf32>
        %mul3A_850 = arith.constant 5.000000e-01 : f32
        %mul3A_851 = vector.broadcast %mul3A_850 : f32 to vector<16xf32>
        %mul3A_852 = arith.mulf %mul3A_851, %max3A_841 : vector<16xf32>
        %mul3A_853 = arith.mulf %mul3A_852, %bitcast_convert_type3A_849 : vector<16xf32>
        %mul3A_854 = arith.mulf %mul3A_853, %bitcast_convert_type3A_849 : vector<16xf32>
        %sub3A_855 = arith.constant 1.500000e+00 : f32
        %sub3A_856 = vector.broadcast %sub3A_855 : f32 to vector<16xf32>
        %sub3A_857 = arith.subf %sub3A_856, %mul3A_854 : vector<16xf32>
        %mul3A_858 = arith.mulf %bitcast_convert_type3A_849, %sub3A_857 : vector<16xf32>
        %mul3A_859 = arith.constant 5.000000e-01 : f32
        %mul3A_860 = vector.broadcast %mul3A_859 : f32 to vector<16xf32>
        %mul3A_861 = arith.mulf %mul3A_860, %max3A_841 : vector<16xf32>
        %mul3A_862 = arith.mulf %mul3A_861, %mul3A_858 : vector<16xf32>
        %mul3A_863 = arith.mulf %mul3A_862, %mul3A_858 : vector<16xf32>
        %sub3A_864 = arith.constant 1.500000e+00 : f32
        %sub3A_865 = vector.broadcast %sub3A_864 : f32 to vector<16xf32>
        %sub3A_866 = arith.subf %sub3A_865, %mul3A_863 : vector<16xf32>
        %mul3A_867 = arith.mulf %mul3A_858, %sub3A_866 : vector<16xf32>
        %mul3A_868 = arith.constant 5.000000e-01 : f32
        %mul3A_869 = vector.broadcast %mul3A_868 : f32 to vector<16xf32>
        %mul3A_870 = arith.mulf %mul3A_869, %max3A_841 : vector<16xf32>
        %mul3A_871 = arith.mulf %mul3A_870, %mul3A_867 : vector<16xf32>
        %mul3A_872 = arith.mulf %mul3A_871, %mul3A_867 : vector<16xf32>
        %sub3A_873 = arith.constant 1.500000e+00 : f32
        %sub3A_874 = vector.broadcast %sub3A_873 : f32 to vector<16xf32>
        %sub3A_875 = arith.subf %sub3A_874, %mul3A_872 : vector<16xf32>
        %mul3A_876 = arith.mulf %mul3A_867, %sub3A_875 : vector<16xf32>
        %mul3A_877 = arith.mulf %max3A_841, %mul3A_876 : vector<16xf32>
        %sub3A_878 = arith.constant 1.000000e+00 : f32
        %sub3A_879 = vector.broadcast %sub3A_878 : f32 to vector<16xf32>
        %sub3A_880 = arith.subf %mul3A_877, %sub3A_879 : vector<16xf32>
        %abs3A_881 = math.absf %sub3A_880 : vector<16xf32>
        %add3A_882 = arith.addf %add3A_838, %abs3A_881 : vector<16xf32>
        %add3A_883 = arith.addf %abs3A_705, %abs3A_712 : vector<16xf32>
        %max3A_884 = arith.constant 1.000000e-30 : f32
        %max3A_885 = vector.broadcast %max3A_884 : f32 to vector<16xf32>
        %max3A_886 = arith.maximumf %scan3A_683#3, %max3A_885 : vector<16xf32>
        %bitcast_convert_type3A_887 = tpu.bitcast %max3A_886 : vector<16xf32> -> vector<16xi32>
        %shift_right_arithmetic3A_888 = arith.constant 1 : i32
        %shift_right_arithmetic3A_889 = vector.broadcast %shift_right_arithmetic3A_888 : i32 to vector<16xi32>
        %shift_right_arithmetic3A_890 = arith.shrsi %bitcast_convert_type3A_887, %shift_right_arithmetic3A_889 : vector<16xi32>
        %sub3A_891 = arith.constant 1597463007 : i32
        %sub3A_892 = vector.broadcast %sub3A_891 : i32 to vector<16xi32>
        %sub3A_893 = arith.subi %sub3A_892, %shift_right_arithmetic3A_890 : vector<16xi32>
        %bitcast_convert_type3A_894 = tpu.bitcast %sub3A_893 : vector<16xi32> -> vector<16xf32>
        %mul3A_895 = arith.constant 5.000000e-01 : f32
        %mul3A_896 = vector.broadcast %mul3A_895 : f32 to vector<16xf32>
        %mul3A_897 = arith.mulf %mul3A_896, %max3A_886 : vector<16xf32>
        %mul3A_898 = arith.mulf %mul3A_897, %bitcast_convert_type3A_894 : vector<16xf32>
        %mul3A_899 = arith.mulf %mul3A_898, %bitcast_convert_type3A_894 : vector<16xf32>
        %sub3A_900 = arith.constant 1.500000e+00 : f32
        %sub3A_901 = vector.broadcast %sub3A_900 : f32 to vector<16xf32>
        %sub3A_902 = arith.subf %sub3A_901, %mul3A_899 : vector<16xf32>
        %mul3A_903 = arith.mulf %bitcast_convert_type3A_894, %sub3A_902 : vector<16xf32>
        %mul3A_904 = arith.constant 5.000000e-01 : f32
        %mul3A_905 = vector.broadcast %mul3A_904 : f32 to vector<16xf32>
        %mul3A_906 = arith.mulf %mul3A_905, %max3A_886 : vector<16xf32>
        %mul3A_907 = arith.mulf %mul3A_906, %mul3A_903 : vector<16xf32>
        %mul3A_908 = arith.mulf %mul3A_907, %mul3A_903 : vector<16xf32>
        %sub3A_909 = arith.constant 1.500000e+00 : f32
        %sub3A_910 = vector.broadcast %sub3A_909 : f32 to vector<16xf32>
        %sub3A_911 = arith.subf %sub3A_910, %mul3A_908 : vector<16xf32>
        %mul3A_912 = arith.mulf %mul3A_903, %sub3A_911 : vector<16xf32>
        %mul3A_913 = arith.constant 5.000000e-01 : f32
        %mul3A_914 = vector.broadcast %mul3A_913 : f32 to vector<16xf32>
        %mul3A_915 = arith.mulf %mul3A_914, %max3A_886 : vector<16xf32>
        %mul3A_916 = arith.mulf %mul3A_915, %mul3A_912 : vector<16xf32>
        %mul3A_917 = arith.mulf %mul3A_916, %mul3A_912 : vector<16xf32>
        %sub3A_918 = arith.constant 1.500000e+00 : f32
        %sub3A_919 = vector.broadcast %sub3A_918 : f32 to vector<16xf32>
        %sub3A_920 = arith.subf %sub3A_919, %mul3A_917 : vector<16xf32>
        %mul3A_921 = arith.mulf %mul3A_912, %sub3A_920 : vector<16xf32>
        %mul3A_922 = arith.mulf %max3A_886, %mul3A_921 : vector<16xf32>
        %sub3A_923 = arith.subf %mul3A_922, %add3A_883 : vector<16xf32>
        %max3A_924 = arith.constant 0.000000e+00 : f32
        %max3A_925 = vector.broadcast %max3A_924 : f32 to vector<16xf32>
        %max3A_926 = arith.maximumf %sub3A_923, %max3A_925 : vector<16xf32>
        %max3A_927 = arith.constant 1.000000e-30 : f32
        %max3A_928 = vector.broadcast %max3A_927 : f32 to vector<16xf32>
        %max3A_929 = arith.maximumf %scan3A_683#4, %max3A_928 : vector<16xf32>
        %bitcast_convert_type3A_930 = tpu.bitcast %max3A_929 : vector<16xf32> -> vector<16xi32>
        %shift_right_arithmetic3A_931 = arith.constant 1 : i32
        %shift_right_arithmetic3A_932 = vector.broadcast %shift_right_arithmetic3A_931 : i32 to vector<16xi32>
        %shift_right_arithmetic3A_933 = arith.shrsi %bitcast_convert_type3A_930, %shift_right_arithmetic3A_932 : vector<16xi32>
        %sub3A_934 = arith.constant 1597463007 : i32
        %sub3A_935 = vector.broadcast %sub3A_934 : i32 to vector<16xi32>
        %sub3A_936 = arith.subi %sub3A_935, %shift_right_arithmetic3A_933 : vector<16xi32>
        %bitcast_convert_type3A_937 = tpu.bitcast %sub3A_936 : vector<16xi32> -> vector<16xf32>
        %mul3A_938 = arith.constant 5.000000e-01 : f32
        %mul3A_939 = vector.broadcast %mul3A_938 : f32 to vector<16xf32>
        %mul3A_940 = arith.mulf %mul3A_939, %max3A_929 : vector<16xf32>
        %mul3A_941 = arith.mulf %mul3A_940, %bitcast_convert_type3A_937 : vector<16xf32>
        %mul3A_942 = arith.mulf %mul3A_941, %bitcast_convert_type3A_937 : vector<16xf32>
        %sub3A_943 = arith.constant 1.500000e+00 : f32
        %sub3A_944 = vector.broadcast %sub3A_943 : f32 to vector<16xf32>
        %sub3A_945 = arith.subf %sub3A_944, %mul3A_942 : vector<16xf32>
        %mul3A_946 = arith.mulf %bitcast_convert_type3A_937, %sub3A_945 : vector<16xf32>
        %mul3A_947 = arith.constant 5.000000e-01 : f32
        %mul3A_948 = vector.broadcast %mul3A_947 : f32 to vector<16xf32>
        %mul3A_949 = arith.mulf %mul3A_948, %max3A_929 : vector<16xf32>
        %mul3A_950 = arith.mulf %mul3A_949, %mul3A_946 : vector<16xf32>
        %mul3A_951 = arith.mulf %mul3A_950, %mul3A_946 : vector<16xf32>
        %sub3A_952 = arith.constant 1.500000e+00 : f32
        %sub3A_953 = vector.broadcast %sub3A_952 : f32 to vector<16xf32>
        %sub3A_954 = arith.subf %sub3A_953, %mul3A_951 : vector<16xf32>
        %mul3A_955 = arith.mulf %mul3A_946, %sub3A_954 : vector<16xf32>
        %mul3A_956 = arith.constant 5.000000e-01 : f32
        %mul3A_957 = vector.broadcast %mul3A_956 : f32 to vector<16xf32>
        %mul3A_958 = arith.mulf %mul3A_957, %max3A_929 : vector<16xf32>
        %mul3A_959 = arith.mulf %mul3A_958, %mul3A_955 : vector<16xf32>
        %mul3A_960 = arith.mulf %mul3A_959, %mul3A_955 : vector<16xf32>
        %sub3A_961 = arith.constant 1.500000e+00 : f32
        %sub3A_962 = vector.broadcast %sub3A_961 : f32 to vector<16xf32>
        %sub3A_963 = arith.subf %sub3A_962, %mul3A_960 : vector<16xf32>
        %mul3A_964 = arith.mulf %mul3A_955, %sub3A_963 : vector<16xf32>
        %mul3A_965 = arith.mulf %max3A_929, %mul3A_964 : vector<16xf32>
        %sub3A_966 = arith.subf %mul3A_965, %abs3A_705 : vector<16xf32>
        %max3A_967 = arith.constant 0.000000e+00 : f32
        %max3A_968 = vector.broadcast %max3A_967 : f32 to vector<16xf32>
        %max3A_969 = arith.maximumf %sub3A_966, %max3A_968 : vector<16xf32>
        %add3A_970 = arith.addf %max3A_926, %max3A_969 : vector<16xf32>
        %max3A_971 = arith.constant 1.000000e-30 : f32
        %max3A_972 = vector.broadcast %max3A_971 : f32 to vector<16xf32>
        %max3A_973 = arith.maximumf %scan3A_683#5, %max3A_972 : vector<16xf32>
        %bitcast_convert_type3A_974 = tpu.bitcast %max3A_973 : vector<16xf32> -> vector<16xi32>
        %shift_right_arithmetic3A_975 = arith.constant 1 : i32
        %shift_right_arithmetic3A_976 = vector.broadcast %shift_right_arithmetic3A_975 : i32 to vector<16xi32>
        %shift_right_arithmetic3A_977 = arith.shrsi %bitcast_convert_type3A_974, %shift_right_arithmetic3A_976 : vector<16xi32>
        %sub3A_978 = arith.constant 1597463007 : i32
        %sub3A_979 = vector.broadcast %sub3A_978 : i32 to vector<16xi32>
        %sub3A_980 = arith.subi %sub3A_979, %shift_right_arithmetic3A_977 : vector<16xi32>
        %bitcast_convert_type3A_981 = tpu.bitcast %sub3A_980 : vector<16xi32> -> vector<16xf32>
        %mul3A_982 = arith.constant 5.000000e-01 : f32
        %mul3A_983 = vector.broadcast %mul3A_982 : f32 to vector<16xf32>
        %mul3A_984 = arith.mulf %mul3A_983, %max3A_973 : vector<16xf32>
        %mul3A_985 = arith.mulf %mul3A_984, %bitcast_convert_type3A_981 : vector<16xf32>
        %mul3A_986 = arith.mulf %mul3A_985, %bitcast_convert_type3A_981 : vector<16xf32>
        %sub3A_987 = arith.constant 1.500000e+00 : f32
        %sub3A_988 = vector.broadcast %sub3A_987 : f32 to vector<16xf32>
        %sub3A_989 = arith.subf %sub3A_988, %mul3A_986 : vector<16xf32>
        %mul3A_990 = arith.mulf %bitcast_convert_type3A_981, %sub3A_989 : vector<16xf32>
        %mul3A_991 = arith.constant 5.000000e-01 : f32
        %mul3A_992 = vector.broadcast %mul3A_991 : f32 to vector<16xf32>
        %mul3A_993 = arith.mulf %mul3A_992, %max3A_973 : vector<16xf32>
        %mul3A_994 = arith.mulf %mul3A_993, %mul3A_990 : vector<16xf32>
        %mul3A_995 = arith.mulf %mul3A_994, %mul3A_990 : vector<16xf32>
        %sub3A_996 = arith.constant 1.500000e+00 : f32
        %sub3A_997 = vector.broadcast %sub3A_996 : f32 to vector<16xf32>
        %sub3A_998 = arith.subf %sub3A_997, %mul3A_995 : vector<16xf32>
        %mul3A_999 = arith.mulf %mul3A_990, %sub3A_998 : vector<16xf32>
        %mul3A_1000 = arith.constant 5.000000e-01 : f32
        %mul3A_1001 = vector.broadcast %mul3A_1000 : f32 to vector<16xf32>
        %mul3A_1002 = arith.mulf %mul3A_1001, %max3A_973 : vector<16xf32>
        %mul3A_1003 = arith.mulf %mul3A_1002, %mul3A_999 : vector<16xf32>
        %mul3A_1004 = arith.mulf %mul3A_1003, %mul3A_999 : vector<16xf32>
        %sub3A_1005 = arith.constant 1.500000e+00 : f32
        %sub3A_1006 = vector.broadcast %sub3A_1005 : f32 to vector<16xf32>
        %sub3A_1007 = arith.subf %sub3A_1006, %mul3A_1004 : vector<16xf32>
        %mul3A_1008 = arith.mulf %mul3A_999, %sub3A_1007 : vector<16xf32>
        %mul3A_1009 = arith.mulf %max3A_973, %mul3A_1008 : vector<16xf32>
        %sub3A_1010 = arith.subf %mul3A_1009, %abs3A_712 : vector<16xf32>
        %max3A_1011 = arith.constant 0.000000e+00 : f32
        %max3A_1012 = vector.broadcast %max3A_1011 : f32 to vector<16xf32>
        %max3A_1013 = arith.maximumf %sub3A_1010, %max3A_1012 : vector<16xf32>
        %add3A_1014 = arith.addf %add3A_970, %max3A_1013 : vector<16xf32>
        %max3A_1015 = arith.maximumf %abs3A_705, %abs3A_712 : vector<16xf32>
        %sub3A_1016 = arith.subf %max3A_1015, %abs3A_712 : vector<16xf32>
        %max3A_1017 = arith.constant 0.000000e+00 : f32
        %max3A_1018 = vector.broadcast %max3A_1017 : f32 to vector<16xf32>
        %max3A_1019 = arith.maximumf %sub3A_1016, %max3A_1018 : vector<16xf32>
        %add3A_1020 = arith.addf %add3A_1014, %max3A_1019 : vector<16xf32>
        %max3A_1021 = arith.constant 1.000000e-30 : f32
        %max3A_1022 = vector.broadcast %max3A_1021 : f32 to vector<16xf32>
        %max3A_1023 = arith.maximumf %scan3A_683#6, %max3A_1022 : vector<16xf32>
        %bitcast_convert_type3A_1024 = tpu.bitcast %max3A_1023 : vector<16xf32> -> vector<16xi32>
        %shift_right_arithmetic3A_1025 = arith.constant 1 : i32
        %shift_right_arithmetic3A_1026 = vector.broadcast %shift_right_arithmetic3A_1025 : i32 to vector<16xi32>
        %shift_right_arithmetic3A_1027 = arith.shrsi %bitcast_convert_type3A_1024, %shift_right_arithmetic3A_1026 : vector<16xi32>
        %sub3A_1028 = arith.constant 1597463007 : i32
        %sub3A_1029 = vector.broadcast %sub3A_1028 : i32 to vector<16xi32>
        %sub3A_1030 = arith.subi %sub3A_1029, %shift_right_arithmetic3A_1027 : vector<16xi32>
        %bitcast_convert_type3A_1031 = tpu.bitcast %sub3A_1030 : vector<16xi32> -> vector<16xf32>
        %mul3A_1032 = arith.constant 5.000000e-01 : f32
        %mul3A_1033 = vector.broadcast %mul3A_1032 : f32 to vector<16xf32>
        %mul3A_1034 = arith.mulf %mul3A_1033, %max3A_1023 : vector<16xf32>
        %mul3A_1035 = arith.mulf %mul3A_1034, %bitcast_convert_type3A_1031 : vector<16xf32>
        %mul3A_1036 = arith.mulf %mul3A_1035, %bitcast_convert_type3A_1031 : vector<16xf32>
        %sub3A_1037 = arith.constant 1.500000e+00 : f32
        %sub3A_1038 = vector.broadcast %sub3A_1037 : f32 to vector<16xf32>
        %sub3A_1039 = arith.subf %sub3A_1038, %mul3A_1036 : vector<16xf32>
        %mul3A_1040 = arith.mulf %bitcast_convert_type3A_1031, %sub3A_1039 : vector<16xf32>
        %mul3A_1041 = arith.constant 5.000000e-01 : f32
        %mul3A_1042 = vector.broadcast %mul3A_1041 : f32 to vector<16xf32>
        %mul3A_1043 = arith.mulf %mul3A_1042, %max3A_1023 : vector<16xf32>
        %mul3A_1044 = arith.mulf %mul3A_1043, %mul3A_1040 : vector<16xf32>
        %mul3A_1045 = arith.mulf %mul3A_1044, %mul3A_1040 : vector<16xf32>
        %sub3A_1046 = arith.constant 1.500000e+00 : f32
        %sub3A_1047 = vector.broadcast %sub3A_1046 : f32 to vector<16xf32>
        %sub3A_1048 = arith.subf %sub3A_1047, %mul3A_1045 : vector<16xf32>
        %mul3A_1049 = arith.mulf %mul3A_1040, %sub3A_1048 : vector<16xf32>
        %mul3A_1050 = arith.constant 5.000000e-01 : f32
        %mul3A_1051 = vector.broadcast %mul3A_1050 : f32 to vector<16xf32>
        %mul3A_1052 = arith.mulf %mul3A_1051, %max3A_1023 : vector<16xf32>
        %mul3A_1053 = arith.mulf %mul3A_1052, %mul3A_1049 : vector<16xf32>
        %mul3A_1054 = arith.mulf %mul3A_1053, %mul3A_1049 : vector<16xf32>
        %sub3A_1055 = arith.constant 1.500000e+00 : f32
        %sub3A_1056 = vector.broadcast %sub3A_1055 : f32 to vector<16xf32>
        %sub3A_1057 = arith.subf %sub3A_1056, %mul3A_1054 : vector<16xf32>
        %mul3A_1058 = arith.mulf %mul3A_1049, %sub3A_1057 : vector<16xf32>
        %mul3A_1059 = arith.mulf %max3A_1023, %mul3A_1058 : vector<16xf32>
        %sub3A_1060 = arith.constant 1.000000e+00 : f32
        %sub3A_1061 = vector.broadcast %sub3A_1060 : f32 to vector<16xf32>
        %sub3A_1062 = arith.subf %mul3A_1059, %sub3A_1061 : vector<16xf32>
        %abs3A_1063 = math.absf %sub3A_1062 : vector<16xf32>
        %add3A_1064 = arith.addf %add3A_1020, %abs3A_1063 : vector<16xf32>
        %max3A_1065 = arith.constant 1.000000e-30 : f32
        %max3A_1066 = vector.broadcast %max3A_1065 : f32 to vector<16xf32>
        %max3A_1067 = arith.maximumf %scan3A_683#7, %max3A_1066 : vector<16xf32>
        %bitcast_convert_type3A_1068 = tpu.bitcast %max3A_1067 : vector<16xf32> -> vector<16xi32>
        %shift_right_arithmetic3A_1069 = arith.constant 1 : i32
        %shift_right_arithmetic3A_1070 = vector.broadcast %shift_right_arithmetic3A_1069 : i32 to vector<16xi32>
        %shift_right_arithmetic3A_1071 = arith.shrsi %bitcast_convert_type3A_1068, %shift_right_arithmetic3A_1070 : vector<16xi32>
        %sub3A_1072 = arith.constant 1597463007 : i32
        %sub3A_1073 = vector.broadcast %sub3A_1072 : i32 to vector<16xi32>
        %sub3A_1074 = arith.subi %sub3A_1073, %shift_right_arithmetic3A_1071 : vector<16xi32>
        %bitcast_convert_type3A_1075 = tpu.bitcast %sub3A_1074 : vector<16xi32> -> vector<16xf32>
        %mul3A_1076 = arith.constant 5.000000e-01 : f32
        %mul3A_1077 = vector.broadcast %mul3A_1076 : f32 to vector<16xf32>
        %mul3A_1078 = arith.mulf %mul3A_1077, %max3A_1067 : vector<16xf32>
        %mul3A_1079 = arith.mulf %mul3A_1078, %bitcast_convert_type3A_1075 : vector<16xf32>
        %mul3A_1080 = arith.mulf %mul3A_1079, %bitcast_convert_type3A_1075 : vector<16xf32>
        %sub3A_1081 = arith.constant 1.500000e+00 : f32
        %sub3A_1082 = vector.broadcast %sub3A_1081 : f32 to vector<16xf32>
        %sub3A_1083 = arith.subf %sub3A_1082, %mul3A_1080 : vector<16xf32>
        %mul3A_1084 = arith.mulf %bitcast_convert_type3A_1075, %sub3A_1083 : vector<16xf32>
        %mul3A_1085 = arith.constant 5.000000e-01 : f32
        %mul3A_1086 = vector.broadcast %mul3A_1085 : f32 to vector<16xf32>
        %mul3A_1087 = arith.mulf %mul3A_1086, %max3A_1067 : vector<16xf32>
        %mul3A_1088 = arith.mulf %mul3A_1087, %mul3A_1084 : vector<16xf32>
        %mul3A_1089 = arith.mulf %mul3A_1088, %mul3A_1084 : vector<16xf32>
        %sub3A_1090 = arith.constant 1.500000e+00 : f32
        %sub3A_1091 = vector.broadcast %sub3A_1090 : f32 to vector<16xf32>
        %sub3A_1092 = arith.subf %sub3A_1091, %mul3A_1089 : vector<16xf32>
        %mul3A_1093 = arith.mulf %mul3A_1084, %sub3A_1092 : vector<16xf32>
        %mul3A_1094 = arith.constant 5.000000e-01 : f32
        %mul3A_1095 = vector.broadcast %mul3A_1094 : f32 to vector<16xf32>
        %mul3A_1096 = arith.mulf %mul3A_1095, %max3A_1067 : vector<16xf32>
        %mul3A_1097 = arith.mulf %mul3A_1096, %mul3A_1093 : vector<16xf32>
        %mul3A_1098 = arith.mulf %mul3A_1097, %mul3A_1093 : vector<16xf32>
        %sub3A_1099 = arith.constant 1.500000e+00 : f32
        %sub3A_1100 = vector.broadcast %sub3A_1099 : f32 to vector<16xf32>
        %sub3A_1101 = arith.subf %sub3A_1100, %mul3A_1098 : vector<16xf32>
        %mul3A_1102 = arith.mulf %mul3A_1093, %sub3A_1101 : vector<16xf32>
        %mul3A_1103 = arith.mulf %max3A_1067, %mul3A_1102 : vector<16xf32>
        %sub3A_1104 = arith.constant 1.000000e+00 : f32
        %sub3A_1105 = vector.broadcast %sub3A_1104 : f32 to vector<16xf32>
        %sub3A_1106 = arith.subf %mul3A_1103, %sub3A_1105 : vector<16xf32>
        %abs3A_1107 = math.absf %sub3A_1106 : vector<16xf32>
        %add3A_1108 = arith.addf %add3A_1064, %abs3A_1107 : vector<16xf32>
        %max3A_1109 = arith.constant 1.000000e-30 : f32
        %max3A_1110 = vector.broadcast %max3A_1109 : f32 to vector<16xf32>
        %max3A_1111 = arith.maximumf %scan3A_683#8, %max3A_1110 : vector<16xf32>
        %bitcast_convert_type3A_1112 = tpu.bitcast %max3A_1111 : vector<16xf32> -> vector<16xi32>
        %shift_right_arithmetic3A_1113 = arith.constant 1 : i32
        %shift_right_arithmetic3A_1114 = vector.broadcast %shift_right_arithmetic3A_1113 : i32 to vector<16xi32>
        %shift_right_arithmetic3A_1115 = arith.shrsi %bitcast_convert_type3A_1112, %shift_right_arithmetic3A_1114 : vector<16xi32>
        %sub3A_1116 = arith.constant 1597463007 : i32
        %sub3A_1117 = vector.broadcast %sub3A_1116 : i32 to vector<16xi32>
        %sub3A_1118 = arith.subi %sub3A_1117, %shift_right_arithmetic3A_1115 : vector<16xi32>
        %bitcast_convert_type3A_1119 = tpu.bitcast %sub3A_1118 : vector<16xi32> -> vector<16xf32>
        %mul3A_1120 = arith.constant 5.000000e-01 : f32
        %mul3A_1121 = vector.broadcast %mul3A_1120 : f32 to vector<16xf32>
        %mul3A_1122 = arith.mulf %mul3A_1121, %max3A_1111 : vector<16xf32>
        %mul3A_1123 = arith.mulf %mul3A_1122, %bitcast_convert_type3A_1119 : vector<16xf32>
        %mul3A_1124 = arith.mulf %mul3A_1123, %bitcast_convert_type3A_1119 : vector<16xf32>
        %sub3A_1125 = arith.constant 1.500000e+00 : f32
        %sub3A_1126 = vector.broadcast %sub3A_1125 : f32 to vector<16xf32>
        %sub3A_1127 = arith.subf %sub3A_1126, %mul3A_1124 : vector<16xf32>
        %mul3A_1128 = arith.mulf %bitcast_convert_type3A_1119, %sub3A_1127 : vector<16xf32>
        %mul3A_1129 = arith.constant 5.000000e-01 : f32
        %mul3A_1130 = vector.broadcast %mul3A_1129 : f32 to vector<16xf32>
        %mul3A_1131 = arith.mulf %mul3A_1130, %max3A_1111 : vector<16xf32>
        %mul3A_1132 = arith.mulf %mul3A_1131, %mul3A_1128 : vector<16xf32>
        %mul3A_1133 = arith.mulf %mul3A_1132, %mul3A_1128 : vector<16xf32>
        %sub3A_1134 = arith.constant 1.500000e+00 : f32
        %sub3A_1135 = vector.broadcast %sub3A_1134 : f32 to vector<16xf32>
        %sub3A_1136 = arith.subf %sub3A_1135, %mul3A_1133 : vector<16xf32>
        %mul3A_1137 = arith.mulf %mul3A_1128, %sub3A_1136 : vector<16xf32>
        %mul3A_1138 = arith.constant 5.000000e-01 : f32
        %mul3A_1139 = vector.broadcast %mul3A_1138 : f32 to vector<16xf32>
        %mul3A_1140 = arith.mulf %mul3A_1139, %max3A_1111 : vector<16xf32>
        %mul3A_1141 = arith.mulf %mul3A_1140, %mul3A_1137 : vector<16xf32>
        %mul3A_1142 = arith.mulf %mul3A_1141, %mul3A_1137 : vector<16xf32>
        %sub3A_1143 = arith.constant 1.500000e+00 : f32
        %sub3A_1144 = vector.broadcast %sub3A_1143 : f32 to vector<16xf32>
        %sub3A_1145 = arith.subf %sub3A_1144, %mul3A_1142 : vector<16xf32>
        %mul3A_1146 = arith.mulf %mul3A_1137, %sub3A_1145 : vector<16xf32>
        %mul3A_1147 = arith.mulf %max3A_1111, %mul3A_1146 : vector<16xf32>
        %sub3A_1148 = arith.constant 1.000000e+00 : f32
        %sub3A_1149 = vector.broadcast %sub3A_1148 : f32 to vector<16xf32>
        %sub3A_1150 = arith.subf %mul3A_1147, %sub3A_1149 : vector<16xf32>
        %abs3A_1151 = math.absf %sub3A_1150 : vector<16xf32>
        %add3A_1152 = arith.addf %add3A_1108, %abs3A_1151 : vector<16xf32>
        %max3A_1153 = arith.constant 1.000000e-30 : f32
        %max3A_1154 = vector.broadcast %max3A_1153 : f32 to vector<16xf32>
        %max3A_1155 = arith.maximumf %scan3A_683#9, %max3A_1154 : vector<16xf32>
        %bitcast_convert_type3A_1156 = tpu.bitcast %max3A_1155 : vector<16xf32> -> vector<16xi32>
        %shift_right_arithmetic3A_1157 = arith.constant 1 : i32
        %shift_right_arithmetic3A_1158 = vector.broadcast %shift_right_arithmetic3A_1157 : i32 to vector<16xi32>
        %shift_right_arithmetic3A_1159 = arith.shrsi %bitcast_convert_type3A_1156, %shift_right_arithmetic3A_1158 : vector<16xi32>
        %sub3A_1160 = arith.constant 1597463007 : i32
        %sub3A_1161 = vector.broadcast %sub3A_1160 : i32 to vector<16xi32>
        %sub3A_1162 = arith.subi %sub3A_1161, %shift_right_arithmetic3A_1159 : vector<16xi32>
        %bitcast_convert_type3A_1163 = tpu.bitcast %sub3A_1162 : vector<16xi32> -> vector<16xf32>
        %mul3A_1164 = arith.constant 5.000000e-01 : f32
        %mul3A_1165 = vector.broadcast %mul3A_1164 : f32 to vector<16xf32>
        %mul3A_1166 = arith.mulf %mul3A_1165, %max3A_1155 : vector<16xf32>
        %mul3A_1167 = arith.mulf %mul3A_1166, %bitcast_convert_type3A_1163 : vector<16xf32>
        %mul3A_1168 = arith.mulf %mul3A_1167, %bitcast_convert_type3A_1163 : vector<16xf32>
        %sub3A_1169 = arith.constant 1.500000e+00 : f32
        %sub3A_1170 = vector.broadcast %sub3A_1169 : f32 to vector<16xf32>
        %sub3A_1171 = arith.subf %sub3A_1170, %mul3A_1168 : vector<16xf32>
        %mul3A_1172 = arith.mulf %bitcast_convert_type3A_1163, %sub3A_1171 : vector<16xf32>
        %mul3A_1173 = arith.constant 5.000000e-01 : f32
        %mul3A_1174 = vector.broadcast %mul3A_1173 : f32 to vector<16xf32>
        %mul3A_1175 = arith.mulf %mul3A_1174, %max3A_1155 : vector<16xf32>
        %mul3A_1176 = arith.mulf %mul3A_1175, %mul3A_1172 : vector<16xf32>
        %mul3A_1177 = arith.mulf %mul3A_1176, %mul3A_1172 : vector<16xf32>
        %sub3A_1178 = arith.constant 1.500000e+00 : f32
        %sub3A_1179 = vector.broadcast %sub3A_1178 : f32 to vector<16xf32>
        %sub3A_1180 = arith.subf %sub3A_1179, %mul3A_1177 : vector<16xf32>
        %mul3A_1181 = arith.mulf %mul3A_1172, %sub3A_1180 : vector<16xf32>
        %mul3A_1182 = arith.constant 5.000000e-01 : f32
        %mul3A_1183 = vector.broadcast %mul3A_1182 : f32 to vector<16xf32>
        %mul3A_1184 = arith.mulf %mul3A_1183, %max3A_1155 : vector<16xf32>
        %mul3A_1185 = arith.mulf %mul3A_1184, %mul3A_1181 : vector<16xf32>
        %mul3A_1186 = arith.mulf %mul3A_1185, %mul3A_1181 : vector<16xf32>
        %sub3A_1187 = arith.constant 1.500000e+00 : f32
        %sub3A_1188 = vector.broadcast %sub3A_1187 : f32 to vector<16xf32>
        %sub3A_1189 = arith.subf %sub3A_1188, %mul3A_1186 : vector<16xf32>
        %mul3A_1190 = arith.mulf %mul3A_1181, %sub3A_1189 : vector<16xf32>
        %mul3A_1191 = arith.mulf %max3A_1155, %mul3A_1190 : vector<16xf32>
        %add3A_1192 = arith.addf %mul3A_1191, %abs3A_719 : vector<16xf32>
        %sub3A_1193 = arith.subf %add3A_1192, %abs3A_726 : vector<16xf32>
        %max3A_1194 = arith.constant 0.000000e+00 : f32
        %max3A_1195 = vector.broadcast %max3A_1194 : f32 to vector<16xf32>
        %max3A_1196 = arith.maximumf %sub3A_1193, %max3A_1195 : vector<16xf32>
        %max3A_1197 = arith.constant 1.000000e-30 : f32
        %max3A_1198 = vector.broadcast %max3A_1197 : f32 to vector<16xf32>
        %max3A_1199 = arith.maximumf %scan3A_683#10, %max3A_1198 : vector<16xf32>
        %bitcast_convert_type3A_1200 = tpu.bitcast %max3A_1199 : vector<16xf32> -> vector<16xi32>
        %shift_right_arithmetic3A_1201 = arith.constant 1 : i32
        %shift_right_arithmetic3A_1202 = vector.broadcast %shift_right_arithmetic3A_1201 : i32 to vector<16xi32>
        %shift_right_arithmetic3A_1203 = arith.shrsi %bitcast_convert_type3A_1200, %shift_right_arithmetic3A_1202 : vector<16xi32>
        %sub3A_1204 = arith.constant 1597463007 : i32
        %sub3A_1205 = vector.broadcast %sub3A_1204 : i32 to vector<16xi32>
        %sub3A_1206 = arith.subi %sub3A_1205, %shift_right_arithmetic3A_1203 : vector<16xi32>
        %bitcast_convert_type3A_1207 = tpu.bitcast %sub3A_1206 : vector<16xi32> -> vector<16xf32>
        %mul3A_1208 = arith.constant 5.000000e-01 : f32
        %mul3A_1209 = vector.broadcast %mul3A_1208 : f32 to vector<16xf32>
        %mul3A_1210 = arith.mulf %mul3A_1209, %max3A_1199 : vector<16xf32>
        %mul3A_1211 = arith.mulf %mul3A_1210, %bitcast_convert_type3A_1207 : vector<16xf32>
        %mul3A_1212 = arith.mulf %mul3A_1211, %bitcast_convert_type3A_1207 : vector<16xf32>
        %sub3A_1213 = arith.constant 1.500000e+00 : f32
        %sub3A_1214 = vector.broadcast %sub3A_1213 : f32 to vector<16xf32>
        %sub3A_1215 = arith.subf %sub3A_1214, %mul3A_1212 : vector<16xf32>
        %mul3A_1216 = arith.mulf %bitcast_convert_type3A_1207, %sub3A_1215 : vector<16xf32>
        %mul3A_1217 = arith.constant 5.000000e-01 : f32
        %mul3A_1218 = vector.broadcast %mul3A_1217 : f32 to vector<16xf32>
        %mul3A_1219 = arith.mulf %mul3A_1218, %max3A_1199 : vector<16xf32>
        %mul3A_1220 = arith.mulf %mul3A_1219, %mul3A_1216 : vector<16xf32>
        %mul3A_1221 = arith.mulf %mul3A_1220, %mul3A_1216 : vector<16xf32>
        %sub3A_1222 = arith.constant 1.500000e+00 : f32
        %sub3A_1223 = vector.broadcast %sub3A_1222 : f32 to vector<16xf32>
        %sub3A_1224 = arith.subf %sub3A_1223, %mul3A_1221 : vector<16xf32>
        %mul3A_1225 = arith.mulf %mul3A_1216, %sub3A_1224 : vector<16xf32>
        %mul3A_1226 = arith.constant 5.000000e-01 : f32
        %mul3A_1227 = vector.broadcast %mul3A_1226 : f32 to vector<16xf32>
        %mul3A_1228 = arith.mulf %mul3A_1227, %max3A_1199 : vector<16xf32>
        %mul3A_1229 = arith.mulf %mul3A_1228, %mul3A_1225 : vector<16xf32>
        %mul3A_1230 = arith.mulf %mul3A_1229, %mul3A_1225 : vector<16xf32>
        %sub3A_1231 = arith.constant 1.500000e+00 : f32
        %sub3A_1232 = vector.broadcast %sub3A_1231 : f32 to vector<16xf32>
        %sub3A_1233 = arith.subf %sub3A_1232, %mul3A_1230 : vector<16xf32>
        %mul3A_1234 = arith.mulf %mul3A_1225, %sub3A_1233 : vector<16xf32>
        %mul3A_1235 = arith.mulf %max3A_1199, %mul3A_1234 : vector<16xf32>
        %sub3A_1236 = arith.constant 1.000000e+00 : f32
        %sub3A_1237 = vector.broadcast %sub3A_1236 : f32 to vector<16xf32>
        %sub3A_1238 = arith.subf %mul3A_1235, %sub3A_1237 : vector<16xf32>
        %abs3A_1239 = math.absf %sub3A_1238 : vector<16xf32>
        %add3A_1240 = arith.addf %max3A_1196, %abs3A_1239 : vector<16xf32>
        %max3A_1241 = arith.constant 1.000000e-30 : f32
        %max3A_1242 = vector.broadcast %max3A_1241 : f32 to vector<16xf32>
        %max3A_1243 = arith.maximumf %scan3A_683#11, %max3A_1242 : vector<16xf32>
        %bitcast_convert_type3A_1244 = tpu.bitcast %max3A_1243 : vector<16xf32> -> vector<16xi32>
        %shift_right_arithmetic3A_1245 = arith.constant 1 : i32
        %shift_right_arithmetic3A_1246 = vector.broadcast %shift_right_arithmetic3A_1245 : i32 to vector<16xi32>
        %shift_right_arithmetic3A_1247 = arith.shrsi %bitcast_convert_type3A_1244, %shift_right_arithmetic3A_1246 : vector<16xi32>
        %sub3A_1248 = arith.constant 1597463007 : i32
        %sub3A_1249 = vector.broadcast %sub3A_1248 : i32 to vector<16xi32>
        %sub3A_1250 = arith.subi %sub3A_1249, %shift_right_arithmetic3A_1247 : vector<16xi32>
        %bitcast_convert_type3A_1251 = tpu.bitcast %sub3A_1250 : vector<16xi32> -> vector<16xf32>
        %mul3A_1252 = arith.constant 5.000000e-01 : f32
        %mul3A_1253 = vector.broadcast %mul3A_1252 : f32 to vector<16xf32>
        %mul3A_1254 = arith.mulf %mul3A_1253, %max3A_1243 : vector<16xf32>
        %mul3A_1255 = arith.mulf %mul3A_1254, %bitcast_convert_type3A_1251 : vector<16xf32>
        %mul3A_1256 = arith.mulf %mul3A_1255, %bitcast_convert_type3A_1251 : vector<16xf32>
        %sub3A_1257 = arith.constant 1.500000e+00 : f32
        %sub3A_1258 = vector.broadcast %sub3A_1257 : f32 to vector<16xf32>
        %sub3A_1259 = arith.subf %sub3A_1258, %mul3A_1256 : vector<16xf32>
        %mul3A_1260 = arith.mulf %bitcast_convert_type3A_1251, %sub3A_1259 : vector<16xf32>
        %mul3A_1261 = arith.constant 5.000000e-01 : f32
        %mul3A_1262 = vector.broadcast %mul3A_1261 : f32 to vector<16xf32>
        %mul3A_1263 = arith.mulf %mul3A_1262, %max3A_1243 : vector<16xf32>
        %mul3A_1264 = arith.mulf %mul3A_1263, %mul3A_1260 : vector<16xf32>
        %mul3A_1265 = arith.mulf %mul3A_1264, %mul3A_1260 : vector<16xf32>
        %sub3A_1266 = arith.constant 1.500000e+00 : f32
        %sub3A_1267 = vector.broadcast %sub3A_1266 : f32 to vector<16xf32>
        %sub3A_1268 = arith.subf %sub3A_1267, %mul3A_1265 : vector<16xf32>
        %mul3A_1269 = arith.mulf %mul3A_1260, %sub3A_1268 : vector<16xf32>
        %mul3A_1270 = arith.constant 5.000000e-01 : f32
        %mul3A_1271 = vector.broadcast %mul3A_1270 : f32 to vector<16xf32>
        %mul3A_1272 = arith.mulf %mul3A_1271, %max3A_1243 : vector<16xf32>
        %mul3A_1273 = arith.mulf %mul3A_1272, %mul3A_1269 : vector<16xf32>
        %mul3A_1274 = arith.mulf %mul3A_1273, %mul3A_1269 : vector<16xf32>
        %sub3A_1275 = arith.constant 1.500000e+00 : f32
        %sub3A_1276 = vector.broadcast %sub3A_1275 : f32 to vector<16xf32>
        %sub3A_1277 = arith.subf %sub3A_1276, %mul3A_1274 : vector<16xf32>
        %mul3A_1278 = arith.mulf %mul3A_1269, %sub3A_1277 : vector<16xf32>
        %mul3A_1279 = arith.mulf %max3A_1243, %mul3A_1278 : vector<16xf32>
        %sub3A_1280 = arith.constant 1.000000e+00 : f32
        %sub3A_1281 = vector.broadcast %sub3A_1280 : f32 to vector<16xf32>
        %sub3A_1282 = arith.subf %mul3A_1279, %sub3A_1281 : vector<16xf32>
        %abs3A_1283 = math.absf %sub3A_1282 : vector<16xf32>
        %add3A_1284 = arith.addf %add3A_1240, %abs3A_1283 : vector<16xf32>
        %max3A_1285 = arith.constant 1.000000e-30 : f32
        %max3A_1286 = vector.broadcast %max3A_1285 : f32 to vector<16xf32>
        %max3A_1287 = arith.maximumf %scan3A_683#12, %max3A_1286 : vector<16xf32>
        %bitcast_convert_type3A_1288 = tpu.bitcast %max3A_1287 : vector<16xf32> -> vector<16xi32>
        %shift_right_arithmetic3A_1289 = arith.constant 1 : i32
        %shift_right_arithmetic3A_1290 = vector.broadcast %shift_right_arithmetic3A_1289 : i32 to vector<16xi32>
        %shift_right_arithmetic3A_1291 = arith.shrsi %bitcast_convert_type3A_1288, %shift_right_arithmetic3A_1290 : vector<16xi32>
        %sub3A_1292 = arith.constant 1597463007 : i32
        %sub3A_1293 = vector.broadcast %sub3A_1292 : i32 to vector<16xi32>
        %sub3A_1294 = arith.subi %sub3A_1293, %shift_right_arithmetic3A_1291 : vector<16xi32>
        %bitcast_convert_type3A_1295 = tpu.bitcast %sub3A_1294 : vector<16xi32> -> vector<16xf32>
        %mul3A_1296 = arith.constant 5.000000e-01 : f32
        %mul3A_1297 = vector.broadcast %mul3A_1296 : f32 to vector<16xf32>
        %mul3A_1298 = arith.mulf %mul3A_1297, %max3A_1287 : vector<16xf32>
        %mul3A_1299 = arith.mulf %mul3A_1298, %bitcast_convert_type3A_1295 : vector<16xf32>
        %mul3A_1300 = arith.mulf %mul3A_1299, %bitcast_convert_type3A_1295 : vector<16xf32>
        %sub3A_1301 = arith.constant 1.500000e+00 : f32
        %sub3A_1302 = vector.broadcast %sub3A_1301 : f32 to vector<16xf32>
        %sub3A_1303 = arith.subf %sub3A_1302, %mul3A_1300 : vector<16xf32>
        %mul3A_1304 = arith.mulf %bitcast_convert_type3A_1295, %sub3A_1303 : vector<16xf32>
        %mul3A_1305 = arith.constant 5.000000e-01 : f32
        %mul3A_1306 = vector.broadcast %mul3A_1305 : f32 to vector<16xf32>
        %mul3A_1307 = arith.mulf %mul3A_1306, %max3A_1287 : vector<16xf32>
        %mul3A_1308 = arith.mulf %mul3A_1307, %mul3A_1304 : vector<16xf32>
        %mul3A_1309 = arith.mulf %mul3A_1308, %mul3A_1304 : vector<16xf32>
        %sub3A_1310 = arith.constant 1.500000e+00 : f32
        %sub3A_1311 = vector.broadcast %sub3A_1310 : f32 to vector<16xf32>
        %sub3A_1312 = arith.subf %sub3A_1311, %mul3A_1309 : vector<16xf32>
        %mul3A_1313 = arith.mulf %mul3A_1304, %sub3A_1312 : vector<16xf32>
        %mul3A_1314 = arith.constant 5.000000e-01 : f32
        %mul3A_1315 = vector.broadcast %mul3A_1314 : f32 to vector<16xf32>
        %mul3A_1316 = arith.mulf %mul3A_1315, %max3A_1287 : vector<16xf32>
        %mul3A_1317 = arith.mulf %mul3A_1316, %mul3A_1313 : vector<16xf32>
        %mul3A_1318 = arith.mulf %mul3A_1317, %mul3A_1313 : vector<16xf32>
        %sub3A_1319 = arith.constant 1.500000e+00 : f32
        %sub3A_1320 = vector.broadcast %sub3A_1319 : f32 to vector<16xf32>
        %sub3A_1321 = arith.subf %sub3A_1320, %mul3A_1318 : vector<16xf32>
        %mul3A_1322 = arith.mulf %mul3A_1313, %sub3A_1321 : vector<16xf32>
        %mul3A_1323 = arith.mulf %max3A_1287, %mul3A_1322 : vector<16xf32>
        %add3A_1324 = arith.addf %abs3A_733, %abs3A_740 : vector<16xf32>
        %sub3A_1325 = arith.subf %mul3A_1323, %add3A_1324 : vector<16xf32>
        %max3A_1326 = arith.constant 0.000000e+00 : f32
        %max3A_1327 = vector.broadcast %max3A_1326 : f32 to vector<16xf32>
        %max3A_1328 = arith.maximumf %sub3A_1325, %max3A_1327 : vector<16xf32>
        %max3A_1329 = arith.constant 1.000000e-30 : f32
        %max3A_1330 = vector.broadcast %max3A_1329 : f32 to vector<16xf32>
        %max3A_1331 = arith.maximumf %scan3A_683#13, %max3A_1330 : vector<16xf32>
        %bitcast_convert_type3A_1332 = tpu.bitcast %max3A_1331 : vector<16xf32> -> vector<16xi32>
        %shift_right_arithmetic3A_1333 = arith.constant 1 : i32
        %shift_right_arithmetic3A_1334 = vector.broadcast %shift_right_arithmetic3A_1333 : i32 to vector<16xi32>
        %shift_right_arithmetic3A_1335 = arith.shrsi %bitcast_convert_type3A_1332, %shift_right_arithmetic3A_1334 : vector<16xi32>
        %sub3A_1336 = arith.constant 1597463007 : i32
        %sub3A_1337 = vector.broadcast %sub3A_1336 : i32 to vector<16xi32>
        %sub3A_1338 = arith.subi %sub3A_1337, %shift_right_arithmetic3A_1335 : vector<16xi32>
        %bitcast_convert_type3A_1339 = tpu.bitcast %sub3A_1338 : vector<16xi32> -> vector<16xf32>
        %mul3A_1340 = arith.constant 5.000000e-01 : f32
        %mul3A_1341 = vector.broadcast %mul3A_1340 : f32 to vector<16xf32>
        %mul3A_1342 = arith.mulf %mul3A_1341, %max3A_1331 : vector<16xf32>
        %mul3A_1343 = arith.mulf %mul3A_1342, %bitcast_convert_type3A_1339 : vector<16xf32>
        %mul3A_1344 = arith.mulf %mul3A_1343, %bitcast_convert_type3A_1339 : vector<16xf32>
        %sub3A_1345 = arith.constant 1.500000e+00 : f32
        %sub3A_1346 = vector.broadcast %sub3A_1345 : f32 to vector<16xf32>
        %sub3A_1347 = arith.subf %sub3A_1346, %mul3A_1344 : vector<16xf32>
        %mul3A_1348 = arith.mulf %bitcast_convert_type3A_1339, %sub3A_1347 : vector<16xf32>
        %mul3A_1349 = arith.constant 5.000000e-01 : f32
        %mul3A_1350 = vector.broadcast %mul3A_1349 : f32 to vector<16xf32>
        %mul3A_1351 = arith.mulf %mul3A_1350, %max3A_1331 : vector<16xf32>
        %mul3A_1352 = arith.mulf %mul3A_1351, %mul3A_1348 : vector<16xf32>
        %mul3A_1353 = arith.mulf %mul3A_1352, %mul3A_1348 : vector<16xf32>
        %sub3A_1354 = arith.constant 1.500000e+00 : f32
        %sub3A_1355 = vector.broadcast %sub3A_1354 : f32 to vector<16xf32>
        %sub3A_1356 = arith.subf %sub3A_1355, %mul3A_1353 : vector<16xf32>
        %mul3A_1357 = arith.mulf %mul3A_1348, %sub3A_1356 : vector<16xf32>
        %mul3A_1358 = arith.constant 5.000000e-01 : f32
        %mul3A_1359 = vector.broadcast %mul3A_1358 : f32 to vector<16xf32>
        %mul3A_1360 = arith.mulf %mul3A_1359, %max3A_1331 : vector<16xf32>
        %mul3A_1361 = arith.mulf %mul3A_1360, %mul3A_1357 : vector<16xf32>
        %mul3A_1362 = arith.mulf %mul3A_1361, %mul3A_1357 : vector<16xf32>
        %sub3A_1363 = arith.constant 1.500000e+00 : f32
        %sub3A_1364 = vector.broadcast %sub3A_1363 : f32 to vector<16xf32>
        %sub3A_1365 = arith.subf %sub3A_1364, %mul3A_1362 : vector<16xf32>
        %mul3A_1366 = arith.mulf %mul3A_1357, %sub3A_1365 : vector<16xf32>
        %mul3A_1367 = arith.mulf %max3A_1331, %mul3A_1366 : vector<16xf32>
        %sub3A_1368 = arith.constant 1.000000e+00 : f32
        %sub3A_1369 = vector.broadcast %sub3A_1368 : f32 to vector<16xf32>
        %sub3A_1370 = arith.subf %mul3A_1367, %sub3A_1369 : vector<16xf32>
        %abs3A_1371 = math.absf %sub3A_1370 : vector<16xf32>
        %add3A_1372 = arith.addf %max3A_1328, %abs3A_1371 : vector<16xf32>
        %max3A_1373 = arith.constant 1.000000e-30 : f32
        %max3A_1374 = vector.broadcast %max3A_1373 : f32 to vector<16xf32>
        %max3A_1375 = arith.maximumf %scan3A_683#14, %max3A_1374 : vector<16xf32>
        %bitcast_convert_type3A_1376 = tpu.bitcast %max3A_1375 : vector<16xf32> -> vector<16xi32>
        %shift_right_arithmetic3A_1377 = arith.constant 1 : i32
        %shift_right_arithmetic3A_1378 = vector.broadcast %shift_right_arithmetic3A_1377 : i32 to vector<16xi32>
        %shift_right_arithmetic3A_1379 = arith.shrsi %bitcast_convert_type3A_1376, %shift_right_arithmetic3A_1378 : vector<16xi32>
        %sub3A_1380 = arith.constant 1597463007 : i32
        %sub3A_1381 = vector.broadcast %sub3A_1380 : i32 to vector<16xi32>
        %sub3A_1382 = arith.subi %sub3A_1381, %shift_right_arithmetic3A_1379 : vector<16xi32>
        %bitcast_convert_type3A_1383 = tpu.bitcast %sub3A_1382 : vector<16xi32> -> vector<16xf32>
        %mul3A_1384 = arith.constant 5.000000e-01 : f32
        %mul3A_1385 = vector.broadcast %mul3A_1384 : f32 to vector<16xf32>
        %mul3A_1386 = arith.mulf %mul3A_1385, %max3A_1375 : vector<16xf32>
        %mul3A_1387 = arith.mulf %mul3A_1386, %bitcast_convert_type3A_1383 : vector<16xf32>
        %mul3A_1388 = arith.mulf %mul3A_1387, %bitcast_convert_type3A_1383 : vector<16xf32>
        %sub3A_1389 = arith.constant 1.500000e+00 : f32
        %sub3A_1390 = vector.broadcast %sub3A_1389 : f32 to vector<16xf32>
        %sub3A_1391 = arith.subf %sub3A_1390, %mul3A_1388 : vector<16xf32>
        %mul3A_1392 = arith.mulf %bitcast_convert_type3A_1383, %sub3A_1391 : vector<16xf32>
        %mul3A_1393 = arith.constant 5.000000e-01 : f32
        %mul3A_1394 = vector.broadcast %mul3A_1393 : f32 to vector<16xf32>
        %mul3A_1395 = arith.mulf %mul3A_1394, %max3A_1375 : vector<16xf32>
        %mul3A_1396 = arith.mulf %mul3A_1395, %mul3A_1392 : vector<16xf32>
        %mul3A_1397 = arith.mulf %mul3A_1396, %mul3A_1392 : vector<16xf32>
        %sub3A_1398 = arith.constant 1.500000e+00 : f32
        %sub3A_1399 = vector.broadcast %sub3A_1398 : f32 to vector<16xf32>
        %sub3A_1400 = arith.subf %sub3A_1399, %mul3A_1397 : vector<16xf32>
        %mul3A_1401 = arith.mulf %mul3A_1392, %sub3A_1400 : vector<16xf32>
        %mul3A_1402 = arith.constant 5.000000e-01 : f32
        %mul3A_1403 = vector.broadcast %mul3A_1402 : f32 to vector<16xf32>
        %mul3A_1404 = arith.mulf %mul3A_1403, %max3A_1375 : vector<16xf32>
        %mul3A_1405 = arith.mulf %mul3A_1404, %mul3A_1401 : vector<16xf32>
        %mul3A_1406 = arith.mulf %mul3A_1405, %mul3A_1401 : vector<16xf32>
        %sub3A_1407 = arith.constant 1.500000e+00 : f32
        %sub3A_1408 = vector.broadcast %sub3A_1407 : f32 to vector<16xf32>
        %sub3A_1409 = arith.subf %sub3A_1408, %mul3A_1406 : vector<16xf32>
        %mul3A_1410 = arith.mulf %mul3A_1401, %sub3A_1409 : vector<16xf32>
        %mul3A_1411 = arith.mulf %max3A_1375, %mul3A_1410 : vector<16xf32>
        %sub3A_1412 = arith.constant 1.000000e+00 : f32
        %sub3A_1413 = vector.broadcast %sub3A_1412 : f32 to vector<16xf32>
        %sub3A_1414 = arith.subf %mul3A_1411, %sub3A_1413 : vector<16xf32>
        %abs3A_1415 = math.absf %sub3A_1414 : vector<16xf32>
        %add3A_1416 = arith.addf %add3A_1372, %abs3A_1415 : vector<16xf32>
        %add3A_1417 = arith.addf %abs3A_747, %abs3A_754 : vector<16xf32>
        %max3A_1418 = arith.constant 1.000000e-30 : f32
        %max3A_1419 = vector.broadcast %max3A_1418 : f32 to vector<16xf32>
        %max3A_1420 = arith.maximumf %scan3A_683#15, %max3A_1419 : vector<16xf32>
        %bitcast_convert_type3A_1421 = tpu.bitcast %max3A_1420 : vector<16xf32> -> vector<16xi32>
        %shift_right_arithmetic3A_1422 = arith.constant 1 : i32
        %shift_right_arithmetic3A_1423 = vector.broadcast %shift_right_arithmetic3A_1422 : i32 to vector<16xi32>
        %shift_right_arithmetic3A_1424 = arith.shrsi %bitcast_convert_type3A_1421, %shift_right_arithmetic3A_1423 : vector<16xi32>
        %sub3A_1425 = arith.constant 1597463007 : i32
        %sub3A_1426 = vector.broadcast %sub3A_1425 : i32 to vector<16xi32>
        %sub3A_1427 = arith.subi %sub3A_1426, %shift_right_arithmetic3A_1424 : vector<16xi32>
        %bitcast_convert_type3A_1428 = tpu.bitcast %sub3A_1427 : vector<16xi32> -> vector<16xf32>
        %mul3A_1429 = arith.constant 5.000000e-01 : f32
        %mul3A_1430 = vector.broadcast %mul3A_1429 : f32 to vector<16xf32>
        %mul3A_1431 = arith.mulf %mul3A_1430, %max3A_1420 : vector<16xf32>
        %mul3A_1432 = arith.mulf %mul3A_1431, %bitcast_convert_type3A_1428 : vector<16xf32>
        %mul3A_1433 = arith.mulf %mul3A_1432, %bitcast_convert_type3A_1428 : vector<16xf32>
        %sub3A_1434 = arith.constant 1.500000e+00 : f32
        %sub3A_1435 = vector.broadcast %sub3A_1434 : f32 to vector<16xf32>
        %sub3A_1436 = arith.subf %sub3A_1435, %mul3A_1433 : vector<16xf32>
        %mul3A_1437 = arith.mulf %bitcast_convert_type3A_1428, %sub3A_1436 : vector<16xf32>
        %mul3A_1438 = arith.constant 5.000000e-01 : f32
        %mul3A_1439 = vector.broadcast %mul3A_1438 : f32 to vector<16xf32>
        %mul3A_1440 = arith.mulf %mul3A_1439, %max3A_1420 : vector<16xf32>
        %mul3A_1441 = arith.mulf %mul3A_1440, %mul3A_1437 : vector<16xf32>
        %mul3A_1442 = arith.mulf %mul3A_1441, %mul3A_1437 : vector<16xf32>
        %sub3A_1443 = arith.constant 1.500000e+00 : f32
        %sub3A_1444 = vector.broadcast %sub3A_1443 : f32 to vector<16xf32>
        %sub3A_1445 = arith.subf %sub3A_1444, %mul3A_1442 : vector<16xf32>
        %mul3A_1446 = arith.mulf %mul3A_1437, %sub3A_1445 : vector<16xf32>
        %mul3A_1447 = arith.constant 5.000000e-01 : f32
        %mul3A_1448 = vector.broadcast %mul3A_1447 : f32 to vector<16xf32>
        %mul3A_1449 = arith.mulf %mul3A_1448, %max3A_1420 : vector<16xf32>
        %mul3A_1450 = arith.mulf %mul3A_1449, %mul3A_1446 : vector<16xf32>
        %mul3A_1451 = arith.mulf %mul3A_1450, %mul3A_1446 : vector<16xf32>
        %sub3A_1452 = arith.constant 1.500000e+00 : f32
        %sub3A_1453 = vector.broadcast %sub3A_1452 : f32 to vector<16xf32>
        %sub3A_1454 = arith.subf %sub3A_1453, %mul3A_1451 : vector<16xf32>
        %mul3A_1455 = arith.mulf %mul3A_1446, %sub3A_1454 : vector<16xf32>
        %mul3A_1456 = arith.mulf %max3A_1420, %mul3A_1455 : vector<16xf32>
        %sub3A_1457 = arith.subf %add3A_1417, %mul3A_1456 : vector<16xf32>
        %sub3A_1458 = arith.constant 1.000000e-01 : f32
        %sub3A_1459 = vector.broadcast %sub3A_1458 : f32 to vector<16xf32>
        %sub3A_1460 = arith.subf %sub3A_1457, %sub3A_1459 : vector<16xf32>
        %max3A_1461 = arith.constant 0.000000e+00 : f32
        %max3A_1462 = vector.broadcast %max3A_1461 : f32 to vector<16xf32>
        %max3A_1463 = arith.maximumf %sub3A_1460, %max3A_1462 : vector<16xf32>
        %max3A_1464 = arith.constant 1.000000e-30 : f32
        %max3A_1465 = vector.broadcast %max3A_1464 : f32 to vector<16xf32>
        %max3A_1466 = arith.maximumf %scan3A_683#16, %max3A_1465 : vector<16xf32>
        %bitcast_convert_type3A_1467 = tpu.bitcast %max3A_1466 : vector<16xf32> -> vector<16xi32>
        %shift_right_arithmetic3A_1468 = arith.constant 1 : i32
        %shift_right_arithmetic3A_1469 = vector.broadcast %shift_right_arithmetic3A_1468 : i32 to vector<16xi32>
        %shift_right_arithmetic3A_1470 = arith.shrsi %bitcast_convert_type3A_1467, %shift_right_arithmetic3A_1469 : vector<16xi32>
        %sub3A_1471 = arith.constant 1597463007 : i32
        %sub3A_1472 = vector.broadcast %sub3A_1471 : i32 to vector<16xi32>
        %sub3A_1473 = arith.subi %sub3A_1472, %shift_right_arithmetic3A_1470 : vector<16xi32>
        %bitcast_convert_type3A_1474 = tpu.bitcast %sub3A_1473 : vector<16xi32> -> vector<16xf32>
        %mul3A_1475 = arith.constant 5.000000e-01 : f32
        %mul3A_1476 = vector.broadcast %mul3A_1475 : f32 to vector<16xf32>
        %mul3A_1477 = arith.mulf %mul3A_1476, %max3A_1466 : vector<16xf32>
        %mul3A_1478 = arith.mulf %mul3A_1477, %bitcast_convert_type3A_1474 : vector<16xf32>
        %mul3A_1479 = arith.mulf %mul3A_1478, %bitcast_convert_type3A_1474 : vector<16xf32>
        %sub3A_1480 = arith.constant 1.500000e+00 : f32
        %sub3A_1481 = vector.broadcast %sub3A_1480 : f32 to vector<16xf32>
        %sub3A_1482 = arith.subf %sub3A_1481, %mul3A_1479 : vector<16xf32>
        %mul3A_1483 = arith.mulf %bitcast_convert_type3A_1474, %sub3A_1482 : vector<16xf32>
        %mul3A_1484 = arith.constant 5.000000e-01 : f32
        %mul3A_1485 = vector.broadcast %mul3A_1484 : f32 to vector<16xf32>
        %mul3A_1486 = arith.mulf %mul3A_1485, %max3A_1466 : vector<16xf32>
        %mul3A_1487 = arith.mulf %mul3A_1486, %mul3A_1483 : vector<16xf32>
        %mul3A_1488 = arith.mulf %mul3A_1487, %mul3A_1483 : vector<16xf32>
        %sub3A_1489 = arith.constant 1.500000e+00 : f32
        %sub3A_1490 = vector.broadcast %sub3A_1489 : f32 to vector<16xf32>
        %sub3A_1491 = arith.subf %sub3A_1490, %mul3A_1488 : vector<16xf32>
        %mul3A_1492 = arith.mulf %mul3A_1483, %sub3A_1491 : vector<16xf32>
        %mul3A_1493 = arith.constant 5.000000e-01 : f32
        %mul3A_1494 = vector.broadcast %mul3A_1493 : f32 to vector<16xf32>
        %mul3A_1495 = arith.mulf %mul3A_1494, %max3A_1466 : vector<16xf32>
        %mul3A_1496 = arith.mulf %mul3A_1495, %mul3A_1492 : vector<16xf32>
        %mul3A_1497 = arith.mulf %mul3A_1496, %mul3A_1492 : vector<16xf32>
        %sub3A_1498 = arith.constant 1.500000e+00 : f32
        %sub3A_1499 = vector.broadcast %sub3A_1498 : f32 to vector<16xf32>
        %sub3A_1500 = arith.subf %sub3A_1499, %mul3A_1497 : vector<16xf32>
        %mul3A_1501 = arith.mulf %mul3A_1492, %sub3A_1500 : vector<16xf32>
        %mul3A_1502 = arith.mulf %max3A_1466, %mul3A_1501 : vector<16xf32>
        %sub3A_1503 = arith.constant 1.000000e+00 : f32
        %sub3A_1504 = vector.broadcast %sub3A_1503 : f32 to vector<16xf32>
        %sub3A_1505 = arith.subf %mul3A_1502, %sub3A_1504 : vector<16xf32>
        %abs3A_1506 = math.absf %sub3A_1505 : vector<16xf32>
        %add3A_1507 = arith.addf %max3A_1463, %abs3A_1506 : vector<16xf32>
        %max3A_1508 = arith.constant 1.000000e-30 : f32
        %max3A_1509 = vector.broadcast %max3A_1508 : f32 to vector<16xf32>
        %max3A_1510 = arith.maximumf %scan3A_683#17, %max3A_1509 : vector<16xf32>
        %bitcast_convert_type3A_1511 = tpu.bitcast %max3A_1510 : vector<16xf32> -> vector<16xi32>
        %shift_right_arithmetic3A_1512 = arith.constant 1 : i32
        %shift_right_arithmetic3A_1513 = vector.broadcast %shift_right_arithmetic3A_1512 : i32 to vector<16xi32>
        %shift_right_arithmetic3A_1514 = arith.shrsi %bitcast_convert_type3A_1511, %shift_right_arithmetic3A_1513 : vector<16xi32>
        %sub3A_1515 = arith.constant 1597463007 : i32
        %sub3A_1516 = vector.broadcast %sub3A_1515 : i32 to vector<16xi32>
        %sub3A_1517 = arith.subi %sub3A_1516, %shift_right_arithmetic3A_1514 : vector<16xi32>
        %bitcast_convert_type3A_1518 = tpu.bitcast %sub3A_1517 : vector<16xi32> -> vector<16xf32>
        %mul3A_1519 = arith.constant 5.000000e-01 : f32
        %mul3A_1520 = vector.broadcast %mul3A_1519 : f32 to vector<16xf32>
        %mul3A_1521 = arith.mulf %mul3A_1520, %max3A_1510 : vector<16xf32>
        %mul3A_1522 = arith.mulf %mul3A_1521, %bitcast_convert_type3A_1518 : vector<16xf32>
        %mul3A_1523 = arith.mulf %mul3A_1522, %bitcast_convert_type3A_1518 : vector<16xf32>
        %sub3A_1524 = arith.constant 1.500000e+00 : f32
        %sub3A_1525 = vector.broadcast %sub3A_1524 : f32 to vector<16xf32>
        %sub3A_1526 = arith.subf %sub3A_1525, %mul3A_1523 : vector<16xf32>
        %mul3A_1527 = arith.mulf %bitcast_convert_type3A_1518, %sub3A_1526 : vector<16xf32>
        %mul3A_1528 = arith.constant 5.000000e-01 : f32
        %mul3A_1529 = vector.broadcast %mul3A_1528 : f32 to vector<16xf32>
        %mul3A_1530 = arith.mulf %mul3A_1529, %max3A_1510 : vector<16xf32>
        %mul3A_1531 = arith.mulf %mul3A_1530, %mul3A_1527 : vector<16xf32>
        %mul3A_1532 = arith.mulf %mul3A_1531, %mul3A_1527 : vector<16xf32>
        %sub3A_1533 = arith.constant 1.500000e+00 : f32
        %sub3A_1534 = vector.broadcast %sub3A_1533 : f32 to vector<16xf32>
        %sub3A_1535 = arith.subf %sub3A_1534, %mul3A_1532 : vector<16xf32>
        %mul3A_1536 = arith.mulf %mul3A_1527, %sub3A_1535 : vector<16xf32>
        %mul3A_1537 = arith.constant 5.000000e-01 : f32
        %mul3A_1538 = vector.broadcast %mul3A_1537 : f32 to vector<16xf32>
        %mul3A_1539 = arith.mulf %mul3A_1538, %max3A_1510 : vector<16xf32>
        %mul3A_1540 = arith.mulf %mul3A_1539, %mul3A_1536 : vector<16xf32>
        %mul3A_1541 = arith.mulf %mul3A_1540, %mul3A_1536 : vector<16xf32>
        %sub3A_1542 = arith.constant 1.500000e+00 : f32
        %sub3A_1543 = vector.broadcast %sub3A_1542 : f32 to vector<16xf32>
        %sub3A_1544 = arith.subf %sub3A_1543, %mul3A_1541 : vector<16xf32>
        %mul3A_1545 = arith.mulf %mul3A_1536, %sub3A_1544 : vector<16xf32>
        %mul3A_1546 = arith.mulf %max3A_1510, %mul3A_1545 : vector<16xf32>
        %sub3A_1547 = arith.constant 1.000000e+00 : f32
        %sub3A_1548 = vector.broadcast %sub3A_1547 : f32 to vector<16xf32>
        %sub3A_1549 = arith.subf %mul3A_1546, %sub3A_1548 : vector<16xf32>
        %abs3A_1550 = math.absf %sub3A_1549 : vector<16xf32>
        %add3A_1551 = arith.addf %add3A_1507, %abs3A_1550 : vector<16xf32>
        %add3A_1552 = arith.addf %add3A_882, %add3A_1152 : vector<16xf32>
        %add3A_1553 = arith.addf %add3A_1552, %add3A_1284 : vector<16xf32>
        %add3A_1554 = arith.addf %add3A_1553, %add3A_1416 : vector<16xf32>
        %add3A_1555 = arith.addf %add3A_1554, %add3A_1551 : vector<16xf32>
        tpu.vector_store_idx %arg9[%add3A_656], %add3A_1555 : memref<64xf32, #tpu.memory_space<vmem>>[vector<16xi32>], vector<16xf32>,
        %scan3A_1556 = arith.constant 0 : i32
        scf.yield %scan3A_1556 : i32
      }
      %scan3A_649 = arith.constant 4 : i32
      "tpu.region"() ({
        %run_scoped3A = tpu.sem_alloc : memref<!tpu.dma_semaphore, #tpu.memory_space<semaphore_mem>>
        %dma_start3A_651 = tpu.memref_slice %arg5[%add3A_13] : memref<16384xf32, #tpu.memory_space<hbm>> -> memref<64xf32, #tpu.memory_space<hbm>>
        %dma_start3A_652 = tpu.memref_slice %arg5[%add3A_13] : memref<16384xf32, #tpu.memory_space<hbm>> -> memref<64xf32, #tpu.memory_space<hbm>>
        tpu.enqueue_dma source(%arg9 : memref<64xf32, #tpu.memory_space<vmem>>) target(%dma_start3A_652 : memref<64xf32, #tpu.memory_space<hbm>>) target_semaphore(%run_scoped3A : memref<!tpu.dma_semaphore, #tpu.memory_space<semaphore_mem>>)
        %dma_wait3A_653 = tpu.memref_slice %arg5[%add3A_13] : memref<16384xf32, #tpu.memory_space<hbm>> -> memref<64xf32, #tpu.memory_space<hbm>>
        %dma_wait3A_654 = tpu.memref_slice %arg5[%add3A_13] : memref<16384xf32, #tpu.memory_space<hbm>> -> memref<64xf32, #tpu.memory_space<hbm>>
        tpu.wait_dma2 semaphore(%run_scoped3A : memref<!tpu.dma_semaphore, #tpu.memory_space<semaphore_mem>>) src(%arg9 : memref<64xf32, #tpu.memory_space<vmem>>) dst(%dma_wait3A_654 : memref<64xf32, #tpu.memory_space<hbm>>)
        tpu.yield
      }) : () -> ()
      %scan3A_650 = arith.constant 0 : i32
      scf.yield %scan3A_650 : i32
    }
    %scan3A_6 = arith.constant 8 : i32
    return
  }
}

</mosaic_0001>

<sc_bundles>
// kernel: _run.3.cloned.1.call-start
scs
__scs_entry_jumppad:
0x0: {  	(pc) =	sbr.rel $0x88, $3  }
0x1: {  	(tag) =	ssettag $0x0;
	lr =	simm.s32 $0x1  }
0x2: {  	[smem:$0x3F9E] =	sst lr;
	_ =	strace $0xD0000000  }
0x3: {  	_ = 	snop  }
0x4: {  	_ = 	snop  }
0x5: {  	_ = 	snop  }
0x6: {  	_ = 	snop  }
0x7: {  	_ = 	snop  }
__scs_overlays_trampoline_lowered:
0x8: {  	[smem:$0x3FAD] =	sst s0  }
0x9: {  	[smem:$0x3FAE] =	sst s1  }
0xa: {  	[smem:$0x3FAF] =	sst s2  }
0xb: {  	[smem:$0x3FB0] =	sst s3  }
0xc: {  	[smem:$0x3FB1] =	sst s4  }
0xd: {  	[smem:$0x3FB2] =	sst s5  }
0xe: {  	[smem:$0x3FB3] =	sst s6  }
0xf: {  	[smem:$0x3FB4] =	sst s7  }
0x10: {  	[smem:$0x3FB5] =	sst s8  }
0x11: {  	[smem:$0x3FB6] =	sst s9;
	s0 =	simm.s32 @!p0 $0x0  }
0x12: {  	s1 =	sld [smem:$0x3F9C];
	s0 =	simm.s32 @p0 $0x1  }
0x13: {  	[smem:$0x3FB7] =	sst s0;
	s0 =	simm.s32 @!p1 $0x0  }
0x14: {  	s2 =	sld [smem:$0x3F9B];
	s0 =	simm.s32 @p1 $0x1  }
0x15: {  	[smem:$0x3FB8] =	sst s0;
	s0 =	simm.s32 @!p2 $0x0  }
0x16: {  	s3 =	sld [smem:$0x3FDB];
	s0 =	simm.s32 @p2 $0x1  }
0x17: {  	s4 =	simm.s32 $0x1BF5;
	[smem:$0x3FBA] =	sst s0  }
0x18: {  	s0 =	sld [smem:$0x3F9D];
	_ =	swait.ge [sflag:s4], $0x0  }
0x19: {  	s7 =	sld [smem:$0x3F9E]  }
0x1a: {  	s8 =	sadd.s32 $0xFFFFE003, lr  }
0x1b: {  	s9 =	sadd.s32 $0xFFFFFEF7, lr;
	s5 =	simm.s32 $0xFFFFFFFF;
	p2 =	slt.u32 s8, $0xFFFFF086  }
0x1c: {  	p1 =	slt.u32 s9, $0xF7A;
	s5 =	simm.s32 @!p2 $0x0  }
0x1d: {  	s5 =	simm.s32 @p1 $0x1;
	p0 =	seq.s32 s7, s2  }
0x1e: {  	s7 =	smul.u32 @!p0 $0xF7A, s2;
	p2 =	seq.s32 @!p0 s5, $0x0  }
0x1f: {  	s9 =	smul.u32 $0xF7A, s1;
	s8 =	simm.s32 @!p0 $0x1BF5;
	p2 =	por !p2, p0  }
0x20: {  	[sflag:s8] =	ssyncset.s32 @!p0 $0xFFFFF086;
	s6 =	sadd.s32 @!p0 s3, s7;
	s7 =	simm.s32 @!p0 $0x108  }
0x21: {  	s3 =	sadd.s32 s3, s9;
	s6 =	sadd.s32 @!p0 $0x88, s6;
	s7 =	simm.s32 @p2 $0x1082  }
0x22: {  	[simem:s7], [sflag:s8] =	dma.local @!p0 [hbm:s6], $0xF7A  }
0x23: {  	s9 =	sor.u32 $0xD0000000, s2;
	s6 =	simm.s32 $0x108;
	_ =	swait.ge @!p0 [sflag:s8], $0x0  }
0x24: {  	s3 =	sadd.s32 $0x88, s3;
	s6 =	simm.s32 @!p1 $0x1082;
	[sflag:s4] =	ssyncset.s32 $0xFFFFF086  }
0x25: {  	[simem:s6], [sflag:s4] =	dma.local [hbm:s3], $0xF7A  }
0x26: {  	[smem:$0x3F9E] =	sst s1;
	(tag) =	ssettag s2;
	_ =	strace s9  }
0x27: {  	s1 =	sld [smem:$0x3FAE]  }
0x28: {  	s2 =	sld [smem:$0x3FAF]  }
0x29: {  	s4 =	sld [smem:$0x3FB1]  }
0x2a: {  	p0 =	seq.s32 s5, $0x0;
	s5 =	sld [smem:$0x3FB2]  }
0x2b: {  	s6 =	sld [smem:$0x3FB3]  }
0x2c: {  	s7 =	sld [smem:$0x3FB4]  }
0x2d: {  	s3 =	simm.s32 $0x108;
	s8 =	sld [smem:$0x3FB5]  }
0x2e: {  	s3 =	simm.s32 @!p0 $0x1082;
	s9 =	sld [smem:$0x3FB6]  }
0x2f: {  	lr =	sadd.s32 s0, s3;
	s0 =	sld [smem:$0x3FAD]  }
0x30: {  	s3 =	sld [smem:$0x3FB0]  }
0x31: {  	[smem:$0x3FB9] =	sst s10  }
0x32: {  	s10 =	sld [smem:$0x3FB7];
	_ =	sdelay $0x3  }
0x33: {  	p0 =	seq.s32 s10, $0x1;
	s10 =	sld [smem:$0x3FB9];
	_ =	sdelay $0x3  }
0x34: {  	[smem:$0x3FB9] =	sst s10  }
0x35: {  	s10 =	sld [smem:$0x3FB8];
	_ =	sdelay $0x3  }
0x36: {  	p1 =	seq.s32 s10, $0x1;
	s10 =	sld [smem:$0x3FB9];
	_ =	sdelay $0x3  }
0x37: {  	[smem:$0x3FB9] =	sst s10  }
0x38: {  	s10 =	sld [smem:$0x3FBA]  }
0x39: {  	_ = 	snop;
	(pc) =	sbr.ind lr, $3  }
0x3a: {  	_ = 	snop  }
0x3b: {  	_ = 	snop  }
0x3c: {  	p2 =	seq.s32 s10, $0x1;
	s10 =	sld [smem:$0x3FB9]  }
0x3d: {  	_ =	shalt  }
0x3e: {  	_ =	shalt  }
0x3f: {  	_ =	shalt  }
0x40: {  	_ =	shalt  }
0x41: {  	_ =	shalt  }
0x42: {  	_ =	shalt  }
0x43: {  	_ =	shalt  }
0x44: {  	_ =	shalt  }
0x45: {  	_ =	shalt  }
0x46: {  	_ =	shalt  }
0x47: {  	_ =	shalt  }
0x48: {  	_ =	shalt  }
0x49: {  	_ =	shalt  }
0x4a: {  	_ =	shalt  }
0x4b: {  	_ =	shalt  }
0x4c: {  	_ =	shalt  }
0x4d: {  	_ =	shalt  }
0x4e: {  	_ =	shalt  }
0x4f: {  	_ =	shalt  }
0x50: {  	_ =	shalt  }
0x51: {  	_ =	shalt  }
0x52: {  	_ =	shalt  }
0x53: {  	_ =	shalt  }
0x54: {  	_ =	shalt  }
0x55: {  	_ =	shalt  }
0x56: {  	_ =	shalt  }
0x57: {  	_ =	shalt  }
0x58: {  	_ =	shalt  }
0x59: {  	_ =	shalt  }
0x5a: {  	_ =	shalt  }
0x5b: {  	_ =	shalt  }
0x5c: {  	_ =	shalt  }
0x5d: {  	_ =	shalt  }
0x5e: {  	_ =	shalt  }
0x5f: {  	_ =	shalt  }
0x60: {  	_ =	shalt  }
0x61: {  	_ =	shalt  }
0x62: {  	_ =	shalt  }
0x63: {  	_ =	shalt  }
0x64: {  	_ =	shalt  }
0x65: {  	_ =	shalt  }
0x66: {  	_ =	shalt  }
0x67: {  	_ =	shalt  }
0x68: {  	_ =	shalt  }
0x69: {  	_ =	shalt  }
0x6a: {  	_ =	shalt  }
0x6b: {  	_ =	shalt  }
0x6c: {  	_ =	shalt  }
0x6d: {  	_ =	shalt  }
0x6e: {  	_ =	shalt  }
0x6f: {  	_ =	shalt  }
0x70: {  	_ =	shalt  }
0x71: {  	_ =	shalt  }
0x72: {  	_ =	shalt  }
0x73: {  	_ =	shalt  }
0x74: {  	_ =	shalt  }
0x75: {  	_ =	shalt  }
0x76: {  	_ =	shalt  }
0x77: {  	_ =	shalt  }
0x78: {  	_ =	shalt  }
0x79: {  	_ =	shalt  }
0x7a: {  	_ =	shalt  }
0x7b: {  	_ =	shalt  }
0x7c: {  	_ =	shalt  }
0x7d: {  	_ =	shalt  }
0x7e: {  	_ =	shalt  }
0x7f: {  	_ =	shalt  }
0x80: {  	_ =	shalt  }
0x81: {  	_ =	shalt  }
0x82: {  	_ =	shalt  }
0x83: {  	_ =	shalt  }
0x84: {  	_ =	shalt  }
0x85: {  	_ =	shalt  }
0x86: {  	_ =	shalt  }
0x87: {  	_ =	shalt  }
.Lfunc_end0:
.L_simem_size_0:
called_computation_lowered:
.L_overlay_start_0:
0x88: {  	s2 =	sld [smem:$0x3FD9]  }
0x89: {  	s3 =	sld [smem:$0x3FFE];
	_ =	sdelay $0x1  }
0x8a: {  	s1 =	srdreg.scid  }
0x8b: {  	s0 =	sand.u32 $0x1, s1  }
0x8c: {  	s18 =	sshll.u32 s0, $0xA;
	s2 =	sadd.s32 s3, s2  }
0x8d: {  	s2 =	sadd.s32 s2, s18  }
0x8e: {  	[smem:$0x3FC5] =	sst s2  }
0x8f: {  	_ = 	snop  }
0x90: {  	s2 =	sld [smem:$0x3FC9]  }
0x91: {  	s19 =	sld [smem:$0x3FC8]  }
0x92: {  	s4 =	sld [smem:$0x3FC7]  }
0x93: {  	s5 =	sld [smem:$0x3FD0];
	(tm) =	ssettm $0x1  }
0x94: {  	s6 =	sld [smem:$0x3FFB];
	_ =	sdelay $0x3  }
0x95: {  	_ =	strace s6  }
0x96: {  	s6 =	sld [smem:$0x3FFC];
	_ =	sdelay $0x3  }
0x97: {  	_ =	strace s6  }
0x98: {  	s6 =	sld [smem:$0x3FFD];
	_ =	sdelay $0x3  }
0x99: {  	_ =	strace s6  }
0x9a: {  	_ =	strace $0x8FFFFFFF  }
0x9b: {  	s20 =	sld [smem:$0x3FDB];
	_ =	sdelay $0x1  }
0x9c: {  	s7 =	simm.s32 $_scs_section_size  }
0x9d: {  	s8 =	simm.s32 $_size__tile_overlayer_lowered;
	s9 =	simm.s32 $_tile_overlayer_lowered  }
0x9e: {  	s23 =	simm.s32 $0x1BFF;
	s22 =	sshll.u32 s9, $0x1;
	s6 =	sadd.s32 s7, s20  }
0x9f: {  	s10 =	simm.s32 $0x0;
	s21 =	sshll.u32 s8, $0x1;
	s8 =	sadd.s32 s22, s6  }
0xa0: {  	[timem:s10], [sflag:s23] =	dma.local [hbm:s8], s21  }
0xa1: {  	_ =	swait.ge [sflag:s23], s21  }
0xa2: {  	s7 =	ssub.s32 $0x0, s21;
	[sflag:s23] =	ssyncset.done $0x0  }
0xa3: {  	[sflag:s23] =	ssyncadd.s32 s7;
	_ =	sdelay $0x1  }
0xa4: {  	s24 =	simm.s32 $0x1B8B  }
0xa5: {  	_ =	swait.ge [sflag:s24], $0x1  }
0xa6: {  	[sflag:s24] =	ssyncset.done $0x0  }
0xa7: {  	s25 =	simm.s32 $0x1B8E;
	[sflag:s24] =	ssyncadd.s32 $0xFFFFFFFF  }
0xa8: {  	s26 =	simm.s32 $execute0_lowered;
	[smem:$0x3FD2] =	sst s25  }
0xa9: {  	s7 =	sshll.u32 s26, $0x1;
	_ =	strace $0x80000046;
	[dreg:$0x1] =	wrdreg $0xFFFFFFFF  }
0xaa: {  	s28 =	simm.s32 $_size_execute0_lowered;
	s6 =	sadd.s32 s6, s7;
	[dreg:$0x0] =	wrdreg $0x0  }
0xab: {  	s7 =	sshll.u32 s28, $0x1;
	[dreg:$0x2] =	wrdreg s6  }
0xac: {  	[dreg:$0x3] =	wrdreg s7  }
0xad: {  	[dreg:$0x4] =	wrdreg $0xC0  }
0xae: {  	_ =	task [dreg:s10], $0x5FFFF  }
0xaf: {  	[dreg:$0x1] =	wrdreg $0xFFFFFFFF  }
0xb0: {  	[dreg:$0x0] =	wrdreg $0x60  }
0xb1: {  	[dreg:$0x2] =	wrdreg s2  }
0xb2: {  	[dreg:$0x3] =	wrdreg s19  }
0xb3: {  	[dreg:$0x4] =	wrdreg s4  }
0xb4: {  	[dreg:$0x5] =	wrdreg s5  }
0xb5: {  	[dreg:$0x6] =	wrdreg $0x9  }
0xb6: {  	_ =	task.clear_ibuf [dreg:s10], $0x7FFFF;
	_ =	strace $0x90000046  }
0xb7: {  	s29 =	simm.s32 $0x9;
	_ =	strace $0x80000048  }
0xb8: {  	_ =	swait.ge [sflag:s29], $0x1  }
0xb9: {  	[sflag:s29] =	ssyncadd.s32 $0xFFFFFFFF  }
0xba: {  	_ =	strace $0x90000048  }
0xbb: {  	_ =	sfence  }
0xbc: {  	s30 =	sld [smem:$0x0];
	_ =	sdelay $0x2  }
0xbd: {  	s31 =	sshll.u32 s1, $0xD;
	s1 =	sshrl.u32 s1, $0x2  }
0xbe: {  	s3 =	sand.u32 $0x4000, s31;
	s1 =	sadd.s32 s1, s30  }
0xbf: {  	s0 =	sor.u32 s3, s0;
	s1 =	sshll.u32 s1, $0x11  }
0xc0: {  	s0 =	sor.u32 s1, s0  }
0xc1: {  	s0 =	sadd.s32 $0x8F2B, s0  }
0xc2: {  	[sflag:s0] =	ssyncadd.remote.s32 $0x1  }
0xc3: {  	_ =	sfence.sel $0xFFFF  }
0xc4: {  	[dreg:$0x0] =	wrdreg $0xFFFFFFFF;
	(pc) =	sbr.abs _section_cstart, $3  }
0xc5: {  	[dreg:$0x1] =	wrdreg $0xFFFFFFFF  }
0xc6: {  	_ =	task.clear_ibuf [dreg:s10], $0x2FFFF;
	_ =	strace $0x9FFFFFFF  }
0xc7: {  	(tm) =	ssettm $0x7FFFFFFF  }
tec
execute0_lowered:
.L_overlay_start_1:
0x0: {  	(tag) =	ssettag $0x1  }
0x1: {  	s3 =	rddreg [dreg:$0x2];
	s0 =	srdreg.scid;
	s2 =	simm.s32 $0x0  }
0x2: {  	s5 =	stileid.u32;
	s28 =	simm.s32 $0x1;
	s14 =	simm.s32 $0x4900  }
0x3: {  	s6 =	simm.s32 $0x8900;
	s7 =	simm.s32 $0x10900;
	s8 =	simm.s32 $0x12900  }
0x4: {  	s9 =	simm.s32 $0x14900;
	s10 =	simm.s32 $0x16900;
	s11 =	simm.s32 $0x18900  }
0x5: {  	s12 =	simm.s32 $0x1A900;
	s1 =	simm.s32 $0x0;
	s13 =	simm.s32 $0x200  }
0x6: {  	s29 =	simm.s32 $0x280;
	s30 =	simm.s32 $0x380;
	s31 =	simm.s32 $0x500  }
0x7: {  	s0 =	sand.u32 $0x1, s0;
	[smem:$0x7FF] =	sst s2;
	s20 =	sadd.s32 $0x10, s3  }
0x8: {  	s21 =	sadd.s32 $0x20, s3;
	_ =	strace $0x80000047;
	[dreg:$0x6] =	wrdreg s20  }
0x9: {  	s5 =	sshll.u32 s5, $0xA;
	s22 =	sadd.s32 $0x4000, s3;
	[dreg:$0x7] =	wrdreg s21  }
0xa: {  	s23 =	sadd.s32 $0x4010, s3;
	s24 =	sadd.s32 $0x4020, s3;
	[dreg:$0x8] =	wrdreg s22  }
0xb: {  	s25 =	sadd.s32 $0x4040, s3;
	s3 =	simm.s32 $0x400;
	[dreg:$0x9] =	wrdreg s23  }
0xc: {  	s19 =	ssub.s32 $0x2, s0;
	s0 =	sshll.u32 s0, $0x9;
	[dreg:$0xa] =	wrdreg s24  }
0xd: {  	[dreg:$0xb] =	wrdreg s25;
	s25 =	simm.s32 $0xA900;
	s23 =	simm.s32 $0x80  }
0xe: {  	s24 =	simm.s32 $0x100;
	s4 =	sshrl.u32 s19, $0x1;
	s0 =	sor.u32 s0, s5  }
0xf: {  	s5 =	simm.s32 $0x2900;
	s2 =	ssub.s32 s19, s4;
	[dreg:$0x5] =	wrdreg s0  }
0x10: {  	v0 =	vlaneseq.u32;
	s0 =	simm.s32 $0x900;
	s4 =	simm.s32 $0x6900;
	s26 =	smax.u32 s2, $0x1  }
0x11: {  	v1 =	vor.u32 $0x10, v0;
	v2 =	vor.u32 $0x20, v0;
	v3 =	vor.u32 $0x30, v0;
	s2 =	simm.s32 $0xE900;
	[dreg:$0xc] =	wrdreg s26;
	s26 =	simm.s32 $0xC900  }
.LBB2_1:
0x12: {  	[dreg:$0xd] =	wrdreg s1;
	s15 =	simm.s32 $0x0  }
.LBB2_2:
0x13: {  	s18 =	sshll.u32 s15, $0x6;
	s16 =	rddreg [dreg:$0x5]  }
0x14: {  	s1 =	sadd.s32 s16, s18  }
0x15: {  	s17 =	sshll.u32 s1, $0x3  }
0x16: {  	s19 =	sand.u32 $0x40, s18;
	s20 =	sand.u32 $0x1FC00, s17  }
0x17: {  	s17 =	sor.u32 s19, s20  }
0x18: {  	s16 =	rddreg [dreg:$0x2];
	s21 =	sshrl.u32 s17, $0x3  }
0x19: {  	s17 =	simm.s32 $0x0;
	s22 =	sadd.s32 s16, s21  }
0x1a: {  	[tilespmem:s17], [sflag:$0x1] =	stream.linear.gather [hbm4b:s22+s17], $0x40, $0x38;
	[tilespmem:$0x1A980] =	vst v63  }
0x1b: {  	s22 =	rddreg [dreg:$0x6]  }
0x1c: {  	s22 =	sadd.s32 s21, s22  }
0x1d: {  	[tilespmem:s23], [sflag:$0x1] =	stream.linear.gather [hbm4b:s22+s17], $0x40, $0x38;
	[tilespmem:$0x1A980] =	vst v63  }
0x1e: {  	s18 =	sor.u32 s18, s20;
	s22 =	rddreg [dreg:$0x7]  }
0x1f: {  	s18 =	sshrl.u32 s18, $0x3;
	s22 =	sadd.s32 s21, s22  }
0x20: {  	[tilespmem:s24], [sflag:$0x1] =	stream.linear.gather [hbm4b:s22+s17], $0x40, $0x38;
	[tilespmem:$0x1A980] =	vst v63  }
0x21: {  	s19 =	sshrl.u32 s19, $0x3;
	s22 =	sor.u32 $0x30, s18  }
0x22: {  	s19 =	sor.u32 s1, s19;
	s20 =	sadd.s32 s16, s22;
	s22 =	simm.s32 $0x180  }
0x23: {  	[tilespmem:s22], [sflag:$0x1] =	stream.linear.gather [hbm4b:s20+s17], $0x40, $0x38;
	[tilespmem:$0x1A980] =	vst v63  }
0x24: {  	s20 =	sor.u32 $0x40, s19  }
0x25: {  	s20 =	sadd.s32 s16, s20  }
0x26: {  	[tilespmem:s13], [sflag:$0x1] =	stream.linear.gather [hbm4b:s20+s17], $0x40, $0x38;
	[tilespmem:$0x1A980] =	vst v63  }
0x27: {  	s20 =	sor.u32 $0x50, s19  }
0x28: {  	[dreg:$0xe] =	wrdreg s15;
	s19 =	sor.u32 $0x60, s19;
	s20 =	sadd.s32 s16, s20  }
0x29: {  	[tilespmem:s29], [sflag:$0x1] =	stream.linear.gather [hbm4b:s20+s17], $0x40, $0x38;
	[tilespmem:$0x1A980] =	vst v63  }
0x2a: {  	s15 =	sshll.u32 s15, $0x3;
	s19 =	sadd.s32 s16, s19;
	s20 =	simm.s32 $0x300  }
0x2b: {  	[tilespmem:s20], [sflag:$0x1] =	stream.linear.gather [hbm4b:s19+s17], $0x40, $0x38;
	[tilespmem:$0x1A980] =	vst v63  }
0x2c: {  	s19 =	sadd.s32 s15, s1  }
0x2d: {  	[dreg:$0xf] =	wrdreg s1;
	s19 =	sor.u32 $0x70, s19  }
0x2e: {  	s15 =	rddreg [dreg:$0x8];
	s19 =	sadd.s32 s16, s19  }
0x2f: {  	[tilespmem:s30], [sflag:$0x1] =	stream.linear.gather [hbm4b:s19+s17], $0x40, $0x38;
	[tilespmem:$0x1A980] =	vst v63  }
0x30: {  	s1 =	rddreg [dreg:$0x9];
	s19 =	sadd.s32 s21, s15  }
0x31: {  	[tilespmem:s3], [sflag:$0x1] =	stream.linear.gather [hbm4b:s19+s17], $0x40, $0x38;
	[tilespmem:$0x1A980] =	vst v63  }
0x32: {  	s15 =	rddreg [dreg:$0xa];
	s19 =	sadd.s32 s21, s1;
	s1 =	simm.s32 $0x480  }
0x33: {  	[tilespmem:s1], [sflag:$0x1] =	stream.linear.gather [hbm4b:s19+s17], $0x40, $0x38;
	[tilespmem:$0x1A980] =	vst v63  }
0x34: {  	s18 =	sor.u32 $0x4030, s18;
	s19 =	sadd.s32 s21, s15  }
0x35: {  	[tilespmem:s31], [sflag:$0x1] =	stream.linear.gather [hbm4b:s19+s17], $0x40, $0x38;
	[tilespmem:$0x1A980] =	vst v63  }
0x36: {  	s18 =	sadd.s32 s16, s18;
	s15 =	simm.s32 $0x580;
	s19 =	rddreg [dreg:$0xb]  }
0x37: {  	[tilespmem:s15], [sflag:$0x1] =	stream.linear.gather [hbm4b:s18+s17], $0x40, $0x38;
	[tilespmem:$0x1A980] =	vst v63  }
0x38: {  	s18 =	sadd.s32 s21, s19;
	s21 =	simm.s32 $0x600  }
0x39: {  	[tilespmem:s21], [sflag:$0x1] =	stream.linear.gather [hbm4b:s18+s17], $0x40, $0x38;
	[tilespmem:$0x1A980] =	vst v63  }
0x3a: {  	_ =	swait.ge [sflag:s28], $0x40  }
0x3b: {  	[sflag:s28] =	ssyncset.done $0x0  }
0x3c: {  	[sflag:s28] =	ssyncadd.s32 $0xFFFFFFC0  }
0x3d: {  	_ =	swait.ge [sflag:s28], $0x40  }
0x3e: {  	[sflag:s28] =	ssyncset.done $0x0  }
0x3f: {  	[sflag:s28] =	ssyncadd.s32 $0xFFFFFFC0  }
0x40: {  	_ =	swait.ge [sflag:s28], $0x40  }
0x41: {  	[sflag:s28] =	ssyncset.done $0x0  }
0x42: {  	[sflag:s28] =	ssyncadd.s32 $0xFFFFFFC0  }
0x43: {  	_ =	swait.ge [sflag:s28], $0x40  }
0x44: {  	[sflag:s28] =	ssyncset.done $0x0  }
0x45: {  	[sflag:s28] =	ssyncadd.s32 $0xFFFFFFC0  }
0x46: {  	_ =	swait.ge [sflag:s28], $0x40  }
0x47: {  	[sflag:s28] =	ssyncset.done $0x0  }
0x48: {  	[sflag:s28] =	ssyncadd.s32 $0xFFFFFFC0  }
0x49: {  	_ =	swait.ge [sflag:s28], $0x40  }
0x4a: {  	[sflag:s28] =	ssyncset.done $0x0  }
0x4b: {  	[sflag:s28] =	ssyncadd.s32 $0xFFFFFFC0  }
0x4c: {  	_ =	swait.ge [sflag:s28], $0x40  }
0x4d: {  	[sflag:s28] =	ssyncset.done $0x0  }
0x4e: {  	[sflag:s28] =	ssyncadd.s32 $0xFFFFFFC0  }
0x4f: {  	_ =	swait.ge [sflag:s28], $0x40  }
0x50: {  	[sflag:s28] =	ssyncset.done $0x0  }
0x51: {  	[sflag:s28] =	ssyncadd.s32 $0xFFFFFFC0  }
0x52: {  	_ =	swait.ge [sflag:s28], $0x40  }
0x53: {  	[sflag:s28] =	ssyncset.done $0x0  }
0x54: {  	[sflag:s28] =	ssyncadd.s32 $0xFFFFFFC0  }
0x55: {  	_ =	swait.ge [sflag:s28], $0x40  }
0x56: {  	[sflag:s28] =	ssyncset.done $0x0  }
0x57: {  	[sflag:s28] =	ssyncadd.s32 $0xFFFFFFC0  }
0x58: {  	_ =	swait.ge [sflag:s28], $0x40  }
0x59: {  	[sflag:s28] =	ssyncset.done $0x0  }
0x5a: {  	[sflag:s28] =	ssyncadd.s32 $0xFFFFFFC0  }
0x5b: {  	_ =	swait.ge [sflag:s28], $0x40  }
0x5c: {  	[sflag:s28] =	ssyncset.done $0x0  }
0x5d: {  	[sflag:s28] =	ssyncadd.s32 $0xFFFFFFC0  }
0x5e: {  	_ =	swait.ge [sflag:s28], $0x40  }
0x5f: {  	[sflag:s28] =	ssyncset.done $0x0  }
0x60: {  	[sflag:s28] =	ssyncadd.s32 $0xFFFFFFC0  }
0x61: {  	v4 =	vld [tilespmem:$0x580];
	_ =	sdelay $0x4  }
0x62: {  	s19 =	simm.s32 $0x800;
	v4 =	vshra.s32 v4, $0x1  }
0x63: {  	[tilespmem:v0+s19+$0x0] =	vst.idx.msk $0xffff, v4  }
0x64: {  	v4 =	vld [tilespmem:$0x600];
	_ =	sdelay $0x4  }
0x65: {  	s21 =	simm.s32 $0x880;
	v4 =	vshra.s32 v4, $0x1  }
0x66: {  	[tilespmem:v0+s21+$0x0] =	vst.idx.msk $0xffff, v4  }
0x67: {  	v4 =	vld [tilespmem:$0x590];
	_ =	sdelay $0x4  }
0x68: {  	v4 =	vshra.s32 v4, $0x1  }
0x69: {  	[tilespmem:v1+s19+$0x0] =	vst.idx.msk $0xffff, v4  }
0x6a: {  	v4 =	vld [tilespmem:$0x610];
	_ =	sdelay $0x4  }
0x6b: {  	v4 =	vshra.s32 v4, $0x1  }
0x6c: {  	[tilespmem:v1+s21+$0x0] =	vst.idx.msk $0xffff, v4  }
0x6d: {  	v4 =	vld [tilespmem:$0x5A0];
	_ =	sdelay $0x4  }
0x6e: {  	v4 =	vshra.s32 v4, $0x1  }
0x6f: {  	[tilespmem:v2+s19+$0x0] =	vst.idx.msk $0xffff, v4  }
0x70: {  	v4 =	vld [tilespmem:$0x620];
	_ =	sdelay $0x4  }
0x71: {  	v4 =	vshra.s32 v4, $0x1  }
0x72: {  	[tilespmem:v2+s21+$0x0] =	vst.idx.msk $0xffff, v4  }
0x73: {  	v4 =	vld [tilespmem:$0x5B0];
	_ =	sdelay $0x4  }
0x74: {  	v4 =	vshra.s32 v4, $0x1  }
0x75: {  	[tilespmem:v3+s19+$0x0] =	vst.idx.msk $0xffff, v4  }
0x76: {  	v4 =	vld [tilespmem:$0x630];
	_ =	sdelay $0x4  }
0x77: {  	v4 =	vshra.s32 v4, $0x1  }
0x78: {  	s18 =	simm.s32 $0x40;
	s15 =	rddreg [dreg:$0x0];
	[tilespmem:v3+s21+$0x0] =	vst.idx.msk $0xffff, v4  }
0x79: {  	[tilespmem:s0], [sflag:$0x1] =	stream.indirect.gather [hbm4b:s15+s18], $0x80, s17, s18, $0xb8;
	[tilespmem:$0x1A980] =	vst v63  }
0x7a: {  	_ = 	snop  }
0x7b: {  	[tilespmem:s5], [sflag:$0x1] =	stream.indirect.gather [hbm4b:s15+s18], $0x80, s23, s18, $0xb8;
	[tilespmem:$0x1A980] =	vst v63  }
0x7c: {  	_ = 	snop  }
0x7d: {  	[tilespmem:s14], [sflag:$0x1] =	stream.indirect.gather [hbm4b:s15+s18], $0x80, s24, s18, $0xb8;
	[tilespmem:$0x1A980] =	vst v63  }
0x7e: {  	_ = 	snop  }
0x7f: {  	[tilespmem:s4], [sflag:$0x1] =	stream.indirect.gather [hbm4b:s15+s18], $0x80, s22, s18, $0xb8;
	[tilespmem:$0x1A980] =	vst v63  }
0x80: {  	_ = 	snop  }
0x81: {  	[tilespmem:s6], [sflag:$0x1] =	stream.indirect.gather [hbm4b:s15+s18], $0x80, s13, s18, $0xb8;
	[tilespmem:$0x1A980] =	vst v63  }
0x82: {  	_ = 	snop  }
0x83: {  	[tilespmem:s25], [sflag:$0x1] =	stream.indirect.gather [hbm4b:s15+s18], $0x80, s29, s18, $0xb8;
	[tilespmem:$0x1A980] =	vst v63  }
0x84: {  	_ = 	snop  }
0x85: {  	[tilespmem:s26], [sflag:$0x1] =	stream.indirect.gather [hbm4b:s15+s18], $0x80, s20, s18, $0xb8;
	[tilespmem:$0x1A980] =	vst v63  }
0x86: {  	_ = 	snop  }
0x87: {  	[tilespmem:s2], [sflag:$0x1] =	stream.indirect.gather [hbm4b:s15+s18], $0x80, s30, s18, $0xb8;
	[tilespmem:$0x1A980] =	vst v63  }
0x88: {  	_ = 	snop  }
0x89: {  	[tilespmem:s7], [sflag:$0x1] =	stream.indirect.gather [hbm4b:s15+s18], $0x80, s3, s18, $0xb8;
	[tilespmem:$0x1A980] =	vst v63  }
0x8a: {  	_ = 	snop  }
0x8b: {  	[tilespmem:s8], [sflag:$0x1] =	stream.indirect.gather [hbm4b:s15+s18], $0x80, s1, s18, $0xb8;
	[tilespmem:$0x1A980] =	vst v63  }
0x8c: {  	_ = 	snop  }
0x8d: {  	[tilespmem:s9], [sflag:$0x1] =	stream.indirect.gather [hbm4b:s15+s18], $0x80, s31, s18, $0xb8;
	[tilespmem:$0x1A980] =	vst v63  }
0x8e: {  	s22 =	rddreg [dreg:$0x1]  }
0x8f: {  	[tilespmem:s10], [sflag:$0x1] =	stream.indirect.gather [hbm4b:s22+s18], $0x80, s19, s18, $0xb8;
	[tilespmem:$0x1A980] =	vst v63  }
0x90: {  	_ = 	snop  }
0x91: {  	[tilespmem:s11], [sflag:$0x1] =	stream.indirect.gather [hbm4b:s22+s18], $0x80, s21, s18, $0xb8;
	[tilespmem:$0x1A980] =	vst v63  }
0x92: {  	_ =	swait.ge [sflag:s28], $0x2000  }
0x93: {  	[sflag:s28] =	ssyncset.done $0x0  }
0x94: {  	[sflag:s28] =	ssyncadd.s32 $0xFFFFE000  }
0x95: {  	_ =	swait.ge [sflag:s28], $0x2000  }
0x96: {  	[sflag:s28] =	ssyncset.done $0x0  }
0x97: {  	[sflag:s28] =	ssyncadd.s32 $0xFFFFE000  }
0x98: {  	_ =	swait.ge [sflag:s28], $0x2000  }
0x99: {  	[sflag:s28] =	ssyncset.done $0x0  }
0x9a: {  	[sflag:s28] =	ssyncadd.s32 $0xFFFFE000  }
0x9b: {  	_ =	swait.ge [sflag:s28], $0x2000  }
0x9c: {  	[sflag:s28] =	ssyncset.done $0x0  }
0x9d: {  	[sflag:s28] =	ssyncadd.s32 $0xFFFFE000  }
0x9e: {  	_ =	swait.ge [sflag:s28], $0x2000  }
0x9f: {  	[sflag:s28] =	ssyncset.done $0x0  }
0xa0: {  	[sflag:s28] =	ssyncadd.s32 $0xFFFFE000  }
0xa1: {  	_ =	swait.ge [sflag:s28], $0x2000  }
0xa2: {  	[sflag:s28] =	ssyncset.done $0x0  }
0xa3: {  	[sflag:s28] =	ssyncadd.s32 $0xFFFFE000  }
0xa4: {  	_ =	swait.ge [sflag:s28], $0x2000  }
0xa5: {  	[sflag:s28] =	ssyncset.done $0x0  }
0xa6: {  	[sflag:s28] =	ssyncadd.s32 $0xFFFFE000  }
0xa7: {  	_ =	swait.ge [sflag:s28], $0x2000  }
0xa8: {  	[sflag:s28] =	ssyncset.done $0x0  }
0xa9: {  	[sflag:s28] =	ssyncadd.s32 $0xFFFFE000  }
0xaa: {  	_ =	swait.ge [sflag:s28], $0x2000  }
0xab: {  	[sflag:s28] =	ssyncset.done $0x0  }
0xac: {  	[sflag:s28] =	ssyncadd.s32 $0xFFFFE000  }
0xad: {  	_ =	swait.ge [sflag:s28], $0x2000  }
0xae: {  	[sflag:s28] =	ssyncset.done $0x0  }
0xaf: {  	[sflag:s28] =	ssyncadd.s32 $0xFFFFE000  }
0xb0: {  	_ =	swait.ge [sflag:s28], $0x2000  }
0xb1: {  	[sflag:s28] =	ssyncset.done $0x0  }
0xb2: {  	[sflag:s28] =	ssyncadd.s32 $0xFFFFE000  }
0xb3: {  	_ =	swait.ge [sflag:s28], $0x2000  }
0xb4: {  	[sflag:s28] =	ssyncset.done $0x0  }
0xb5: {  	[sflag:s28] =	ssyncadd.s32 $0xFFFFE000  }
0xb6: {  	_ =	swait.ge [sflag:s28], $0x2000  }
0xb7: {  	[sflag:s28] =	ssyncset.done $0x0  }
0xb8: {  	s18 =	simm.s32 $0x0;
	[sflag:s28] =	ssyncadd.s32 $0xFFFFE000  }
.LBB2_3:
0xb9: {  	s19 =	sshll.u32 s18, $0x4  }
0xba: {  	v4 =	vor.u32 s19, v0  }
0xbb: {  	v9 =	vshll.u32 v4, $0x7  }
0xbc: {  	v8 =	vor.u32 s17, v9;
	_ =	sdelay $0x2  }
0xbd: {  	v5 =	vld [tilespmem:s19+$0x600]  }
0xbe: {  	v6 =	vld [tilespmem:s19+$0x580]  }
0xbf: {  	v10 =	vld.idx.msk [tilespmem:v8+s9+$0x0], $0xffff  }
0xc0: {  	s21 =	simm.s32 $0x1;
	v11 =	vld.idx.msk [tilespmem:v8+s8+$0x0], $0xffff  }
0xc1: {  	v29 =	vor.u32 s21, v9;
	v12 =	vld.idx.msk [tilespmem:v8+s4+$0x0], $0xffff  }
0xc2: {  	v17 =	vld.idx.msk [tilespmem:v8+s5+$0x0], $0xffff  }
0xc3: {  	v21 =	vld.idx.msk [tilespmem:v8+s14+$0x0], $0xffff  }
0xc4: {  	v5 =	vshll.u32 v5, $0x6;
	v22 =	vld.idx.msk [tilespmem:v8+s0+$0x0], $0xffff  }
0xc5: {  	v6 =	vshll.u32 v6, $0x6;
	v5 =	vand.u32 $0x40, v5;
	v24 =	vld.idx.msk [tilespmem:v8+s6+$0x0], $0xffff  }
0xc6: {  	v6 =	vand.u32 $0x40, v6;
	v5 =	vor.u32 v5, v9;
	v33 =	vld.idx.msk [tilespmem:v29+s9+$0x0], $0xffff  }
0xc7: {  	s22 =	simm.s32 $0x2;
	v6 =	vor.u32 v6, v9;
	v37 =	vld.idx.msk [tilespmem:v29+s8+$0x0], $0xffff;
	v7 =	vor.u32 s17, v5  }
0xc8: {  	v47 =	vor.u32 s22, v9;
	v25 =	vld.idx.msk [tilespmem:v29+s4+$0x0], $0xffff;
	v15 =	vor.u32 s17, v6  }
0xc9: {  	v32 =	vor.u32 s21, v6;
	v26 =	vor.u32 s21, v5;
	v44 =	vor.u32 s22, v5  }
0xca: {  	v14 =	vld.idx.msk [tilespmem:v8+s25+$0x0], $0xffff;
	v18 =	vmul.f32 v10, v10;
	v19 =	vmul.f32 v11, v11;
	v10 =	vsub.f32 v10, v11  }
0xcb: {  	v16 =	vld.idx.msk [tilespmem:v8+s2+$0x0], $0xffff;
	v11 =	vmul.f32 v17, v17;
	v34 =	vsub.f32 v12, v21;
	v35 =	vmul.f32 v21, v21  }
0xcc: {  	v36 =	vmul.f32 v22, v22;
	v21 =	vsub.f32 v24, v21;
	v17 =	vsub.f32 v22, v17;
	v13 =	vld.idx.msk [tilespmem:v7+s11+$0x0], $0xffff  }
0xcd: {  	v20 =	vld.idx.msk [tilespmem:v8+s7+$0x0], $0xffff;
	v46 =	vsub.f32 v33, v37;
	v22 =	vmul.f32 v25, v25;
	v7 =	vimm.f32 $0.0e+00  }
0xce: {  	v45 =	vld.idx.msk [tilespmem:v32+s10+$0x0], $0xffff;
	v32 =	vimm.f32 $0.0e+00;
	v23 =	vadd.f32 v18, v7;
	v18 =	vmul.f32 v12, v12  }
0xcf: {  	v15 =	vld.idx.msk [tilespmem:v15+s10+$0x0], $0xffff;
	v28 =	vadd.f32 v19, v7;
	v10 =	vmul.f32 v10, v10;
	v11 =	vadd.f32 v11, v7  }
0xd0: {  	v12 =	vsub.f32 v24, v12;
	v41 =	vmul.f32 v34, v34;
	v39 =	vmul.f32 v17, v17  }
0xd1: {  	v8 =	vld.idx.msk [tilespmem:v8+s26+$0x0], $0xffff;
	v42 =	vmul.f32 v21, v21;
	v21 =	vadd.f32 v36, v7;
	v13 =	vsub.f32 v16, v13  }
0xd2: {  	v40 =	vld.idx.msk [tilespmem:v29+s2+$0x0], $0xffff;
	v36 =	vimm.f32 $0.0e+00;
	v34 =	vimm.f32 $0.0e+00;
	v16 =	vmul.f32 v20, v20  }
0xd3: {  	v27 =	vld.idx.msk [tilespmem:v26+s11+$0x0], $0xffff;
	v30 =	vadd.f32 v18, v7;
	v18 =	vadd.f32 v10, v7;
	v10 =	vmul.f32 v13, v13  }
0xd4: {  	v26 =	vld.idx.msk [tilespmem:v29+s7+$0x0], $0xffff;
	v43 =	vadd.f32 v15, v14;
	v19 =	vadd.f32 v16, v7;
	v16 =	vmul.f32 v33, v33  }
0xd5: {  	v14 =	vmul.f32 v24, v24;
	v31 =	vsub.f32 v20, v13;
	v13 =	vadd.f32 v10, v7;
	v10 =	vld.idx.msk [tilespmem:v29+s26+$0x0], $0xffff  }
0xd6: {  	v38 =	vmul.f32 v12, v12;
	v15 =	vmul.f32 v8, v8;
	v16 =	vadd.f32 v16, v23;
	v23 =	vld.idx.msk [tilespmem:v29+s5+$0x0], $0xffff  }
0xd7: {  	v12 =	vadd.f32 v35, v7;
	v24 =	vld.idx.msk [tilespmem:v29+s25+$0x0], $0xffff;
	v14 =	vadd.f32 v14, v7;
	v20 =	vmul.f32 v37, v37  }
0xd8: {  	v35 =	vimm.f32 $0.0e+00;
	v15 =	vadd.f32 v15, v7;
	v48 =	vsub.f32 v43, v8;
	v33 =	vld.idx.msk [tilespmem:v29+s14+$0x0], $0xffff  }
0xd9: {  	v49 =	vmul.f32 v43, v43;
	v37 =	vimm.f32 $0.0e+00;
	v43 =	vld.idx.msk [tilespmem:v29+s6+$0x0], $0xffff;
	v17 =	vadd.f32 v20, v28  }
0xda: {  	s19 =	simm.s32 $0x3;
	v8 =	vmovc v47;
	v20 =	vadd.f32 v22, v30;
	v28 =	vld.idx.msk [tilespmem:v29+s0+$0x0], $0xffff;
	v22 =	vor.u32 s22, v6;
	v30 =	vimm.f32 $0.0e+00;
	v29 =	vmovc v10  }
.LBB2_4:
0xdb: {  	p0 =	sne.s32 s19, $0x3F;
	v50 =	vmul.f32 v23, v23;
	v7 =	vadd.f32 v41, v7;
	v41 =	vmul.f32 v48, v48;
	s20 =	smov.u32 s19;
	s19 =	sadd.s32 $0x1, s19  }
0xdc: {  	v48 =	vmul.f32 v26, v26;
	v46 =	vmul.f32 v46, v46;
	v37 =	vadd.f32 v49, v37  }
0xdd: {  	v40 =	vsub.f32 v40, v27;
	v31 =	vmul.f32 v31, v31;
	v36 =	vadd.f32 v41, v36  }
0xde: {  	v34 =	vadd.f32 v38, v34;
	v49 =	vmul.f32 v33, v33;
	v41 =	vsub.f32 v25, v33;
	v47 =	vld.idx.msk [tilespmem:v47+s9+$0x0], $0xffff  }
0xdf: {  	v35 =	vadd.f32 v39, v35;
	v52 =	vmul.f32 v28, v28;
	v18 =	vadd.f32 v46, v18;
	v51 =	vld.idx.msk [tilespmem:v8+s8+$0x0], $0xffff  }
0xe0: {  	v32 =	vadd.f32 v42, v32;
	v38 =	vmul.f32 v40, v40;
	v19 =	vadd.f32 v48, v19;
	v53 =	vld.idx.msk [tilespmem:v8+s4+$0x0], $0xffff  }
0xe1: {  	v30 =	vadd.f32 v31, v30;
	v54 =	vadd.f32 v45, v24;
	v39 =	vmul.f32 v43, v43;
	v27 =	vld.idx.msk [tilespmem:v44+s11+$0x0], $0xffff  }
0xe2: {  	v11 =	vadd.f32 v50, v11;
	v42 =	vsub.f32 v43, v33;
	v33 =	vmul.f32 v29, v10;
	v24 =	vld.idx.msk [tilespmem:v8+s25+$0x0], $0xffff  }
0xe3: {  	v31 =	vsub.f32 v26, v40;
	v25 =	vsub.f32 v43, v25;
	v41 =	vmul.f32 v41, v41;
	v29 =	vld.idx.msk [tilespmem:v8+s26+$0x0], $0xffff  }
0xe4: {  	v28 =	vsub.f32 v28, v23;
	v13 =	vadd.f32 v38, v13;
	v43 =	vmul.f32 v47, v47;
	v40 =	vld.idx.msk [tilespmem:v8+s2+$0x0], $0xffff  }
0xe5: {  	v38 =	vmul.f32 v25, v25;
	v14 =	vadd.f32 v39, v14;
	v15 =	vadd.f32 v33, v15;
	v23 =	vld.idx.msk [tilespmem:v8+s5+$0x0], $0xffff  }
.Ltmp0:
0xe6: {  	v39 =	vmul.f32 v28, v28;
	v44 =	vmul.f32 v51, v51;
	v16 =	vadd.f32 v43, v16;
	v26 =	vld.idx.msk [tilespmem:v8+s7+$0x0], $0xffff;
	(pc) =	sbr.rel @p0 .LBB2_4-.Ltmp0, $4  }
0xe7: {  	v12 =	vadd.f32 v49, v12;
	v46 =	vsub.f32 v47, v51;
	v43 =	vmul.f32 v53, v53;
	v33 =	vld.idx.msk [tilespmem:v8+s14+$0x0], $0xffff  }
0xe8: {  	v48 =	vsub.f32 v54, v10;
	v42 =	vmul.f32 v42, v42;
	v17 =	vadd.f32 v44, v17;
	v28 =	vld.idx.msk [tilespmem:v8+s0+$0x0], $0xffff  }
0xe9: {  	v21 =	vadd.f32 v52, v21;
	v47 =	vor.u32 s20, v9;
	v25 =	vmovc v53;
	v20 =	vadd.f32 v43, v20;
	v45 =	vld.idx.msk [tilespmem:v22+s10+$0x0], $0xffff  }
0xea: {  	v49 =	vmul.f32 v54, v54;
	v44 =	vor.u32 s20, v5;
	v10 =	vmovc v29;
	v22 =	vor.u32 s20, v6;
	v43 =	vld.idx.msk [tilespmem:v8+s6+$0x0], $0xffff;
	v8 =	vmovc v47  }
0xeb: {  	v5 =	vmul.f32 v23, v23  }
0xec: {  	v7 =	vadd.f32 v41, v7;
	v6 =	vmul.f32 v48, v48;
	v58 =	vmul.f32 v26, v26  }
0xed: {  	v46 =	vmul.f32 v46, v46;
	v27 =	vsub.f32 v40, v27;
	v34 =	vadd.f32 v38, v34  }
0xee: {  	v59 =	vmul.f32 v31, v31;
	v35 =	vadd.f32 v39, v35;
	v32 =	vadd.f32 v42, v32  }
0xef: {  	v37 =	vadd.f32 v49, v37;
	v60 =	vsub.f32 v25, v33;
	v61 =	vmul.f32 v33, v33  }
0xf0: {  	v62 =	vld.idx.msk [tilespmem:v47+s9+$0x0], $0xffff;
	v36 =	vadd.f32 v6, v36;
	v47 =	vmul.f32 v28, v28;
	v18 =	vadd.f32 v46, v18  }
0xf1: {  	v48 =	vld.idx.msk [tilespmem:v8+s8+$0x0], $0xffff;
	v63 =	vmul.f32 v27, v27;
	v19 =	vadd.f32 v58, v19;
	v30 =	vadd.f32 v59, v30  }
0xf2: {  	v11 =	vadd.f32 v5, v11;
	v5 =	vmul.f32 v29, v10;
	v54 =	vsub.f32 v28, v23  }
0xf3: {  	v55 =	vld.idx.msk [tilespmem:v8+s5+$0x0], $0xffff;
	v24 =	vadd.f32 v45, v24;
	v52 =	vmul.f32 v60, v60;
	v12 =	vadd.f32 v61, v12  }
0xf4: {  	v29 =	vld.idx.msk [tilespmem:v44+s11+$0x0], $0xffff;
	v49 =	vmul.f32 v43, v43;
	v50 =	vsub.f32 v43, v33;
	v51 =	vsub.f32 v43, v25  }
0xf5: {  	v58 =	vld.idx.msk [tilespmem:v8+s0+$0x0], $0xffff;
	v25 =	vsub.f32 v26, v27;
	v13 =	vadd.f32 v63, v13;
	v23 =	vmul.f32 v54, v54  }
0xf6: {  	v59 =	vld.idx.msk [tilespmem:v8+s2+$0x0], $0xffff;
	v39 =	vadd.f32 v5, v15;
	v53 =	vmul.f32 v62, v62;
	v57 =	vmul.f32 v48, v48  }
0xf7: {  	v45 =	vld.idx.msk [tilespmem:v8+s4+$0x0], $0xffff;
	v38 =	vsub.f32 v62, v48;
	v61 =	vsub.f32 v24, v10;
	v44 =	vmul.f32 v24, v24  }
0xf8: {  	v26 =	vadd.f32 v52, v7;
	v56 =	vmul.f32 v51, v51;
	v14 =	vadd.f32 v49, v14  }
0xf9: {  	v15 =	vld.idx.msk [tilespmem:v8+s7+$0x0], $0xffff;
	v62 =	vmul.f32 v50, v50;
	v25 =	vmul.f32 v25, v25;
	v23 =	vadd.f32 v23, v35  }
0xfa: {  	v63 =	vld.idx.msk [tilespmem:v8+s14+$0x0], $0xffff;
	v5 =	vadd.f32 v53, v16;
	v6 =	vadd.f32 v57, v17;
	v48 =	vmul.f32 v61, v61  }
0xfb: {  	v54 =	vld.idx.msk [tilespmem:v8+s26+$0x0], $0xffff;
	v28 =	vsub.f32 v58, v55;
	v38 =	vmul.f32 v38, v38;
	v29 =	vsub.f32 v59, v29  }
0xfc: {  	v27 =	vmul.f32 v58, v58;
	v60 =	vmul.f32 v45, v45;
	v31 =	vadd.f32 v56, v34  }
0xfd: {  	v46 =	vld.idx.msk [tilespmem:v8+s25+$0x0], $0xffff;
	v57 =	vadd.f32 v62, v32;
	v59 =	vadd.f32 v25, v30;
	v32 =	vor.u32 $0x40, v9  }
0xfe: {  	v49 =	vld.idx.msk [tilespmem:v22+s10+$0x0], $0xffff;
	v50 =	vmul.f32 v15, v15;
	v36 =	vadd.f32 v48, v36;
	v28 =	vmul.f32 v28, v28  }
0xff: {  	v51 =	vld.idx.msk [tilespmem:v8+s6+$0x0], $0xffff;
	v52 =	vsub.f32 v45, v63;
	v53 =	vmul.f32 v63, v63;
	v7 =	vadd.f32 v38, v18  }
0x100: {  	v56 =	vmul.f32 v29, v29;
	v62 =	vmul.f32 v54, v54;
	v29 =	vsub.f32 v15, v29  }
0x101: {  	v6 =	vmax.f32 v6, $1.000000000e-30;
	v16 =	vadd.f32 v60, v20;
	v20 =	vadd.f32 v47, v21  }
0x102: {  	v47 =	vmul.f32 v55, v55;
	v21 =	vadd.f32 v44, v37;
	v55 =	vadd.f32 v28, v23  }
0x103: {  	v5 =	vmax.f32 v5, $1.000000000e-30;
	v8 =	vadd.f32 v50, v19;
	v10 =	vadd.f32 v49, v46  }
0x104: {  	v58 =	vmul.f32 v51, v51;
	v61 =	vsub.f32 v51, v63;
	v63 =	vsub.f32 v51, v45  }
0x105: {  	v35 =	vmul.f32 v52, v52;
	v15 =	vadd.f32 v56, v13;
	v17 =	vadd.f32 v62, v39  }
0x106: {  	v30 =	vadd.f32 v53, v12;
	v50 =	vmul.f32 v29, v29;
	v7 =	vmax.f32 v7, $1.000000000e-30  }
0x107: {  	v11 =	vadd.f32 v47, v11;
	v20 =	vadd.f32 v27, v20;
	v24 =	vmax.f32 v55, $1.000000000e-30  }
0x108: {  	v38 =	vmul.f32 v63, v63;
	v23 =	vadd.f32 v58, v14;
	v44 =	vsub.f32 v10, v54  }
0x109: {  	v28 =	vmul.f32 v61, v61;
	v60 =	vshra.s32 v24, $0x1;
	v25 =	vmul.f32 $5.000000000e-01, v24  }
0x10a: {  	v10 =	vmul.f32 v10, v10;
	v26 =	vadd.f32 v35, v26;
	v19 =	vsub.s32 $0x5F3759DF, v60  }
0x10b: {  	v18 =	vadd.f32 v50, v59;
	v30 =	vmax.f32 v30, $1.000000000e-30;
	v37 =	vmul.f32 v19, v25  }
0x10c: {  	v15 =	vmax.f32 v15, $1.000000000e-30;
	v8 =	vmax.f32 v8, $1.000000000e-30;
	v33 =	vmax.f32 v20, $1.000000000e-30  }
0x10d: {  	v43 =	vshra.s32 v33, $0x1;
	v27 =	vmul.f32 $5.000000000e-01, v33;
	v40 =	vmul.f32 v19, v37  }
0x10e: {  	v34 =	vmax.f32 v11, $1.000000000e-30;
	v46 =	vmul.f32 v44, v44;
	v14 =	vsub.s32 $0x5F3759DF, v43  }
0x10f: {  	v47 =	vld.idx.msk [tilespmem:v32+s0+$0x0], $0xffff;
	v29 =	vadd.f32 v38, v31;
	v45 =	vmul.f32 v14, v27;
	v42 =	vsub.f32 $1.500000000e+00, v40  }
0x110: {  	v51 =	vld.idx.msk [tilespmem:v32+s5+$0x0], $0xffff;
	v28 =	vadd.f32 v28, v57;
	v11 =	vshra.s32 v34, $0x1;
	v23 =	vmax.f32 v23, $1.000000000e-30  }
0x111: {  	v52 =	vld.idx.msk [tilespmem:v32+s14+$0x0], $0xffff;
	v11 =	vsub.s32 $0x5F3759DF, v11;
	v49 =	vmul.f32 v14, v45;
	v9 =	vmul.f32 v19, v42  }
0x112: {  	v57 =	vld.idx.msk [tilespmem:v32+s4+$0x0], $0xffff;
	v19 =	vadd.f32 v10, v21;
	v21 =	vadd.f32 v46, v36;
	v36 =	vmul.f32 $5.000000000e-01, v34  }
0x113: {  	v59 =	vld.idx.msk [tilespmem:v32+s25+$0x0], $0xffff;
	v28 =	vmax.f32 v28, $1.000000000e-30;
	v29 =	vmax.f32 v29, $1.000000000e-30;
	v48 =	vmul.f32 v9, v25  }
0x114: {  	v61 =	vld.idx.msk [tilespmem:v32+s26+$0x0], $0xffff;
	v35 =	vand.u32 $0x7FFFFFFF, v47;
	v54 =	vsub.f32 $1.500000000e+00, v49;
	v60 =	vmul.f32 v11, v36  }
0x115: {  	v37 =	vand.u32 $0x7FFFFFFF, v51;
	v43 =	vmul.f32 $5.000000000e-01, v28;
	v53 =	vmul.f32 v48, v9  }
0x116: {  	v20 =	vand.u32 $0x7FFFFFFF, v52;
	v56 =	vmul.f32 v14, v54;
	v13 =	vmul.f32 v11, v60  }
0x117: {  	v41 =	vmul.f32 $5.000000000e-01, v29;
	v22 =	vand.u32 $0x7FFFFFFF, v57;
	v55 =	vsub.f32 $1.500000000e+00, v53  }
0x118: {  	v14 =	vand.u32 $0x7FFFFFFF, v59;
	v58 =	vmul.f32 v56, v27;
	v46 =	vsub.f32 $1.500000000e+00, v13  }
0x119: {  	v13 =	vand.u32 $0x7FFFFFFF, v61;
	v61 =	vshra.s32 v29, $0x1;
	v10 =	vmul.f32 v55, v9  }
0x11a: {  	v63 =	vld.idx.msk [tilespmem:v32+s2+$0x0], $0xffff;
	v9 =	vmul.f32 v58, v56;
	v50 =	vmul.f32 v11, v46;
	v55 =	vshra.s32 v28, $0x1  }
0x11b: {  	v38 =	vsub.s32 $0x5F3759DF, v61;
	v42 =	vsub.s32 $0x5F3759DF, v55;
	v62 =	vmul.f32 v10, v25  }
0x11c: {  	v25 =	vmax.f32 v26, $1.000000000e-30;
	v9 =	vsub.f32 $1.500000000e+00, v9;
	v54 =	vmul.f32 v50, v36  }
0x11d: {  	v44 =	vshra.s32 v25, $0x1;
	v40 =	vmul.f32 $5.000000000e-01, v25;
	v45 =	vmul.f32 v62, v10  }
0x11e: {  	v39 =	vsub.s32 $0x5F3759DF, v44;
	v31 =	vmul.f32 v9, v56;
	v56 =	vmul.f32 v42, v43  }
0x11f: {  	v9 =	vand.u32 $0x7FFFFFFF, v63;
	v63 =	vmul.f32 v38, v41;
	v47 =	vmul.f32 v39, v40  }
0x120: {  	v53 =	vld.idx.msk [tilespmem:v32+s8+$0x0], $0xffff;
	v48 =	vsub.f32 $1.500000000e+00, v45;
	v52 =	vmul.f32 v31, v27;
	v27 =	vmul.f32 v54, v50  }
0x121: {  	v21 =	vmax.f32 v21, $1.000000000e-30;
	v59 =	vmul.f32 v42, v56;
	v51 =	vmul.f32 v39, v47  }
0x122: {  	v49 =	vld.idx.msk [tilespmem:v32+s7+$0x0], $0xffff;
	v19 =	vmax.f32 v19, $1.000000000e-30;
	v10 =	vmul.f32 v48, v10;
	v12 =	vmul.f32 v52, v31  }
0x123: {  	v58 =	vld.idx.msk [tilespmem:v32+s9+$0x0], $0xffff;
	v46 =	vmul.f32 v38, v63;
	v27 =	vsub.f32 $1.500000000e+00, v27;
	v11 =	vsub.f32 $1.500000000e+00, v51  }
0x124: {  	v51 =	vshra.s32 v30, $0x1;
	v12 =	vsub.f32 $1.500000000e+00, v12;
	v24 =	vmul.f32 v10, v24  }
0x125: {  	v10 =	vand.u32 $0x7FFFFFFF, v53;
	v27 =	vmul.f32 v27, v50;
	v52 =	vsub.s32 $0x5F3759DF, v51  }
0x126: {  	v39 =	vmul.f32 v39, v11;
	v31 =	vmul.f32 v12, v31;
	v12 =	vsub.f32 $1.500000000e+00, v59  }
0x127: {  	v11 =	vand.u32 $0x7FFFFFFF, v49;
	v36 =	vmul.f32 v27, v36;
	v24 =	vadd.f32 v35, v24  }
0x128: {  	v57 =	vmul.f32 v39, v40;
	v62 =	vmul.f32 v42, v12;
	v12 =	vand.u32 $0x7FFFFFFF, v58  }
0x129: {  	v44 =	vmul.f32 v36, v27;
	v24 =	vsub.f32 v24, v37;
	v31 =	vmul.f32 v31, v33  }
0x12a: {  	v37 =	vsub.f32 $1.500000000e+00, v46;
	v46 =	vadd.f32 v22, v20;
	v60 =	vmul.f32 v57, v39  }
0x12b: {  	v45 =	vmul.f32 v62, v43;
	v26 =	vsub.f32 $1.500000000e+00, v44;
	v24 =	vmax.f32 v24, $0.0e+00  }
0x12c: {  	v31 =	vadd.f32 $-1.000000000e+00, v31;
	v50 =	vmul.f32 v38, v37;
	v38 =	vmul.f32 $5.000000000e-01, v30  }
0x12d: {  	v32 =	vsub.f32 $1.500000000e+00, v60;
	v36 =	vmul.f32 v45, v62;
	v26 =	vmul.f32 v26, v27  }
0x12e: {  	v55 =	vmul.f32 v50, v41;
	v56 =	vmul.f32 v52, v38;
	v31 =	vand.u32 $0x7FFFFFFF, v31  }
0x12f: {  	v32 =	vmul.f32 v32, v39;
	v39 =	vmax.f32 v16, $1.000000000e-30;
	v24 =	vadd.f32 v24, v31  }
0x130: {  	v49 =	vsub.f32 $1.500000000e+00, v36;
	v54 =	vmul.f32 $5.000000000e-01, v39;
	v58 =	vmul.f32 v55, v50  }
0x131: {  	v53 =	vshra.s32 v39, $0x1;
	v59 =	vmul.f32 v52, v56;
	v26 =	vmul.f32 v26, v34  }
0x132: {  	v47 =	vmul.f32 v32, v40;
	v37 =	vsub.s32 $0x5F3759DF, v53;
	v33 =	vmul.f32 v49, v62  }
0x133: {  	v57 =	vmul.f32 v37, v54;
	v31 =	vsub.f32 $1.500000000e+00, v58;
	v60 =	vsub.f32 $1.500000000e+00, v59  }
0x134: {  	v26 =	vadd.f32 $-1.000000000e+00, v26;
	v48 =	vmul.f32 v47, v32;
	v43 =	vmul.f32 v33, v43  }
0x135: {  	v55 =	vshra.s32 v21, $0x1;
	v35 =	vmul.f32 v37, v57;
	v31 =	vmul.f32 v31, v50  }
0x136: {  	v34 =	vmul.f32 v52, v60;
	v26 =	vand.u32 $0x7FFFFFFF, v26;
	v27 =	vsub.f32 $1.500000000e+00, v48  }
0x137: {  	v61 =	vmul.f32 v43, v33;
	v35 =	vsub.f32 $1.500000000e+00, v35;
	v44 =	vmul.f32 v31, v41  }
0x138: {  	v48 =	vshra.s32 v23, $0x1;
	v45 =	vmul.f32 v34, v38;
	v41 =	vmul.f32 $5.000000000e-01, v23  }
0x139: {  	v27 =	vmul.f32 v27, v32;
	v62 =	vsub.f32 $1.500000000e+00, v61;
	v63 =	vmul.f32 v37, v35  }
0x13a: {  	v32 =	vmul.f32 v44, v31;
	v35 =	vmul.f32 v45, v34;
	v37 =	vsub.s32 $0x5F3759DF, v48  }
0x13b: {  	v44 =	vmax.f32 v20, v22;
	v25 =	vmul.f32 v27, v25;
	v49 =	vmul.f32 v37, v41  }
0x13c: {  	v16 =	vmul.f32 v62, v33;
	v47 =	vmul.f32 v63, v54;
	v32 =	vsub.f32 $1.500000000e+00, v32  }
0x13d: {  	v35 =	vsub.f32 $1.500000000e+00, v35;
	v62 =	vshra.s32 v19, $0x1;
	v52 =	vmul.f32 v37, v49  }
0x13e: {  	v25 =	vsub.f32 v25, v46;
	v33 =	vmul.f32 v47, v63;
	v28 =	vmul.f32 v16, v28  }
0x13f: {  	v16 =	vadd.f32 v24, v26;
	v50 =	vmul.f32 v32, v31;
	v51 =	vmul.f32 v35, v34  }
0x140: {  	v34 =	vmul.f32 $5.000000000e-01, v21;
	v31 =	vsub.f32 $1.500000000e+00, v52;
	v33 =	vsub.f32 $1.500000000e+00, v33  }
0x141: {  	v28 =	vsub.f32 v28, v20;
	v24 =	vmul.f32 v50, v29;
	v53 =	vmul.f32 v51, v38  }
0x142: {  	v25 =	vmax.f32 v25, $0.0e+00;
	v31 =	vmul.f32 v37, v31;
	v27 =	vmul.f32 v33, v63  }
0x143: {  	v28 =	vmax.f32 v28, $0.0e+00;
	v24 =	vsub.f32 v24, v22;
	v29 =	vmul.f32 v53, v51  }
0x144: {  	v33 =	vsub.s32 $0x5F3759DF, v55;
	v63 =	vmul.f32 $5.000000000e-01, v19;
	v22 =	vsub.f32 v44, v22  }
0x145: {  	v56 =	vmul.f32 v31, v41;
	v25 =	vadd.f32 v25, v28;
	v57 =	vmul.f32 v33, v34  }
0x146: {  	v54 =	vmul.f32 v27, v54;
	v29 =	vsub.f32 $1.500000000e+00, v29;
	v24 =	vmax.f32 v24, $0.0e+00  }
0x147: {  	v22 =	vmax.f32 v22, $0.0e+00;
	v58 =	vmul.f32 v56, v31;
	v24 =	vadd.f32 v25, v24  }
0x148: {  	v60 =	vmul.f32 v33, v57;
	v26 =	vmul.f32 v29, v51;
	v29 =	vsub.s32 $0x5F3759DF, v62  }
0x149: {  	v32 =	vmul.f32 v54, v27;
	v61 =	vsub.f32 $1.500000000e+00, v58;
	v45 =	vmul.f32 v29, v63  }
0x14a: {  	v22 =	vadd.f32 v24, v22;
	v59 =	vmul.f32 v26, v30;
	v30 =	vmax.f32 v17, $1.000000000e-30  }
0x14b: {  	v32 =	vsub.f32 $1.500000000e+00, v32;
	v26 =	vsub.f32 $1.500000000e+00, v60;
	v42 =	vmul.f32 $5.000000000e-01, v30  }
0x14c: {  	v17 =	vshra.s32 v30, $0x1;
	v28 =	vmul.f32 v61, v31;
	v20 =	vmul.f32 v29, v45  }
0x14d: {  	v45 =	vshra.s32 v8, $0x1;
	v27 =	vmul.f32 v32, v27;
	v26 =	vmul.f32 v33, v26  }
0x14e: {  	v43 =	vsub.s32 $0x5F3759DF, v17;
	v17 =	vmax.f32 v18, $1.000000000e-30;
	v25 =	vadd.f32 $-1.000000000e+00, v59  }
0x14f: {  	v46 =	vmul.f32 v43, v42;
	v49 =	vshra.s32 v17, $0x1;
	v50 =	vmul.f32 $5.000000000e-01, v17  }
0x150: {  	v20 =	vsub.f32 $1.500000000e+00, v20;
	v51 =	vmul.f32 v28, v41;
	v27 =	vmul.f32 v27, v39  }
0x151: {  	v47 =	vmul.f32 v26, v34;
	v31 =	vsub.s32 $0x5F3759DF, v49;
	v36 =	vmul.f32 v43, v46  }
0x152: {  	v25 =	vand.u32 $0x7FFFFFFF, v25;
	v52 =	vmul.f32 v31, v50;
	v20 =	vmul.f32 v29, v20  }
0x153: {  	v56 =	vmul.f32 v51, v28;
	v22 =	vadd.f32 v22, v25;
	v46 =	vmul.f32 $5.000000000e-01, v8  }
0x154: {  	v48 =	vmul.f32 v47, v26;
	v27 =	vadd.f32 $-1.000000000e+00, v27;
	v54 =	vmul.f32 v31, v52  }
0x155: {  	v36 =	vsub.f32 $1.500000000e+00, v36;
	v55 =	vmul.f32 v20, v63;
	v52 =	vmul.f32 $5.000000000e-01, v6  }
0x156: {  	v18 =	vsub.f32 $1.500000000e+00, v48;
	v27 =	vand.u32 $0x7FFFFFFF, v27;
	v48 =	vmul.f32 $5.000000000e-01, v7  }
0x157: {  	v53 =	vmul.f32 v43, v36;
	v24 =	vsub.f32 $1.500000000e+00, v54;
	v22 =	vadd.f32 v22, v27  }
0x158: {  	v27 =	vsub.s32 $0x5F3759DF, v45;
	v18 =	vmul.f32 v18, v26;
	v26 =	vmul.f32 v55, v20  }
0x159: {  	v62 =	vshra.s32 v15, $0x1;
	v49 =	vmul.f32 v27, v46;
	v24 =	vmul.f32 v31, v24  }
0x15a: {  	v36 =	vsub.f32 $1.500000000e+00, v56;
	v55 =	vmul.f32 $5.000000000e-01, v5;
	v33 =	vmul.f32 v53, v42  }
0x15b: {  	v51 =	vshra.s32 v6, $0x1;
	v34 =	vmul.f32 v18, v34;
	v59 =	vmul.f32 v24, v50  }
0x15c: {  	v28 =	vmul.f32 v36, v28;
	v26 =	vsub.f32 $1.500000000e+00, v26;
	v33 =	vmul.f32 v33, v53  }
0x15d: {  	v47 =	vshra.s32 v7, $0x1;
	v34 =	vmul.f32 v34, v18;
	v61 =	vmul.f32 v59, v24  }
0x15e: {  	v23 =	vmul.f32 v28, v23;
	v20 =	vmul.f32 v26, v20;
	v57 =	vsub.f32 $1.500000000e+00, v33  }
0x15f: {  	v58 =	vsub.f32 $1.500000000e+00, v34;
	v34 =	vmul.f32 $5.000000000e-01, v15;
	v29 =	vsub.f32 $1.500000000e+00, v61  }
0x160: {  	v31 =	vsub.s32 $0x5F3759DF, v62;
	v32 =	vmul.f32 v20, v63;
	v60 =	vmul.f32 v57, v53  }
0x161: {  	v54 =	vshra.s32 v5, $0x1;
	v63 =	vmul.f32 v31, v34;
	v24 =	vmul.f32 v29, v24  }
0x162: {  	v23 =	vadd.f32 $-1.000000000e+00, v23;
	v18 =	vmul.f32 v58, v18;
	v36 =	vmul.f32 v32, v20  }
0x163: {  	v32 =	vsub.s32 $0x5F3759DF, v51;
	v39 =	vmul.f32 v31, v63;
	v41 =	vmul.f32 v24, v50  }
0x164: {  	v35 =	vmul.f32 v60, v42;
	v53 =	vmul.f32 v32, v52;
	v25 =	vsub.f32 $1.500000000e+00, v36  }
0x165: {  	v18 =	vmul.f32 v18, v21;
	v29 =	vsub.f32 $1.500000000e+00, v39;
	v21 =	vmul.f32 v41, v24  }
0x166: {  	v36 =	vsub.s32 $0x5F3759DF, v54;
	v38 =	vmul.f32 v35, v60;
	v56 =	vmul.f32 v32, v53  }
0x167: {  	v43 =	vmul.f32 v31, v29;
	v29 =	vsub.s32 $0x5F3759DF, v47;
	v21 =	vsub.f32 $1.500000000e+00, v21  }
0x168: {  	v23 =	vand.u32 $0x7FFFFFFF, v23;
	v57 =	vmul.f32 v36, v55;
	v50 =	vmul.f32 v29, v48  }
0x169: {  	v20 =	vmul.f32 v25, v20;
	v40 =	vsub.f32 $1.500000000e+00, v38;
	v21 =	vmul.f32 v21, v24  }
0x16a: {  	v22 =	vadd.f32 v22, v23;
	v24 =	vmul.f32 v27, v49;
	v31 =	vmul.f32 v29, v50  }
0x16b: {  	v23 =	vsub.f32 $1.500000000e+00, v56;
	v19 =	vmul.f32 v20, v19;
	v42 =	vmul.f32 v40, v60  }
0x16c: {  	v60 =	vmul.f32 v36, v57;
	v24 =	vsub.f32 $1.500000000e+00, v24;
	v31 =	vsub.f32 $1.500000000e+00, v31  }
0x16d: {  	v9 =	vadd.f32 v11, v9;
	v23 =	vmul.f32 v32, v23;
	v44 =	vmul.f32 v43, v34  }
0x16e: {  	v14 =	vadd.f32 v14, v18;
	v58 =	vmul.f32 v27, v24;
	v59 =	vmul.f32 v29, v31  }
0x16f: {  	v20 =	vmul.f32 v42, v30;
	v62 =	vsub.f32 $1.500000000e+00, v60;
	v35 =	vmul.f32 v23, v52  }
0x170: {  	v10 =	vadd.f32 v12, v10;
	v61 =	vmul.f32 v58, v46;
	v29 =	vmul.f32 v59, v48  }
0x171: {  	v13 =	vsub.f32 v14, v13;
	v25 =	vmul.f32 v44, v43;
	v26 =	vmul.f32 v36, v62  }
0x172: {  	v19 =	vadd.f32 $-1.000000000e+00, v19;
	v14 =	vmul.f32 v61, v58;
	v63 =	vmul.f32 v29, v59  }
0x173: {  	v25 =	vsub.f32 $1.500000000e+00, v25;
	v39 =	vmul.f32 v26, v55;
	v29 =	vmul.f32 v35, v23  }
0x174: {  	v17 =	vmul.f32 v21, v17;
	v14 =	vsub.f32 $1.500000000e+00, v14;
	v27 =	vsub.f32 $1.500000000e+00, v63  }
0x175: {  	v25 =	vmul.f32 v25, v43;
	v43 =	vmul.f32 v39, v26;
	v42 =	vsub.f32 $1.500000000e+00, v29  }
0x176: {  	v13 =	vmax.f32 v13, $0.0e+00;
	v14 =	vmul.f32 v14, v58;
	v40 =	vmul.f32 v27, v59  }
0x177: {  	v19 =	vand.u32 $0x7FFFFFFF, v19;
	v38 =	vmul.f32 v25, v34;
	v45 =	vmul.f32 v42, v23  }
0x178: {  	v28 =	vmul.f32 v14, v46;
	v44 =	vmul.f32 v40, v48;
	v46 =	vsub.f32 $1.500000000e+00, v43  }
0x179: {  	v20 =	vadd.f32 $-1.000000000e+00, v20;
	v41 =	vmul.f32 v38, v25;
	v49 =	vmul.f32 v45, v52  }
0x17a: {  	v13 =	vadd.f32 v13, v19;
	v48 =	vmul.f32 v44, v40;
	v23 =	vmul.f32 v46, v26  }
0x17b: {  	v20 =	vand.u32 $0x7FFFFFFF, v20;
	v19 =	vsub.f32 $1.500000000e+00, v41;
	v47 =	vmul.f32 v28, v14  }
0x17c: {  	v53 =	vmul.f32 v49, v45;
	v52 =	vsub.f32 $1.500000000e+00, v48;
	v26 =	vmul.f32 v23, v55  }
0x17d: {  	v9 =	vsub.f32 v17, v9;
	v50 =	vmul.f32 v19, v25;
	v51 =	vsub.f32 $1.500000000e+00, v47  }
0x17e: {  	v55 =	vsub.f32 $1.500000000e+00, v53;
	v54 =	vmul.f32 v52, v40;
	v56 =	vmul.f32 v26, v23  }
0x17f: {  	v60 =	vadd.f32 v13, v20;
	v11 =	vmul.f32 v50, v15;
	v14 =	vmul.f32 v51, v14  }
0x180: {  	v57 =	vmul.f32 v55, v45;
	v7 =	vmul.f32 v54, v7;
	v58 =	vsub.f32 $1.500000000e+00, v56  }
0x181: {  	v9 =	vmax.f32 v9, $0.0e+00;
	v11 =	vadd.f32 $-1.000000000e+00, v11;
	v8 =	vmul.f32 v14, v8  }
0x182: {  	v6 =	vmul.f32 v57, v6;
	v7 =	vsub.f32 v10, v7;
	v59 =	vmul.f32 v58, v23  }
0x183: {  	v61 =	vadd.f32 v22, v16;
	v11 =	vand.u32 $0x7FFFFFFF, v11;
	v8 =	vadd.f32 $-1.000000000e+00, v8  }
0x184: {  	v6 =	vadd.f32 $-1.000000000e+00, v6;
	v7 =	vadd.f32 $-1.000000010e-01, v7;
	v5 =	vmul.f32 v59, v5  }
0x185: {  	v62 =	vadd.f32 v61, v60;
	v9 =	vadd.f32 v9, v11;
	v8 =	vand.u32 $0x7FFFFFFF, v8  }
0x186: {  	v6 =	vand.u32 $0x7FFFFFFF, v6;
	v7 =	vmax.f32 v7, $0.0e+00;
	v5 =	vadd.f32 $-1.000000000e+00, v5  }
0x187: {  	s18 =	sadd.s32 $0x1, s18;
	v8 =	vadd.f32 v9, v8;
	v6 =	vadd.f32 v7, v6  }
0x188: {  	p0 =	sne.s32 s18, $0x4;
	v5 =	vand.u32 $0x7FFFFFFF, v5  }
.Ltmp1:
0x189: {  	v63 =	vadd.f32 v62, v8;
	v5 =	vadd.f32 v6, v5;
	(pc) =	sbr.rel @p0 .LBB2_3-.Ltmp1, $3  }
0x18a: {  	_ = 	snop  }
0x18b: {  	v5 =	vadd.f32 v5, v63;
	_ =	sdelay $0x1  }
0x18c: {  	[tilespmem:v4+s12+$0x0] =	vst.idx.msk $0xffff, v5  }
0x18d: {  	s1 =	rddreg [dreg:$0xf]  }
0x18e: {  	s17 =	rddreg [dreg:$0x3];
	s16 =	sshrl.u32 s1, $0x3  }
0x18f: {  	s21 =	simm.s32 $0x0;
	s22 =	simm.s32 $0x2;
	s16 =	sadd.s32 s17, s16  }
0x190: {  	[hbm4b:s16+s21] =	stream.linear.scatter [tilespmem:s12], [sflag:$0x2], $0x40, $0x38;
	[tilespmem:$0x1A980] =	vst v63  }
0x191: {  	_ =	swait.ge [sflag:s22], $0x40  }
0x192: {  	s15 =	rddreg [dreg:$0xe]  }
0x193: {  	s15 =	sadd.s32 $0x1, s15  }
0x194: {  	p0 =	sne.s32 s15, $0x8  }
.Ltmp2:
0x195: {  	_ = 	snop;
	(pc) =	sbr.rel @p0 .LBB2_2-.Ltmp2, $3  }
0x196: {  	_ =	sdelay $0x1  }
0x197: {  	[sflag:s22] =	ssyncset.done $0x0  }
0x198: {  	[sflag:s22] =	ssyncadd.s32 $0xFFFFFFC0  }
0x199: {  	s1 =	rddreg [dreg:$0xd]  }
0x19a: {  	s15 =	rddreg [dreg:$0xc];
	s1 =	sadd.s32 $0x1, s1  }
0x19b: {  	p0 =	sne.s32 s1, s15  }
.Ltmp3:
0x19c: {  	_ = 	snop;
	(pc) =	sbr.rel @p0 .LBB2_1-.Ltmp3, $1  }
0x19d: {  	_ =	sdelay $0x3  }
0x19e: {  	_ =	sfence.sel $0x180000  }
0x19f: {  	[bflag:$0x0] =	sbarrier.arrive $0xFFFF  }
0x1a0: {  	_ =	strace $0x90000047  }
0x1a1: {  	s0 =	stileid.u32;
	[bflag:$0x2] =	sbarrier.arrive $0xFFFF  }
0x1a2: {  	p0 =	sne.s32 s0, $0x0;
	s0 =	rddreg [dreg:$0x4]  }
0x1a3: {  	s0 =	sadd.s32 @!p0 $0x100000, s0  }
0x1a4: {  	[sflag:s0] =	ssyncadd.tile.s32 @!p0 $0x1;
	_ =	shalt  }
.Lfunc_end2:
_tile_overlayer_lowered:
.L_overlay_start_2:
0x1a5: {  	(tag) =	ssettag $0x2  }
0x1a6: {  	s0 =	rddreg [dreg:$0x0];
	s2 =	stileid.u32  }
0x1a7: {  	s1 =	rddreg [dreg:$0x1];
	p0 =	sne.s32 s2, $0x0  }
0x1a8: {  	s3 =	rddreg [dreg:$0x2];
	[bflag:$0x3] =	sbarrier.arrive $0xFFFF;
	s2 =	simm.s32 @!p0 $0x1C02  }
0x1a9: {  	[timem:s3], [sflag:s2] =	dma.local @!p0 [hbm:s0], s1  }
0x1aa: {  	s0 =	simm.s32 @!p0 $0x2  }
0x1ab: {  	_ =	swait.ge @!p0 [sflag:s0], s1  }
0x1ac: {  	s1 =	ssub.s32 @!p0 $0x0, s1;
	[sflag:s0] =	ssyncset.done @!p0 $0x0  }
0x1ad: {  	[sflag:s0] =	ssyncadd.s32 @!p0 s1  }
0x1ae: {  	[bflag:$0x3] =	sbarrier.arrive $0xFFFF  }
0x1af: {  	_ =	shalt  }

</sc_bundles>
